<compile_context>
chip_gen: v7x
topology: tpu7x:2x2x1
jax: 0.10.2.dev20260603
libtpu: 0.0.44.dev20260713+nightly
codegen_flags: <defaults>
</compile_context>

<pallas_src>
import functools

import jax
import jax.numpy as jnp
from jax import lax
from jax.experimental import pallas as pl
from jax.experimental.pallas import tpu as pltpu
from jax.experimental.pallas import tpu_sc as plsc

NC = 2
NS = 16
CH = 125
RB = 2000


def _mesh():
    return plsc.VectorSubcoreMesh(core_axis_name="c", subcore_axis_name="s")


def _row_split(n):
    rpt = (n // NS) // 16 * 16
    rem = n - rpt * NS
    assert rem % 16 == 0
    return rpt, rem


def _sc_degree(dst2, n):
    nch = dst2.shape[0]
    cpt = nch // (NC * NS)
    assert cpt * NC * NS == nch
    rpt, rem = _row_split(n)

    @functools.partial(
        pl.kernel,
        out_type=jax.ShapeDtypeStruct((NC, n, 16), jnp.float32),
        mesh=_mesh(),
        scratch_types=[
            pltpu.VMEM((cpt, CH), jnp.int32),
            pltpu.VMEM((CH, 16), jnp.float32),
            pltpu.VMEM((48, 16), jnp.float32),
            pltpu.VMEM_SHARED((n, 16), jnp.float32),
        ],
    )
    def k(dst_hbm, out_hbm, db, ones_v, zbuf, deg_sh):
        c = lax.axis_index("c")
        s = lax.axis_index("s")
        wid = s * NC + c

        pltpu.sync_copy(dst_hbm.at[pl.ds(wid * cpt, cpt)], db)

        @pl.loop(0, CH)
        def _(i):
            ones_v[i, :] = jnp.ones((16,), jnp.float32)

        assert rpt % 48 == 0 and rem <= 48
        @pl.loop(0, 48)
        def _(i):
            zbuf[i, :] = jnp.zeros((16,), jnp.float32)

        @pl.loop(0, rpt // 48)
        def _(i):
            pltpu.sync_copy(zbuf, deg_sh.at[pl.ds(s * rpt + i * 48, 48)])

        @pl.when(s == NS - 1)
        def _():
            pltpu.sync_copy(zbuf.at[pl.ds(0, rem)],
                            deg_sh.at[pl.ds(n - rem, rem)])

        plsc.subcore_barrier()

        @pl.loop(0, cpt)
        def _(i):
            pltpu.sync_copy(ones_v, deg_sh.at[db.at[i]], add=True)

        plsc.subcore_barrier()
        pltpu.sync_copy(deg_sh.at[pl.ds(s * rpt, rpt)],
                        out_hbm.at[c, pl.ds(s * rpt, rpt)])

        @pl.when(s == NS - 1)
        def _():
            pltpu.sync_copy(deg_sh.at[pl.ds(n - rem, rem)],
                            out_hbm.at[c, pl.ds(n - rem, rem)])

    return k(dst2)


def _sc_aggregate(t, src2, dst2):
    n, f = t.shape
    nch = src2.shape[0]
    assert f == 128
    cpt = nch // (NC * NS)
    assert cpt * NC * NS == nch and cpt % 2 == 0 and cpt % 8 == 0
    rpt, rem = _row_split(n)
    assert rpt % 16 == 0 and rem % 16 == 0

    @functools.partial(
        pl.kernel,
        out_type=jax.ShapeDtypeStruct((NC, n, f), jnp.float32),
        mesh=_mesh(),
        scratch_types=[
            pltpu.VMEM((cpt // 2, CH), jnp.int32),
            pltpu.VMEM((cpt // 2, CH), jnp.int32),
            pltpu.VMEM((CH, f), jnp.float32),
            pltpu.VMEM((CH, f), jnp.float32),
            pltpu.VMEM((48, f), jnp.float32),
            pltpu.VMEM_SHARED((n, f), jnp.float32),
            pltpu.SemaphoreType.DMA,
            pltpu.SemaphoreType.DMA,
        ],
    )
    def k(t_hbm, src_hbm, dst_hbm, out_hbm, sb, db, rows0, rows1, zbuf, z_sh,
          g0, g1):
        c = lax.axis_index("c")
        s = lax.axis_index("s")
        wid = s * NC + c
        hcpt = cpt // 2

        assert rpt % 48 == 0 and rem <= 48
        @pl.loop(0, 48 * (f // 16))
        def _(j):
            zbuf[j // (f // 16), pl.ds((j % (f // 16)) * 16, 16)] = (
                jnp.zeros((16,), jnp.float32))

        @pl.loop(0, rpt // 48)
        def _(i):
            pltpu.sync_copy(zbuf, z_sh.at[pl.ds(s * rpt + i * 48, 48)])

        @pl.when(s == NS - 1)
        def _():
            pltpu.sync_copy(zbuf.at[pl.ds(0, rem)],
                            z_sh.at[pl.ds(n - rem, rem)])

        plsc.subcore_barrier()

        def run_half(h):
            base = wid * cpt + h * hcpt
            pltpu.sync_copy(src_hbm.at[pl.ds(base, hcpt)], sb)
            pltpu.sync_copy(dst_hbm.at[pl.ds(base, hcpt)], db)
            pltpu.async_copy(t_hbm.at[sb.at[0]], rows0, g0)

            @pl.loop(0, hcpt // 2)
            def _(i):
                c0 = i * 2
                pltpu.async_copy(t_hbm.at[sb.at[c0 + 1]], rows1, g1)
                pltpu.make_async_copy(t_hbm.at[sb.at[c0]], rows0, g0).wait()
                pltpu.sync_copy(rows0, z_sh.at[db.at[c0]], add=True)

                @pl.when(c0 + 2 < hcpt)
                def _():
                    pltpu.async_copy(t_hbm.at[sb.at[c0 + 2]], rows0, g0)

                pltpu.make_async_copy(t_hbm.at[sb.at[c0 + 1]], rows1, g1).wait()
                pltpu.sync_copy(rows1, z_sh.at[db.at[c0 + 1]], add=True)

        run_half(0)
        run_half(1)

        plsc.subcore_barrier()
        pltpu.sync_copy(z_sh.at[pl.ds(s * rpt, rpt)],
                        out_hbm.at[c, pl.ds(s * rpt, rpt)])

        @pl.when(s == NS - 1)
        def _():
            pltpu.sync_copy(z_sh.at[pl.ds(n - rem, rem)],
                            out_hbm.at[c, pl.ds(n - rem, rem)])

    return k(t, src2, dst2)


def _row_grid(n):
    assert n % RB == 0
    return n // RB


def _tc_first(deg_p, x, w):
    n, f = x.shape
    fo = w.shape[1]

    def body(da_ref, db_ref, x_ref, w_ref, t_ref, dv_ref):
        deg = da_ref[0, :, :1] + db_ref[0, :, :1] + 1.0
        dv = lax.rsqrt(deg)
        dv_ref[...] = dv
        t_ref[...] = dv * jnp.dot(x_ref[...], w_ref[...],
                                  preferred_element_type=jnp.float32)

    return pl.pallas_call(
        body,
        grid=(_row_grid(n),),
        in_specs=[
            pl.BlockSpec((1, RB, 16), lambda i: (0, i, 0)),
            pl.BlockSpec((1, RB, 16), lambda i: (1, i, 0)),
            pl.BlockSpec((RB, f), lambda i: (i, 0)),
            pl.BlockSpec((f, fo), lambda i: (0, 0)),
        ],
        out_specs=[
            pl.BlockSpec((RB, fo), lambda i: (i, 0)),
            pl.BlockSpec((RB, 1), lambda i: (i, 0)),
        ],
        out_shape=[
            jax.ShapeDtypeStruct((n, fo), jnp.float32),
            jax.ShapeDtypeStruct((n, 1), jnp.float32),
        ],
    )(deg_p, deg_p, x, w)


def _tc_layer(z_p, t, dinv, b, w):
    n, f = t.shape
    fo = w.shape[1]

    def body(za_ref, zb_ref, t_ref, dv_ref, b_ref, w_ref, o_ref):
        u = dv_ref[...] * (za_ref[0] + zb_ref[0] + t_ref[...]) + b_ref[...]
        h = jnp.maximum(u, 0.0)
        o_ref[...] = dv_ref[...] * jnp.dot(h, w_ref[...],
                                           preferred_element_type=jnp.float32)

    return pl.pallas_call(
        body,
        grid=(_row_grid(n),),
        in_specs=[
            pl.BlockSpec((1, RB, f), lambda i: (0, i, 0)),
            pl.BlockSpec((1, RB, f), lambda i: (1, i, 0)),
            pl.BlockSpec((RB, f), lambda i: (i, 0)),
            pl.BlockSpec((RB, 1), lambda i: (i, 0)),
            pl.BlockSpec((1, f), lambda i: (0, 0)),
            pl.BlockSpec((f, fo), lambda i: (0, 0)),
        ],
        out_specs=pl.BlockSpec((RB, fo), lambda i: (i, 0)),
        out_shape=jax.ShapeDtypeStruct((n, fo), jnp.float32),
    )(z_p, z_p, t, dinv, b.reshape(1, f), w)


def _tc_elem(z_p, t, dinv, b):
    n, f = t.shape

    def body(za_ref, zb_ref, t_ref, dv_ref, b_ref, o_ref):
        u = dv_ref[...] * (za_ref[0] + zb_ref[0] + t_ref[...]) + b_ref[...]
        o_ref[...] = dv_ref[...] * jnp.maximum(u, 0.0)

    return pl.pallas_call(
        body,
        grid=(_row_grid(n),),
        in_specs=[
            pl.BlockSpec((1, RB, f), lambda i: (0, i, 0)),
            pl.BlockSpec((1, RB, f), lambda i: (1, i, 0)),
            pl.BlockSpec((RB, f), lambda i: (i, 0)),
            pl.BlockSpec((RB, 1), lambda i: (i, 0)),
            pl.BlockSpec((1, f), lambda i: (0, 0)),
        ],
        out_specs=pl.BlockSpec((RB, f), lambda i: (i, 0)),
        out_shape=jax.ShapeDtypeStruct((n, f), jnp.float32),
    )(z_p, z_p, t, dinv, b.reshape(1, f))


def _tc_final(z_p, t, dinv, w3, wc, b3, bc):
    n, f = t.shape
    m = w3.shape[1]
    fo = wc.shape[1]

    def body(za_ref, zb_ref, t_ref, dv_ref, w3_ref, wc_ref, b3_ref, bc_ref,
             o_ref):
        w4 = jnp.dot(w3_ref[...], wc_ref[...],
                     preferred_element_type=jnp.float32)
        b4 = jnp.dot(b3_ref[...], wc_ref[...],
                     preferred_element_type=jnp.float32) + bc_ref[...]
        g = dv_ref[...] * (za_ref[0] + zb_ref[0] + t_ref[...])
        o_ref[...] = jnp.dot(g, w4,
                             preferred_element_type=jnp.float32) + b4

    return pl.pallas_call(
        body,
        grid=(_row_grid(n),),
        in_specs=[
            pl.BlockSpec((1, RB, f), lambda i: (0, i, 0)),
            pl.BlockSpec((1, RB, f), lambda i: (1, i, 0)),
            pl.BlockSpec((RB, f), lambda i: (i, 0)),
            pl.BlockSpec((RB, 1), lambda i: (i, 0)),
            pl.BlockSpec((f, m), lambda i: (0, 0)),
            pl.BlockSpec((m, fo), lambda i: (0, 0)),
            pl.BlockSpec((1, m), lambda i: (0, 0)),
            pl.BlockSpec((1, fo), lambda i: (0, 0)),
        ],
        out_specs=pl.BlockSpec((RB, fo), lambda i: (i, 0)),
        out_shape=jax.ShapeDtypeStruct((n, fo), jnp.float32),
    )(z_p, z_p, t, dinv, w3, wc, b3.reshape(1, m), bc.reshape(1, fo))


def kernel(x, edge_index, W1, b1, W2, b2, W3, b3, Wc, bc):
    n = x.shape[0]
    e = edge_index.shape[1]
    assert e % CH == 0
    src2 = edge_index[0].reshape(e // CH, CH)
    dst2 = edge_index[1].reshape(e // CH, CH)

    deg_p = _sc_degree(dst2, n)
    t1, dinv = _tc_first(deg_p, x, W1)

    z1 = _sc_aggregate(t1, src2, dst2)
    t2 = _tc_layer(z1, t1, dinv, b1, W2)

    z2 = _sc_aggregate(t2, src2, dst2)
    t3 = _tc_elem(z2, t2, dinv, b2)

    z3 = _sc_aggregate(t3, src2, dst2)
    return _tc_final(z3, t3, dinv, W3, Wc, b3, bc)

# --- scband reference (transcript-rebuilt; emitter-appended) ---
"""Pipeline reference for scband-gcnnet-28046136443435 (READ-ONLY COPY).

The authoritative reference and input builder live on the scoring server;
editing this copy changes nothing except your own understanding.
"""

import jax, jax.numpy as jnp
import numpy as np

N = 10000
E = 320000
F_IN = 128
NUM_CLASSES = 64


def gcn_conv(x, edge_index, W, b):
    n = x.shape[0]
    x = x @ W
    loop = jnp.arange(n, dtype=edge_index.dtype)
    src = jnp.concatenate([edge_index[0], loop])
    dst = jnp.concatenate([edge_index[1], loop])
    deg = jnp.zeros((n,), dtype=x.dtype).at[dst].add(1.0)
    dinv = jnp.where(deg > 0, jax.lax.rsqrt(deg), 0.0)
    norm = dinv[src] * dinv[dst]
    msgs = x[src] * norm[:, None]
    out = jnp.zeros((n, x.shape[1]), dtype=x.dtype).at[dst].add(msgs)
    return out + b


def _glorot(key, fan_in, fan_out):
    scale = jnp.sqrt(2.0 / (fan_in + fan_out))
    return jax.random.normal(key, (fan_in, fan_out), dtype=jnp.float32) * scale


def setup_inputs(seed: int = 0):
    key = jax.random.key(seed)
    ks = jax.random.split(key, 8)
    x = jax.random.normal(ks[0], (N, F_IN), dtype=jnp.float32)
    edge_index = jax.random.randint(ks[1], (2, E), 0, N, dtype=jnp.int32)
    W1 = _glorot(ks[2], F_IN, 128)
    b1 = jnp.zeros((128,), dtype=jnp.float32)
    W2 = _glorot(ks[3], 128, 128)
    b2 = jnp.zeros((128,), dtype=jnp.float32)
    W3 = _glorot(ks[4], 128, 256)
    b3 = jnp.zeros((256,), dtype=jnp.float32)
    Wc = _glorot(ks[5], 256, NUM_CLASSES)
    bc = jnp.zeros((NUM_CLASSES,), dtype=jnp.float32)
    return {"x": x, "edge_index": edge_index, "W1": W1, "b1": b1, "W2": W2, "b2": b2, "W3": W3, "b3": b3, "Wc": Wc, "bc": bc}


def reference(x, edge_index, W1, b1, W2, b2, W3, b3, Wc, bc):
    # GCNNet.forward (eval mode: dropout is identity)
    h = jax.nn.relu(gcn_conv(x, edge_index, W1, b1))
    h = jax.nn.relu(gcn_conv(h, edge_index, W2, b2))
    h = gcn_conv(h, edge_index, W3, b3)
    return h @ Wc + bc

if __name__ == "__main__":
    import jax
    _d = setup_inputs()
    print(jax.jit(kernel)(*tuple(_d.values())))

</pallas_src>

<mosaic_0001>
#map = affine_map<(d0, d1) -> (0, 0)>
#map1 = affine_map<(d0, d1) -> (0, 0, 0)>
module attributes {stable_mosaic.version = 14 : i64} {
  func.func @k(%arg0: i32, %arg1: i32, %arg2: memref<10000x128xf32, #tpu.memory_space<hbm>>, %arg3: memref<2560x125xi32, #tpu.memory_space<hbm>>, %arg4: memref<2560x125xi32, #tpu.memory_space<hbm>>, %arg5: memref<2x10000x128xf32, #tpu.memory_space<hbm>>, %arg6: memref<40x125xi32, #tpu.memory_space<vmem>>, %arg7: memref<40x125xi32, #tpu.memory_space<vmem>>, %arg8: memref<125x128xf32, #tpu.memory_space<vmem>>, %arg9: memref<125x128xf32, #tpu.memory_space<vmem>>, %arg10: memref<48x128xf32, #tpu.memory_space<vmem>>, %arg11: memref<10000x128xf32, #tpu.memory_space<vmem_shared>>, %arg12: memref<!tpu.dma_semaphore, #tpu.memory_space<semaphore_mem>>, %arg13: memref<!tpu.dma_semaphore, #tpu.memory_space<semaphore_mem>>) attributes {dimension_semantics = [#tpu.dimension_semantics<core_parallel>, #tpu.dimension_semantics<subcore_parallel>], iteration_bounds = array<i64: 2, 16>, scalar_prefetch = 0 : i64, scratch_operands = 8 : i64, tpu.core_type = #tpu.core_type<sc_vector_subcore>, window_params = [{transform_indices = #map}, {transform_indices = #map}, {transform_indices = #map}, {transform_indices = #map1}]} {
    %mul3A = arith.constant 2 : i32
    %mul3A_0 = arith.muli %arg1, %mul3A : i32
    %add3A = arith.addi %mul3A_0, %arg0 : i32
    %scan3A = arith.constant 0 : i32
    %scan3A_1 = arith.constant 384 : i32
    %scan3A_2 = arith.addi %scan3A, %scan3A_1 : i32
    %scan3A_3 = arith.constant 1 : i32
    scf.for %scan3A_53 = %scan3A to %scan3A_2 step %scan3A_3  : i32 {
      %mul3A_54 = arith.constant 1 : i32
      %mul3A_55 = arith.muli %scan3A_53, %mul3A_54 : i32
      %add3A_56 = arith.constant 0 : i32
      %add3A_57 = arith.addi %add3A_56, %mul3A_55 : i32
      %broadcast_in_dim3A = arith.constant 0.000000e+00 : f32
      %broadcast_in_dim3A_58 = vector.broadcast %broadcast_in_dim3A : f32 to vector<16xf32>
      %jit3A = arith.constant 8 : i32
      %div3A = arith.divsi %add3A_57, %jit3A : i32
      %sign3A = arith.constant 0 : i32
      %sign3A_59 = arith.cmpi sgt, %add3A_57, %sign3A : i32
      %sign3A_60 = arith.extui %sign3A_59 : i1 to i32
      %sign3A_61 = arith.constant 0 : i32
      %sign3A_62 = arith.cmpi slt, %add3A_57, %sign3A_61 : i32
      %sign3A_63 = arith.extui %sign3A_62 : i1 to i32
      %sign3A_64 = arith.subi %sign3A_60, %sign3A_63 : i32
      %sign3A_65 = arith.constant 0 : i32
      %sign3A_66 = arith.cmpi sgt, %jit3A, %sign3A_65 : i32
      %sign3A_67 = arith.extui %sign3A_66 : i1 to i32
      %sign3A_68 = arith.constant 0 : i32
      %sign3A_69 = arith.cmpi slt, %jit3A, %sign3A_68 : i32
      %sign3A_70 = arith.extui %sign3A_69 : i1 to i32
      %sign3A_71 = arith.subi %sign3A_67, %sign3A_70 : i32
      %ne3A = arith.cmpi ne, %sign3A_64, %sign3A_71 : i32
      %rem3A = arith.remsi %add3A_57, %jit3A : i32
      %ne3A_72 = arith.constant 0 : i32
      %ne3A_73 = arith.cmpi ne, %rem3A, %ne3A_72 : i32
      %and3A = arith.andi %ne3A, %ne3A_73 : i1
      %sub3A = arith.constant 1 : i32
      %sub3A_74 = arith.subi %div3A, %sub3A : i32
      %select_n3A = arith.select %and3A, %sub3A_74, %div3A : i32
      %jit3A_75 = arith.constant 8 : i32
      %eq3A_76 = arith.constant 0 : i32
      %eq3A_77 = arith.cmpi eq, %jit3A_75, %eq3A_76 : i32
      %jit3A_78 = arith.constant 1 : i32
      %select_n3A_79 = arith.select %eq3A_77, %jit3A_78, %jit3A_75 : i32
      %rem3A_80 = arith.remsi %add3A_57, %select_n3A_79 : i32
      %ne3A_81 = arith.constant 0 : i32
      %ne3A_82 = arith.cmpi ne, %rem3A_80, %ne3A_81 : i32
      %lt3A = arith.constant 0 : i32
      %lt3A_83 = arith.cmpi slt, %rem3A_80, %lt3A : i32
      %lt3A_84 = arith.constant 0 : i32
      %lt3A_85 = arith.cmpi slt, %select_n3A_79, %lt3A_84 : i32
      %ne3A_86 = arith.xori %lt3A_83, %lt3A_85 : i1
      %and3A_87 = arith.andi %ne3A_86, %ne3A_82 : i1
      %add3A_88 = arith.addi %rem3A_80, %select_n3A_79 : i32
      %select_n3A_89 = arith.select %and3A_87, %add3A_88, %rem3A_80 : i32
      %mul3A_90 = arith.constant 16 : i32
      %mul3A_91 = arith.muli %select_n3A_89, %mul3A_90 : i32
      %swap3A = arith.index_cast %select_n3A : i32 to index
      %swap3A_92 = arith.index_cast %mul3A_91 : i32 to index
      %swap3A_93 = tpu.vector_load %arg10[%swap3A, %swap3A_92] {strides = array<i32>} : memref<48x128xf32, #tpu.memory_space<vmem>>, vector<1x16xf32>,
      %swap3A_94 = vector.shape_cast %swap3A_93 : vector<1x16xf32> to vector<16xf32>
      %swap3A_95 = vector.shape_cast %broadcast_in_dim3A_58 : vector<16xf32> to vector<1x16xf32>
      tpu.vector_store %arg10[%swap3A, %swap3A_92], %swap3A_95 {strides = array<i32>} : memref<48x128xf32, #tpu.memory_space<vmem>>, vector<1x16xf32>,
    }
    %scan3A_4 = arith.constant 384 : i32
    %scan3A_5 = arith.constant 0 : i32
    %scan3A_6 = arith.constant 13 : i32
    %scan3A_7 = arith.addi %scan3A_5, %scan3A_6 : i32
    %scan3A_8 = arith.constant 1 : i32
    scf.for %scan3A_53 = %scan3A_5 to %scan3A_7 step %scan3A_8  : i32 {
      %mul3A_54 = arith.constant 1 : i32
      %mul3A_55 = arith.muli %scan3A_53, %mul3A_54 : i32
      %add3A_56 = arith.constant 0 : i32
      %add3A_57 = arith.addi %add3A_56, %mul3A_55 : i32
      %mul3A_58 = arith.constant 624 : i32
      %mul3A_59 = arith.muli %arg1, %mul3A_58 : i32
      %mul3A_60 = arith.constant 48 : i32
      %mul3A_61 = arith.muli %add3A_57, %mul3A_60 : i32
      %add3A_62 = arith.addi %mul3A_59, %mul3A_61 : i32
      "tpu.region"() ({
        %run_scoped3A = tpu.sem_alloc : memref<!tpu.dma_semaphore, #tpu.memory_space<semaphore_mem>>
        %dma_start3A_63 = arith.constant 0 : i32
        %dma_start3A_64 = tpu.memref_slice %arg11[%add3A_62, %dma_start3A_63] : memref<10000x128xf32, #tpu.memory_space<vmem_shared>> -> memref<48x128xf32, #tpu.memory_space<vmem_shared>>
        %dma_start3A_65 = arith.constant 0 : i32
        %dma_start3A_66 = tpu.memref_slice %arg11[%add3A_62, %dma_start3A_65] : memref<10000x128xf32, #tpu.memory_space<vmem_shared>> -> memref<48x128xf32, #tpu.memory_space<vmem_shared>>
        tpu.enqueue_dma source(%arg10 : memref<48x128xf32, #tpu.memory_space<vmem>>) target(%dma_start3A_66 : memref<48x128xf32, #tpu.memory_space<vmem_shared>>) target_semaphore(%run_scoped3A : memref<!tpu.dma_semaphore, #tpu.memory_space<semaphore_mem>>)
        %dma_wait3A = arith.constant 0 : i32
        %dma_wait3A_67 = tpu.memref_slice %arg11[%add3A_62, %dma_wait3A] : memref<10000x128xf32, #tpu.memory_space<vmem_shared>> -> memref<48x128xf32, #tpu.memory_space<vmem_shared>>
        %dma_wait3A_68 = arith.constant 0 : i32
        %dma_wait3A_69 = tpu.memref_slice %arg11[%add3A_62, %dma_wait3A_68] : memref<10000x128xf32, #tpu.memory_space<vmem_shared>> -> memref<48x128xf32, #tpu.memory_space<vmem_shared>>
        tpu.wait_dma2 semaphore(%run_scoped3A : memref<!tpu.dma_semaphore, #tpu.memory_space<semaphore_mem>>) src(%arg10 : memref<48x128xf32, #tpu.memory_space<vmem>>) dst(%dma_wait3A_69 : memref<48x128xf32, #tpu.memory_space<vmem_shared>>)
        tpu.yield
      }) : () -> ()
    }
    %scan3A_9 = arith.constant 13 : i32
    %eq3A = arith.constant 15 : i32
    %eq3A_10 = arith.cmpi eq, %arg1, %eq3A : i32
    %convert_element_type3A = arith.extui %eq3A_10 : i1 to i32
    %cond3A = arith.constant 0 : i32
    %cond3A_11 = arith.cmpi ne, %convert_element_type3A, %cond3A : i32
    scf.if %cond3A_11 {
      "tpu.region"() ({
        %run_scoped3A = tpu.sem_alloc : memref<!tpu.dma_semaphore, #tpu.memory_space<semaphore_mem>>
        %dma_start3A_53 = arith.constant 0 : i32
        %dma_start3A_54 = arith.constant 0 : i32
        %dma_start3A_55 = tpu.memref_slice %arg10[%dma_start3A_53, %dma_start3A_54] : memref<48x128xf32, #tpu.memory_space<vmem>> -> memref<16x128xf32, #tpu.memory_space<vmem>>
        %dma_start3A_56 = arith.constant 9984 : i32
        %dma_start3A_57 = arith.constant 0 : i32
        %dma_start3A_58 = tpu.memref_slice %arg11[%dma_start3A_56, %dma_start3A_57] : memref<10000x128xf32, #tpu.memory_space<vmem_shared>> -> memref<16x128xf32, #tpu.memory_space<vmem_shared>>
        %dma_start3A_59 = arith.constant 9984 : i32
        %dma_start3A_60 = arith.constant 0 : i32
        %dma_start3A_61 = tpu.memref_slice %arg11[%dma_start3A_59, %dma_start3A_60] : memref<10000x128xf32, #tpu.memory_space<vmem_shared>> -> memref<16x128xf32, #tpu.memory_space<vmem_shared>>
        %dma_start3A_62 = arith.constant 0 : i32
        %dma_start3A_63 = arith.constant 0 : i32
        %dma_start3A_64 = tpu.memref_slice %arg10[%dma_start3A_62, %dma_start3A_63] : memref<48x128xf32, #tpu.memory_space<vmem>> -> memref<16x128xf32, #tpu.memory_space<vmem>>
        tpu.enqueue_dma source(%dma_start3A_64 : memref<16x128xf32, #tpu.memory_space<vmem>>) target(%dma_start3A_61 : memref<16x128xf32, #tpu.memory_space<vmem_shared>>) target_semaphore(%run_scoped3A : memref<!tpu.dma_semaphore, #tpu.memory_space<semaphore_mem>>)
        %dma_wait3A = arith.constant 0 : i32
        %dma_wait3A_65 = arith.constant 0 : i32
        %dma_wait3A_66 = tpu.memref_slice %arg10[%dma_wait3A, %dma_wait3A_65] : memref<48x128xf32, #tpu.memory_space<vmem>> -> memref<16x128xf32, #tpu.memory_space<vmem>>
        %dma_wait3A_67 = arith.constant 9984 : i32
        %dma_wait3A_68 = arith.constant 0 : i32
        %dma_wait3A_69 = tpu.memref_slice %arg11[%dma_wait3A_67, %dma_wait3A_68] : memref<10000x128xf32, #tpu.memory_space<vmem_shared>> -> memref<16x128xf32, #tpu.memory_space<vmem_shared>>
        %dma_wait3A_70 = arith.constant 9984 : i32
        %dma_wait3A_71 = arith.constant 0 : i32
        %dma_wait3A_72 = tpu.memref_slice %arg11[%dma_wait3A_70, %dma_wait3A_71] : memref<10000x128xf32, #tpu.memory_space<vmem_shared>> -> memref<16x128xf32, #tpu.memory_space<vmem_shared>>
        %dma_wait3A_73 = arith.constant 0 : i32
        %dma_wait3A_74 = arith.constant 0 : i32
        %dma_wait3A_75 = tpu.memref_slice %arg10[%dma_wait3A_73, %dma_wait3A_74] : memref<48x128xf32, #tpu.memory_space<vmem>> -> memref<16x128xf32, #tpu.memory_space<vmem>>
        tpu.wait_dma2 semaphore(%run_scoped3A : memref<!tpu.dma_semaphore, #tpu.memory_space<semaphore_mem>>) src(%dma_wait3A_75 : memref<16x128xf32, #tpu.memory_space<vmem>>) dst(%dma_wait3A_72 : memref<16x128xf32, #tpu.memory_space<vmem_shared>>)
        tpu.yield
      }) : () -> ()
    } else {
    }
    %barrier3A = arith.constant 0 : index
    tpu.barrier barrier_id(%barrier3A)
    %mul3A_12 = arith.constant 80 : i32
    %mul3A_13 = arith.muli %add3A, %mul3A_12 : i32
    %add3A_14 = arith.constant 0 : i32
    %add3A_15 = arith.addi %mul3A_13, %add3A_14 : i32
    "tpu.region"() ({
      %run_scoped3A = tpu.sem_alloc : memref<!tpu.dma_semaphore, #tpu.memory_space<semaphore_mem>>
      %dma_start3A_53 = arith.constant 0 : i32
      %dma_start3A_54 = tpu.memref_slice %arg3[%add3A_15, %dma_start3A_53] : memref<2560x125xi32, #tpu.memory_space<hbm>> -> memref<40x125xi32, #tpu.memory_space<hbm>>
      %dma_start3A_55 = arith.constant 0 : i32
      %dma_start3A_56 = tpu.memref_slice %arg3[%add3A_15, %dma_start3A_55] : memref<2560x125xi32, #tpu.memory_space<hbm>> -> memref<40x125xi32, #tpu.memory_space<hbm>>
      tpu.enqueue_dma source(%dma_start3A_56 : memref<40x125xi32, #tpu.memory_space<hbm>>) target(%arg6 : memref<40x125xi32, #tpu.memory_space<vmem>>) target_semaphore(%run_scoped3A : memref<!tpu.dma_semaphore, #tpu.memory_space<semaphore_mem>>)
      %dma_wait3A = arith.constant 0 : i32
      %dma_wait3A_57 = tpu.memref_slice %arg3[%add3A_15, %dma_wait3A] : memref<2560x125xi32, #tpu.memory_space<hbm>> -> memref<40x125xi32, #tpu.memory_space<hbm>>
      %dma_wait3A_58 = arith.constant 0 : i32
      %dma_wait3A_59 = tpu.memref_slice %arg3[%add3A_15, %dma_wait3A_58] : memref<2560x125xi32, #tpu.memory_space<hbm>> -> memref<40x125xi32, #tpu.memory_space<hbm>>
      tpu.wait_dma2 semaphore(%run_scoped3A : memref<!tpu.dma_semaphore, #tpu.memory_space<semaphore_mem>>) src(%dma_wait3A_59 : memref<40x125xi32, #tpu.memory_space<hbm>>) dst(%arg6 : memref<40x125xi32, #tpu.memory_space<vmem>>)
      tpu.yield
    }) : () -> ()
    "tpu.region"() ({
      %run_scoped3A = tpu.sem_alloc : memref<!tpu.dma_semaphore, #tpu.memory_space<semaphore_mem>>
      %dma_start3A_53 = arith.constant 0 : i32
      %dma_start3A_54 = tpu.memref_slice %arg4[%add3A_15, %dma_start3A_53] : memref<2560x125xi32, #tpu.memory_space<hbm>> -> memref<40x125xi32, #tpu.memory_space<hbm>>
      %dma_start3A_55 = arith.constant 0 : i32
      %dma_start3A_56 = tpu.memref_slice %arg4[%add3A_15, %dma_start3A_55] : memref<2560x125xi32, #tpu.memory_space<hbm>> -> memref<40x125xi32, #tpu.memory_space<hbm>>
      tpu.enqueue_dma source(%dma_start3A_56 : memref<40x125xi32, #tpu.memory_space<hbm>>) target(%arg7 : memref<40x125xi32, #tpu.memory_space<vmem>>) target_semaphore(%run_scoped3A : memref<!tpu.dma_semaphore, #tpu.memory_space<semaphore_mem>>)
      %dma_wait3A = arith.constant 0 : i32
      %dma_wait3A_57 = tpu.memref_slice %arg4[%add3A_15, %dma_wait3A] : memref<2560x125xi32, #tpu.memory_space<hbm>> -> memref<40x125xi32, #tpu.memory_space<hbm>>
      %dma_wait3A_58 = arith.constant 0 : i32
      %dma_wait3A_59 = tpu.memref_slice %arg4[%add3A_15, %dma_wait3A_58] : memref<2560x125xi32, #tpu.memory_space<hbm>> -> memref<40x125xi32, #tpu.memory_space<hbm>>
      tpu.wait_dma2 semaphore(%run_scoped3A : memref<!tpu.dma_semaphore, #tpu.memory_space<semaphore_mem>>) src(%dma_wait3A_59 : memref<40x125xi32, #tpu.memory_space<hbm>>) dst(%arg7 : memref<40x125xi32, #tpu.memory_space<vmem>>)
      tpu.yield
    }) : () -> ()
    %dma_start3A = arith.constant 0 : i32
    %dma_start3A_16 = arith.constant 0 : i32
    %dma_start3A_17 = tpu.memref_slice %arg6[%dma_start3A, %dma_start3A_16] : memref<40x125xi32, #tpu.memory_space<vmem>> -> memref<1x125xi32, #tpu.memory_space<vmem>>
    %dma_start3A_18 = tpu.memref_squeeze %dma_start3A_17 : memref<1x125xi32, #tpu.memory_space<vmem>> -> memref<125xi32, #tpu.memory_space<vmem>>
    %dma_start3A_19 = arith.constant 0 : i32
    %dma_start3A_20 = arith.constant 0 : i32
    %dma_start3A_21 = tpu.memref_slice %arg2[%dma_start3A_19, %dma_start3A_20] : memref<10000x128xf32, #tpu.memory_space<hbm>> -> memref<10000x128xf32, #tpu.memory_space<hbm>>
    tpu.enqueue_indirect_dma source(%dma_start3A_21 : memref<10000x128xf32, #tpu.memory_space<hbm>>) target(%arg8 : memref<125x128xf32, #tpu.memory_space<vmem>>) offsets(%dma_start3A_18 : memref<125xi32, #tpu.memory_space<vmem>>) semaphore(%arg12 : memref<!tpu.dma_semaphore, #tpu.memory_space<semaphore_mem>>)
    %scan3A_22 = arith.constant 0 : i32
    %scan3A_23 = arith.constant 20 : i32
    %scan3A_24 = arith.addi %scan3A_22, %scan3A_23 : i32
    %scan3A_25 = arith.constant 1 : i32
    scf.for %scan3A_53 = %scan3A_22 to %scan3A_24 step %scan3A_25  : i32 {
      %mul3A_54 = arith.constant 1 : i32
      %mul3A_55 = arith.muli %scan3A_53, %mul3A_54 : i32
      %add3A_56 = arith.constant 0 : i32
      %add3A_57 = arith.addi %add3A_56, %mul3A_55 : i32
      %mul3A_58 = arith.constant 2 : i32
      %mul3A_59 = arith.muli %add3A_57, %mul3A_58 : i32
      %add3A_60 = arith.constant 1 : i32
      %add3A_61 = arith.addi %mul3A_59, %add3A_60 : i32
      %dma_start3A_62 = arith.constant 0 : i32
      %dma_start3A_63 = tpu.memref_slice %arg6[%add3A_61, %dma_start3A_62] : memref<40x125xi32, #tpu.memory_space<vmem>> -> memref<1x125xi32, #tpu.memory_space<vmem>>
      %dma_start3A_64 = tpu.memref_squeeze %dma_start3A_63 : memref<1x125xi32, #tpu.memory_space<vmem>> -> memref<125xi32, #tpu.memory_space<vmem>>
      %dma_start3A_65 = arith.constant 0 : i32
      %dma_start3A_66 = arith.constant 0 : i32
      %dma_start3A_67 = tpu.memref_slice %arg2[%dma_start3A_65, %dma_start3A_66] : memref<10000x128xf32, #tpu.memory_space<hbm>> -> memref<10000x128xf32, #tpu.memory_space<hbm>>
      tpu.enqueue_indirect_dma source(%dma_start3A_67 : memref<10000x128xf32, #tpu.memory_space<hbm>>) target(%arg9 : memref<125x128xf32, #tpu.memory_space<vmem>>) offsets(%dma_start3A_64 : memref<125xi32, #tpu.memory_space<vmem>>) semaphore(%arg13 : memref<!tpu.dma_semaphore, #tpu.memory_space<semaphore_mem>>)
      %dma_wait3A = arith.constant 0 : i32
      %dma_wait3A_68 = tpu.memref_slice %arg6[%mul3A_59, %dma_wait3A] : memref<40x125xi32, #tpu.memory_space<vmem>> -> memref<1x125xi32, #tpu.memory_space<vmem>>
      %dma_wait3A_69 = tpu.memref_squeeze %dma_wait3A_68 : memref<1x125xi32, #tpu.memory_space<vmem>> -> memref<125xi32, #tpu.memory_space<vmem>>
      %dma_wait3A_70 = arith.constant 0 : i32
      %dma_wait3A_71 = arith.constant 0 : i32
      %dma_wait3A_72 = tpu.memref_slice %arg2[%dma_wait3A_70, %dma_wait3A_71] : memref<10000x128xf32, #tpu.memory_space<hbm>> -> memref<10000x128xf32, #tpu.memory_space<hbm>>
      tpu.wait_indirect_dma semaphore(%arg12 : memref<!tpu.dma_semaphore, #tpu.memory_space<semaphore_mem>>) src(%dma_wait3A_72 : memref<10000x128xf32, #tpu.memory_space<hbm>>) dst(%arg8 : memref<125x128xf32, #tpu.memory_space<vmem>>)
      "tpu.region"() ({
        %run_scoped3A = tpu.sem_alloc : memref<!tpu.dma_semaphore, #tpu.memory_space<semaphore_mem>>
        %dma_start3A_89 = arith.constant 0 : i32
        %dma_start3A_90 = tpu.memref_slice %arg7[%mul3A_59, %dma_start3A_89] : memref<40x125xi32, #tpu.memory_space<vmem>> -> memref<1x125xi32, #tpu.memory_space<vmem>>
        %dma_start3A_91 = tpu.memref_squeeze %dma_start3A_90 : memref<1x125xi32, #tpu.memory_space<vmem>> -> memref<125xi32, #tpu.memory_space<vmem>>
        %dma_start3A_92 = arith.constant 0 : i32
        %dma_start3A_93 = arith.constant 0 : i32
        %dma_start3A_94 = tpu.memref_slice %arg11[%dma_start3A_92, %dma_start3A_93] : memref<10000x128xf32, #tpu.memory_space<vmem_shared>> -> memref<10000x128xf32, #tpu.memory_space<vmem_shared>>
        tpu.enqueue_indirect_dma source(%arg8 : memref<125x128xf32, #tpu.memory_space<vmem>>) target(%dma_start3A_94 : memref<10000x128xf32, #tpu.memory_space<vmem_shared>>) offsets(%dma_start3A_91 : memref<125xi32, #tpu.memory_space<vmem>>) semaphore(%run_scoped3A : memref<!tpu.dma_semaphore, #tpu.memory_space<semaphore_mem>>) {add = true}
        %dma_wait3A_95 = arith.constant 0 : i32
        %dma_wait3A_96 = tpu.memref_slice %arg7[%mul3A_59, %dma_wait3A_95] : memref<40x125xi32, #tpu.memory_space<vmem>> -> memref<1x125xi32, #tpu.memory_space<vmem>>
        %dma_wait3A_97 = tpu.memref_squeeze %dma_wait3A_96 : memref<1x125xi32, #tpu.memory_space<vmem>> -> memref<125xi32, #tpu.memory_space<vmem>>
        %dma_wait3A_98 = arith.constant 0 : i32
        %dma_wait3A_99 = arith.constant 0 : i32
        %dma_wait3A_100 = tpu.memref_slice %arg11[%dma_wait3A_98, %dma_wait3A_99] : memref<10000x128xf32, #tpu.memory_space<vmem_shared>> -> memref<10000x128xf32, #tpu.memory_space<vmem_shared>>
        tpu.wait_indirect_dma semaphore(%run_scoped3A : memref<!tpu.dma_semaphore, #tpu.memory_space<semaphore_mem>>) src(%arg8 : memref<125x128xf32, #tpu.memory_space<vmem>>) dst(%dma_wait3A_100 : memref<10000x128xf32, #tpu.memory_space<vmem_shared>>)
        tpu.yield
      }) : () -> ()
      %add3A_73 = arith.constant 2 : i32
      %add3A_74 = arith.addi %mul3A_59, %add3A_73 : i32
      %lt3A = arith.constant 40 : i32
      %lt3A_75 = arith.cmpi slt, %add3A_74, %lt3A : i32
      %convert_element_type3A_76 = arith.extui %lt3A_75 : i1 to i32
      %cond3A_77 = arith.constant 0 : i32
      %cond3A_78 = arith.cmpi ne, %convert_element_type3A_76, %cond3A_77 : i32
      scf.if %cond3A_78 {
        %add3A_89 = arith.constant 2 : i32
        %add3A_90 = arith.addi %mul3A_59, %add3A_89 : i32
        %dma_start3A_91 = arith.constant 0 : i32
        %dma_start3A_92 = tpu.memref_slice %arg6[%add3A_90, %dma_start3A_91] : memref<40x125xi32, #tpu.memory_space<vmem>> -> memref<1x125xi32, #tpu.memory_space<vmem>>
        %dma_start3A_93 = tpu.memref_squeeze %dma_start3A_92 : memref<1x125xi32, #tpu.memory_space<vmem>> -> memref<125xi32, #tpu.memory_space<vmem>>
        %dma_start3A_94 = arith.constant 0 : i32
        %dma_start3A_95 = arith.constant 0 : i32
        %dma_start3A_96 = tpu.memref_slice %arg2[%dma_start3A_94, %dma_start3A_95] : memref<10000x128xf32, #tpu.memory_space<hbm>> -> memref<10000x128xf32, #tpu.memory_space<hbm>>
        tpu.enqueue_indirect_dma source(%dma_start3A_96 : memref<10000x128xf32, #tpu.memory_space<hbm>>) target(%arg8 : memref<125x128xf32, #tpu.memory_space<vmem>>) offsets(%dma_start3A_93 : memref<125xi32, #tpu.memory_space<vmem>>) semaphore(%arg12 : memref<!tpu.dma_semaphore, #tpu.memory_space<semaphore_mem>>)
      } else {
      }
      %add3A_79 = arith.constant 1 : i32
      %add3A_80 = arith.addi %mul3A_59, %add3A_79 : i32
      %dma_wait3A_81 = arith.constant 0 : i32
      %dma_wait3A_82 = tpu.memref_slice %arg6[%add3A_80, %dma_wait3A_81] : memref<40x125xi32, #tpu.memory_space<vmem>> -> memref<1x125xi32, #tpu.memory_space<vmem>>
      %dma_wait3A_83 = tpu.memref_squeeze %dma_wait3A_82 : memref<1x125xi32, #tpu.memory_space<vmem>> -> memref<125xi32, #tpu.memory_space<vmem>>
      %dma_wait3A_84 = arith.constant 0 : i32
      %dma_wait3A_85 = arith.constant 0 : i32
      %dma_wait3A_86 = tpu.memref_slice %arg2[%dma_wait3A_84, %dma_wait3A_85] : memref<10000x128xf32, #tpu.memory_space<hbm>> -> memref<10000x128xf32, #tpu.memory_space<hbm>>
      tpu.wait_indirect_dma semaphore(%arg13 : memref<!tpu.dma_semaphore, #tpu.memory_space<semaphore_mem>>) src(%dma_wait3A_86 : memref<10000x128xf32, #tpu.memory_space<hbm>>) dst(%arg9 : memref<125x128xf32, #tpu.memory_space<vmem>>)
      %add3A_87 = arith.constant 1 : i32
      %add3A_88 = arith.addi %mul3A_59, %add3A_87 : i32
      "tpu.region"() ({
        %run_scoped3A = tpu.sem_alloc : memref<!tpu.dma_semaphore, #tpu.memory_space<semaphore_mem>>
        %dma_start3A_89 = arith.constant 0 : i32
        %dma_start3A_90 = tpu.memref_slice %arg7[%add3A_88, %dma_start3A_89] : memref<40x125xi32, #tpu.memory_space<vmem>> -> memref<1x125xi32, #tpu.memory_space<vmem>>
        %dma_start3A_91 = tpu.memref_squeeze %dma_start3A_90 : memref<1x125xi32, #tpu.memory_space<vmem>> -> memref<125xi32, #tpu.memory_space<vmem>>
        %dma_start3A_92 = arith.constant 0 : i32
        %dma_start3A_93 = arith.constant 0 : i32
        %dma_start3A_94 = tpu.memref_slice %arg11[%dma_start3A_92, %dma_start3A_93] : memref<10000x128xf32, #tpu.memory_space<vmem_shared>> -> memref<10000x128xf32, #tpu.memory_space<vmem_shared>>
        tpu.enqueue_indirect_dma source(%arg9 : memref<125x128xf32, #tpu.memory_space<vmem>>) target(%dma_start3A_94 : memref<10000x128xf32, #tpu.memory_space<vmem_shared>>) offsets(%dma_start3A_91 : memref<125xi32, #tpu.memory_space<vmem>>) semaphore(%run_scoped3A : memref<!tpu.dma_semaphore, #tpu.memory_space<semaphore_mem>>) {add = true}
        %dma_wait3A_95 = arith.constant 0 : i32
        %dma_wait3A_96 = tpu.memref_slice %arg7[%add3A_88, %dma_wait3A_95] : memref<40x125xi32, #tpu.memory_space<vmem>> -> memref<1x125xi32, #tpu.memory_space<vmem>>
        %dma_wait3A_97 = tpu.memref_squeeze %dma_wait3A_96 : memref<1x125xi32, #tpu.memory_space<vmem>> -> memref<125xi32, #tpu.memory_space<vmem>>
        %dma_wait3A_98 = arith.constant 0 : i32
        %dma_wait3A_99 = arith.constant 0 : i32
        %dma_wait3A_100 = tpu.memref_slice %arg11[%dma_wait3A_98, %dma_wait3A_99] : memref<10000x128xf32, #tpu.memory_space<vmem_shared>> -> memref<10000x128xf32, #tpu.memory_space<vmem_shared>>
        tpu.wait_indirect_dma semaphore(%run_scoped3A : memref<!tpu.dma_semaphore, #tpu.memory_space<semaphore_mem>>) src(%arg9 : memref<125x128xf32, #tpu.memory_space<vmem>>) dst(%dma_wait3A_100 : memref<10000x128xf32, #tpu.memory_space<vmem_shared>>)
        tpu.yield
      }) : () -> ()
    }
    %scan3A_26 = arith.constant 20 : i32
    %mul3A_27 = arith.constant 80 : i32
    %mul3A_28 = arith.muli %add3A, %mul3A_27 : i32
    %add3A_29 = arith.constant 40 : i32
    %add3A_30 = arith.addi %mul3A_28, %add3A_29 : i32
    "tpu.region"() ({
      %run_scoped3A = tpu.sem_alloc : memref<!tpu.dma_semaphore, #tpu.memory_space<semaphore_mem>>
      %dma_start3A_53 = arith.constant 0 : i32
      %dma_start3A_54 = tpu.memref_slice %arg3[%add3A_30, %dma_start3A_53] : memref<2560x125xi32, #tpu.memory_space<hbm>> -> memref<40x125xi32, #tpu.memory_space<hbm>>
      %dma_start3A_55 = arith.constant 0 : i32
      %dma_start3A_56 = tpu.memref_slice %arg3[%add3A_30, %dma_start3A_55] : memref<2560x125xi32, #tpu.memory_space<hbm>> -> memref<40x125xi32, #tpu.memory_space<hbm>>
      tpu.enqueue_dma source(%dma_start3A_56 : memref<40x125xi32, #tpu.memory_space<hbm>>) target(%arg6 : memref<40x125xi32, #tpu.memory_space<vmem>>) target_semaphore(%run_scoped3A : memref<!tpu.dma_semaphore, #tpu.memory_space<semaphore_mem>>)
      %dma_wait3A = arith.constant 0 : i32
      %dma_wait3A_57 = tpu.memref_slice %arg3[%add3A_30, %dma_wait3A] : memref<2560x125xi32, #tpu.memory_space<hbm>> -> memref<40x125xi32, #tpu.memory_space<hbm>>
      %dma_wait3A_58 = arith.constant 0 : i32
      %dma_wait3A_59 = tpu.memref_slice %arg3[%add3A_30, %dma_wait3A_58] : memref<2560x125xi32, #tpu.memory_space<hbm>> -> memref<40x125xi32, #tpu.memory_space<hbm>>
      tpu.wait_dma2 semaphore(%run_scoped3A : memref<!tpu.dma_semaphore, #tpu.memory_space<semaphore_mem>>) src(%dma_wait3A_59 : memref<40x125xi32, #tpu.memory_space<hbm>>) dst(%arg6 : memref<40x125xi32, #tpu.memory_space<vmem>>)
      tpu.yield
    }) : () -> ()
    "tpu.region"() ({
      %run_scoped3A = tpu.sem_alloc : memref<!tpu.dma_semaphore, #tpu.memory_space<semaphore_mem>>
      %dma_start3A_53 = arith.constant 0 : i32
      %dma_start3A_54 = tpu.memref_slice %arg4[%add3A_30, %dma_start3A_53] : memref<2560x125xi32, #tpu.memory_space<hbm>> -> memref<40x125xi32, #tpu.memory_space<hbm>>
      %dma_start3A_55 = arith.constant 0 : i32
      %dma_start3A_56 = tpu.memref_slice %arg4[%add3A_30, %dma_start3A_55] : memref<2560x125xi32, #tpu.memory_space<hbm>> -> memref<40x125xi32, #tpu.memory_space<hbm>>
      tpu.enqueue_dma source(%dma_start3A_56 : memref<40x125xi32, #tpu.memory_space<hbm>>) target(%arg7 : memref<40x125xi32, #tpu.memory_space<vmem>>) target_semaphore(%run_scoped3A : memref<!tpu.dma_semaphore, #tpu.memory_space<semaphore_mem>>)
      %dma_wait3A = arith.constant 0 : i32
      %dma_wait3A_57 = tpu.memref_slice %arg4[%add3A_30, %dma_wait3A] : memref<2560x125xi32, #tpu.memory_space<hbm>> -> memref<40x125xi32, #tpu.memory_space<hbm>>
      %dma_wait3A_58 = arith.constant 0 : i32
      %dma_wait3A_59 = tpu.memref_slice %arg4[%add3A_30, %dma_wait3A_58] : memref<2560x125xi32, #tpu.memory_space<hbm>> -> memref<40x125xi32, #tpu.memory_space<hbm>>
      tpu.wait_dma2 semaphore(%run_scoped3A : memref<!tpu.dma_semaphore, #tpu.memory_space<semaphore_mem>>) src(%dma_wait3A_59 : memref<40x125xi32, #tpu.memory_space<hbm>>) dst(%arg7 : memref<40x125xi32, #tpu.memory_space<vmem>>)
      tpu.yield
    }) : () -> ()
    %dma_start3A_31 = arith.constant 0 : i32
    %dma_start3A_32 = arith.constant 0 : i32
    %dma_start3A_33 = tpu.memref_slice %arg6[%dma_start3A_31, %dma_start3A_32] : memref<40x125xi32, #tpu.memory_space<vmem>> -> memref<1x125xi32, #tpu.memory_space<vmem>>
    %dma_start3A_34 = tpu.memref_squeeze %dma_start3A_33 : memref<1x125xi32, #tpu.memory_space<vmem>> -> memref<125xi32, #tpu.memory_space<vmem>>
    %dma_start3A_35 = arith.constant 0 : i32
    %dma_start3A_36 = arith.constant 0 : i32
    %dma_start3A_37 = tpu.memref_slice %arg2[%dma_start3A_35, %dma_start3A_36] : memref<10000x128xf32, #tpu.memory_space<hbm>> -> memref<10000x128xf32, #tpu.memory_space<hbm>>
    tpu.enqueue_indirect_dma source(%dma_start3A_37 : memref<10000x128xf32, #tpu.memory_space<hbm>>) target(%arg8 : memref<125x128xf32, #tpu.memory_space<vmem>>) offsets(%dma_start3A_34 : memref<125xi32, #tpu.memory_space<vmem>>) semaphore(%arg12 : memref<!tpu.dma_semaphore, #tpu.memory_space<semaphore_mem>>)
    %scan3A_38 = arith.constant 0 : i32
    %scan3A_39 = arith.constant 20 : i32
    %scan3A_40 = arith.addi %scan3A_38, %scan3A_39 : i32
    %scan3A_41 = arith.constant 1 : i32
    scf.for %scan3A_53 = %scan3A_38 to %scan3A_40 step %scan3A_41  : i32 {
      %mul3A_54 = arith.constant 1 : i32
      %mul3A_55 = arith.muli %scan3A_53, %mul3A_54 : i32
      %add3A_56 = arith.constant 0 : i32
      %add3A_57 = arith.addi %add3A_56, %mul3A_55 : i32
      %mul3A_58 = arith.constant 2 : i32
      %mul3A_59 = arith.muli %add3A_57, %mul3A_58 : i32
      %add3A_60 = arith.constant 1 : i32
      %add3A_61 = arith.addi %mul3A_59, %add3A_60 : i32
      %dma_start3A_62 = arith.constant 0 : i32
      %dma_start3A_63 = tpu.memref_slice %arg6[%add3A_61, %dma_start3A_62] : memref<40x125xi32, #tpu.memory_space<vmem>> -> memref<1x125xi32, #tpu.memory_space<vmem>>
      %dma_start3A_64 = tpu.memref_squeeze %dma_start3A_63 : memref<1x125xi32, #tpu.memory_space<vmem>> -> memref<125xi32, #tpu.memory_space<vmem>>
      %dma_start3A_65 = arith.constant 0 : i32
      %dma_start3A_66 = arith.constant 0 : i32
      %dma_start3A_67 = tpu.memref_slice %arg2[%dma_start3A_65, %dma_start3A_66] : memref<10000x128xf32, #tpu.memory_space<hbm>> -> memref<10000x128xf32, #tpu.memory_space<hbm>>
      tpu.enqueue_indirect_dma source(%dma_start3A_67 : memref<10000x128xf32, #tpu.memory_space<hbm>>) target(%arg9 : memref<125x128xf32, #tpu.memory_space<vmem>>) offsets(%dma_start3A_64 : memref<125xi32, #tpu.memory_space<vmem>>) semaphore(%arg13 : memref<!tpu.dma_semaphore, #tpu.memory_space<semaphore_mem>>)
      %dma_wait3A = arith.constant 0 : i32
      %dma_wait3A_68 = tpu.memref_slice %arg6[%mul3A_59, %dma_wait3A] : memref<40x125xi32, #tpu.memory_space<vmem>> -> memref<1x125xi32, #tpu.memory_space<vmem>>
      %dma_wait3A_69 = tpu.memref_squeeze %dma_wait3A_68 : memref<1x125xi32, #tpu.memory_space<vmem>> -> memref<125xi32, #tpu.memory_space<vmem>>
      %dma_wait3A_70 = arith.constant 0 : i32
      %dma_wait3A_71 = arith.constant 0 : i32
      %dma_wait3A_72 = tpu.memref_slice %arg2[%dma_wait3A_70, %dma_wait3A_71] : memref<10000x128xf32, #tpu.memory_space<hbm>> -> memref<10000x128xf32, #tpu.memory_space<hbm>>
      tpu.wait_indirect_dma semaphore(%arg12 : memref<!tpu.dma_semaphore, #tpu.memory_space<semaphore_mem>>) src(%dma_wait3A_72 : memref<10000x128xf32, #tpu.memory_space<hbm>>) dst(%arg8 : memref<125x128xf32, #tpu.memory_space<vmem>>)
      "tpu.region"() ({
        %run_scoped3A = tpu.sem_alloc : memref<!tpu.dma_semaphore, #tpu.memory_space<semaphore_mem>>
        %dma_start3A_89 = arith.constant 0 : i32
        %dma_start3A_90 = tpu.memref_slice %arg7[%mul3A_59, %dma_start3A_89] : memref<40x125xi32, #tpu.memory_space<vmem>> -> memref<1x125xi32, #tpu.memory_space<vmem>>
        %dma_start3A_91 = tpu.memref_squeeze %dma_start3A_90 : memref<1x125xi32, #tpu.memory_space<vmem>> -> memref<125xi32, #tpu.memory_space<vmem>>
        %dma_start3A_92 = arith.constant 0 : i32
        %dma_start3A_93 = arith.constant 0 : i32
        %dma_start3A_94 = tpu.memref_slice %arg11[%dma_start3A_92, %dma_start3A_93] : memref<10000x128xf32, #tpu.memory_space<vmem_shared>> -> memref<10000x128xf32, #tpu.memory_space<vmem_shared>>
        tpu.enqueue_indirect_dma source(%arg8 : memref<125x128xf32, #tpu.memory_space<vmem>>) target(%dma_start3A_94 : memref<10000x128xf32, #tpu.memory_space<vmem_shared>>) offsets(%dma_start3A_91 : memref<125xi32, #tpu.memory_space<vmem>>) semaphore(%run_scoped3A : memref<!tpu.dma_semaphore, #tpu.memory_space<semaphore_mem>>) {add = true}
        %dma_wait3A_95 = arith.constant 0 : i32
        %dma_wait3A_96 = tpu.memref_slice %arg7[%mul3A_59, %dma_wait3A_95] : memref<40x125xi32, #tpu.memory_space<vmem>> -> memref<1x125xi32, #tpu.memory_space<vmem>>
        %dma_wait3A_97 = tpu.memref_squeeze %dma_wait3A_96 : memref<1x125xi32, #tpu.memory_space<vmem>> -> memref<125xi32, #tpu.memory_space<vmem>>
        %dma_wait3A_98 = arith.constant 0 : i32
        %dma_wait3A_99 = arith.constant 0 : i32
        %dma_wait3A_100 = tpu.memref_slice %arg11[%dma_wait3A_98, %dma_wait3A_99] : memref<10000x128xf32, #tpu.memory_space<vmem_shared>> -> memref<10000x128xf32, #tpu.memory_space<vmem_shared>>
        tpu.wait_indirect_dma semaphore(%run_scoped3A : memref<!tpu.dma_semaphore, #tpu.memory_space<semaphore_mem>>) src(%arg8 : memref<125x128xf32, #tpu.memory_space<vmem>>) dst(%dma_wait3A_100 : memref<10000x128xf32, #tpu.memory_space<vmem_shared>>)
        tpu.yield
      }) : () -> ()
      %add3A_73 = arith.constant 2 : i32
      %add3A_74 = arith.addi %mul3A_59, %add3A_73 : i32
      %lt3A = arith.constant 40 : i32
      %lt3A_75 = arith.cmpi slt, %add3A_74, %lt3A : i32
      %convert_element_type3A_76 = arith.extui %lt3A_75 : i1 to i32
      %cond3A_77 = arith.constant 0 : i32
      %cond3A_78 = arith.cmpi ne, %convert_element_type3A_76, %cond3A_77 : i32
      scf.if %cond3A_78 {
        %add3A_89 = arith.constant 2 : i32
        %add3A_90 = arith.addi %mul3A_59, %add3A_89 : i32
        %dma_start3A_91 = arith.constant 0 : i32
        %dma_start3A_92 = tpu.memref_slice %arg6[%add3A_90, %dma_start3A_91] : memref<40x125xi32, #tpu.memory_space<vmem>> -> memref<1x125xi32, #tpu.memory_space<vmem>>
        %dma_start3A_93 = tpu.memref_squeeze %dma_start3A_92 : memref<1x125xi32, #tpu.memory_space<vmem>> -> memref<125xi32, #tpu.memory_space<vmem>>
        %dma_start3A_94 = arith.constant 0 : i32
        %dma_start3A_95 = arith.constant 0 : i32
        %dma_start3A_96 = tpu.memref_slice %arg2[%dma_start3A_94, %dma_start3A_95] : memref<10000x128xf32, #tpu.memory_space<hbm>> -> memref<10000x128xf32, #tpu.memory_space<hbm>>
        tpu.enqueue_indirect_dma source(%dma_start3A_96 : memref<10000x128xf32, #tpu.memory_space<hbm>>) target(%arg8 : memref<125x128xf32, #tpu.memory_space<vmem>>) offsets(%dma_start3A_93 : memref<125xi32, #tpu.memory_space<vmem>>) semaphore(%arg12 : memref<!tpu.dma_semaphore, #tpu.memory_space<semaphore_mem>>)
      } else {
      }
      %add3A_79 = arith.constant 1 : i32
      %add3A_80 = arith.addi %mul3A_59, %add3A_79 : i32
      %dma_wait3A_81 = arith.constant 0 : i32
      %dma_wait3A_82 = tpu.memref_slice %arg6[%add3A_80, %dma_wait3A_81] : memref<40x125xi32, #tpu.memory_space<vmem>> -> memref<1x125xi32, #tpu.memory_space<vmem>>
      %dma_wait3A_83 = tpu.memref_squeeze %dma_wait3A_82 : memref<1x125xi32, #tpu.memory_space<vmem>> -> memref<125xi32, #tpu.memory_space<vmem>>
      %dma_wait3A_84 = arith.constant 0 : i32
      %dma_wait3A_85 = arith.constant 0 : i32
      %dma_wait3A_86 = tpu.memref_slice %arg2[%dma_wait3A_84, %dma_wait3A_85] : memref<10000x128xf32, #tpu.memory_space<hbm>> -> memref<10000x128xf32, #tpu.memory_space<hbm>>
      tpu.wait_indirect_dma semaphore(%arg13 : memref<!tpu.dma_semaphore, #tpu.memory_space<semaphore_mem>>) src(%dma_wait3A_86 : memref<10000x128xf32, #tpu.memory_space<hbm>>) dst(%arg9 : memref<125x128xf32, #tpu.memory_space<vmem>>)
      %add3A_87 = arith.constant 1 : i32
      %add3A_88 = arith.addi %mul3A_59, %add3A_87 : i32
      "tpu.region"() ({
        %run_scoped3A = tpu.sem_alloc : memref<!tpu.dma_semaphore, #tpu.memory_space<semaphore_mem>>
        %dma_start3A_89 = arith.constant 0 : i32
        %dma_start3A_90 = tpu.memref_slice %arg7[%add3A_88, %dma_start3A_89] : memref<40x125xi32, #tpu.memory_space<vmem>> -> memref<1x125xi32, #tpu.memory_space<vmem>>
        %dma_start3A_91 = tpu.memref_squeeze %dma_start3A_90 : memref<1x125xi32, #tpu.memory_space<vmem>> -> memref<125xi32, #tpu.memory_space<vmem>>
        %dma_start3A_92 = arith.constant 0 : i32
        %dma_start3A_93 = arith.constant 0 : i32
        %dma_start3A_94 = tpu.memref_slice %arg11[%dma_start3A_92, %dma_start3A_93] : memref<10000x128xf32, #tpu.memory_space<vmem_shared>> -> memref<10000x128xf32, #tpu.memory_space<vmem_shared>>
        tpu.enqueue_indirect_dma source(%arg9 : memref<125x128xf32, #tpu.memory_space<vmem>>) target(%dma_start3A_94 : memref<10000x128xf32, #tpu.memory_space<vmem_shared>>) offsets(%dma_start3A_91 : memref<125xi32, #tpu.memory_space<vmem>>) semaphore(%run_scoped3A : memref<!tpu.dma_semaphore, #tpu.memory_space<semaphore_mem>>) {add = true}
        %dma_wait3A_95 = arith.constant 0 : i32
        %dma_wait3A_96 = tpu.memref_slice %arg7[%add3A_88, %dma_wait3A_95] : memref<40x125xi32, #tpu.memory_space<vmem>> -> memref<1x125xi32, #tpu.memory_space<vmem>>
        %dma_wait3A_97 = tpu.memref_squeeze %dma_wait3A_96 : memref<1x125xi32, #tpu.memory_space<vmem>> -> memref<125xi32, #tpu.memory_space<vmem>>
        %dma_wait3A_98 = arith.constant 0 : i32
        %dma_wait3A_99 = arith.constant 0 : i32
        %dma_wait3A_100 = tpu.memref_slice %arg11[%dma_wait3A_98, %dma_wait3A_99] : memref<10000x128xf32, #tpu.memory_space<vmem_shared>> -> memref<10000x128xf32, #tpu.memory_space<vmem_shared>>
        tpu.wait_indirect_dma semaphore(%run_scoped3A : memref<!tpu.dma_semaphore, #tpu.memory_space<semaphore_mem>>) src(%arg9 : memref<125x128xf32, #tpu.memory_space<vmem>>) dst(%dma_wait3A_100 : memref<10000x128xf32, #tpu.memory_space<vmem_shared>>)
        tpu.yield
      }) : () -> ()
    }
    %scan3A_42 = arith.constant 20 : i32
    %barrier3A_43 = arith.constant 0 : index
    tpu.barrier barrier_id(%barrier3A_43)
    %mul3A_44 = arith.constant 624 : i32
    %mul3A_45 = arith.muli %arg1, %mul3A_44 : i32
    %mul3A_46 = arith.constant 624 : i32
    %mul3A_47 = arith.muli %arg1, %mul3A_46 : i32
    "tpu.region"() ({
      %run_scoped3A = tpu.sem_alloc : memref<!tpu.dma_semaphore, #tpu.memory_space<semaphore_mem>>
      %dma_start3A_53 = arith.constant 0 : i32
      %dma_start3A_54 = tpu.memref_slice %arg5[%arg0, %mul3A_47, %dma_start3A_53] : memref<2x10000x128xf32, #tpu.memory_space<hbm>> -> memref<1x624x128xf32, #tpu.memory_space<hbm>>
      %dma_start3A_55 = tpu.memref_squeeze %dma_start3A_54 : memref<1x624x128xf32, #tpu.memory_space<hbm>> -> memref<624x128xf32, #tpu.memory_space<hbm>>
      %dma_start3A_56 = arith.constant 0 : i32
      %dma_start3A_57 = tpu.memref_slice %arg11[%mul3A_45, %dma_start3A_56] : memref<10000x128xf32, #tpu.memory_space<vmem_shared>> -> memref<624x128xf32, #tpu.memory_space<vmem_shared>>
      tpu.enqueue_dma source(%dma_start3A_57 : memref<624x128xf32, #tpu.memory_space<vmem_shared>>) target(%dma_start3A_55 : memref<624x128xf32, #tpu.memory_space<hbm>>) target_semaphore(%run_scoped3A : memref<!tpu.dma_semaphore, #tpu.memory_space<semaphore_mem>>)
      %dma_wait3A = arith.constant 0 : i32
      %dma_wait3A_58 = tpu.memref_slice %arg5[%arg0, %mul3A_47, %dma_wait3A] : memref<2x10000x128xf32, #tpu.memory_space<hbm>> -> memref<1x624x128xf32, #tpu.memory_space<hbm>>
      %dma_wait3A_59 = tpu.memref_squeeze %dma_wait3A_58 : memref<1x624x128xf32, #tpu.memory_space<hbm>> -> memref<624x128xf32, #tpu.memory_space<hbm>>
      %dma_wait3A_60 = arith.constant 0 : i32
      %dma_wait3A_61 = tpu.memref_slice %arg11[%mul3A_45, %dma_wait3A_60] : memref<10000x128xf32, #tpu.memory_space<vmem_shared>> -> memref<624x128xf32, #tpu.memory_space<vmem_shared>>
      tpu.wait_dma2 semaphore(%run_scoped3A : memref<!tpu.dma_semaphore, #tpu.memory_space<semaphore_mem>>) src(%dma_wait3A_61 : memref<624x128xf32, #tpu.memory_space<vmem_shared>>) dst(%dma_wait3A_59 : memref<624x128xf32, #tpu.memory_space<hbm>>)
      tpu.yield
    }) : () -> ()
    %eq3A_48 = arith.constant 15 : i32
    %eq3A_49 = arith.cmpi eq, %arg1, %eq3A_48 : i32
    %convert_element_type3A_50 = arith.extui %eq3A_49 : i1 to i32
    %cond3A_51 = arith.constant 0 : i32
    %cond3A_52 = arith.cmpi ne, %convert_element_type3A_50, %cond3A_51 : i32
    scf.if %cond3A_52 {
      "tpu.region"() ({
        %run_scoped3A = tpu.sem_alloc : memref<!tpu.dma_semaphore, #tpu.memory_space<semaphore_mem>>
        %dma_start3A_53 = arith.constant 9984 : i32
        %dma_start3A_54 = arith.constant 0 : i32
        %dma_start3A_55 = tpu.memref_slice %arg5[%arg0, %dma_start3A_53, %dma_start3A_54] : memref<2x10000x128xf32, #tpu.memory_space<hbm>> -> memref<1x16x128xf32, #tpu.memory_space<hbm>>
        %dma_start3A_56 = tpu.memref_squeeze %dma_start3A_55 : memref<1x16x128xf32, #tpu.memory_space<hbm>> -> memref<16x128xf32, #tpu.memory_space<hbm>>
        %dma_start3A_57 = arith.constant 9984 : i32
        %dma_start3A_58 = arith.constant 0 : i32
        %dma_start3A_59 = tpu.memref_slice %arg11[%dma_start3A_57, %dma_start3A_58] : memref<10000x128xf32, #tpu.memory_space<vmem_shared>> -> memref<16x128xf32, #tpu.memory_space<vmem_shared>>
        tpu.enqueue_dma source(%dma_start3A_59 : memref<16x128xf32, #tpu.memory_space<vmem_shared>>) target(%dma_start3A_56 : memref<16x128xf32, #tpu.memory_space<hbm>>) target_semaphore(%run_scoped3A : memref<!tpu.dma_semaphore, #tpu.memory_space<semaphore_mem>>)
        %dma_wait3A = arith.constant 9984 : i32
        %dma_wait3A_60 = arith.constant 0 : i32
        %dma_wait3A_61 = tpu.memref_slice %arg5[%arg0, %dma_wait3A, %dma_wait3A_60] : memref<2x10000x128xf32, #tpu.memory_space<hbm>> -> memref<1x16x128xf32, #tpu.memory_space<hbm>>
        %dma_wait3A_62 = tpu.memref_squeeze %dma_wait3A_61 : memref<1x16x128xf32, #tpu.memory_space<hbm>> -> memref<16x128xf32, #tpu.memory_space<hbm>>
        %dma_wait3A_63 = arith.constant 9984 : i32
        %dma_wait3A_64 = arith.constant 0 : i32
        %dma_wait3A_65 = tpu.memref_slice %arg11[%dma_wait3A_63, %dma_wait3A_64] : memref<10000x128xf32, #tpu.memory_space<vmem_shared>> -> memref<16x128xf32, #tpu.memory_space<vmem_shared>>
        tpu.wait_dma2 semaphore(%run_scoped3A : memref<!tpu.dma_semaphore, #tpu.memory_space<semaphore_mem>>) src(%dma_wait3A_65 : memref<16x128xf32, #tpu.memory_space<vmem_shared>>) dst(%dma_wait3A_62 : memref<16x128xf32, #tpu.memory_space<hbm>>)
        tpu.yield
      }) : () -> ()
    } else {
    }
    return
  }
}

#map = affine_map<(d0, d1) -> (0, 0)>
#map1 = affine_map<(d0, d1) -> (0, 0, 0)>
module attributes {stable_mosaic.version = 14 : i64} {
  func.func @k(%arg0: i32, %arg1: i32, %arg2: memref<10000x128xf32, #tpu.memory_space<hbm>>, %arg3: memref<2560x125xi32, #tpu.memory_space<hbm>>, %arg4: memref<2560x125xi32, #tpu.memory_space<hbm>>, %arg5: memref<2x10000x128xf32, #tpu.memory_space<hbm>>, %arg6: memref<40x125xi32, #tpu.memory_space<vmem>>, %arg7: memref<40x125xi32, #tpu.memory_space<vmem>>, %arg8: memref<125x128xf32, #tpu.memory_space<vmem>>, %arg9: memref<125x128xf32, #tpu.memory_space<vmem>>, %arg10: memref<48x128xf32, #tpu.memory_space<vmem>>, %arg11: memref<10000x128xf32, #tpu.memory_space<vmem_shared>>, %arg12: memref<!tpu.dma_semaphore, #tpu.memory_space<semaphore_mem>>, %arg13: memref<!tpu.dma_semaphore, #tpu.memory_space<semaphore_mem>>) attributes {dimension_semantics = [#tpu.dimension_semantics<core_parallel>, #tpu.dimension_semantics<subcore_parallel>], iteration_bounds = array<i64: 2, 16>, scalar_prefetch = 0 : i64, scratch_operands = 8 : i64, tpu.core_type = #tpu.core_type<sc_vector_subcore>, window_params = [{transform_indices = #map}, {transform_indices = #map}, {transform_indices = #map}, {transform_indices = #map1}]} {
    %mul3A = arith.constant 2 : i32
    %mul3A_0 = arith.muli %arg1, %mul3A : i32
    %add3A = arith.addi %mul3A_0, %arg0 : i32
    %scan3A = arith.constant 0 : i32
    %scan3A_1 = arith.constant 384 : i32
    %scan3A_2 = arith.addi %scan3A, %scan3A_1 : i32
    %scan3A_3 = arith.constant 1 : i32
    scf.for %scan3A_53 = %scan3A to %scan3A_2 step %scan3A_3  : i32 {
      %mul3A_54 = arith.constant 1 : i32
      %mul3A_55 = arith.muli %scan3A_53, %mul3A_54 : i32
      %add3A_56 = arith.constant 0 : i32
      %add3A_57 = arith.addi %add3A_56, %mul3A_55 : i32
      %broadcast_in_dim3A = arith.constant 0.000000e+00 : f32
      %broadcast_in_dim3A_58 = vector.broadcast %broadcast_in_dim3A : f32 to vector<16xf32>
      %jit3A = arith.constant 8 : i32
      %div3A = arith.divsi %add3A_57, %jit3A : i32
      %sign3A = arith.constant 0 : i32
      %sign3A_59 = arith.cmpi sgt, %add3A_57, %sign3A : i32
      %sign3A_60 = arith.extui %sign3A_59 : i1 to i32
      %sign3A_61 = arith.constant 0 : i32
      %sign3A_62 = arith.cmpi slt, %add3A_57, %sign3A_61 : i32
      %sign3A_63 = arith.extui %sign3A_62 : i1 to i32
      %sign3A_64 = arith.subi %sign3A_60, %sign3A_63 : i32
      %sign3A_65 = arith.constant 0 : i32
      %sign3A_66 = arith.cmpi sgt, %jit3A, %sign3A_65 : i32
      %sign3A_67 = arith.extui %sign3A_66 : i1 to i32
      %sign3A_68 = arith.constant 0 : i32
      %sign3A_69 = arith.cmpi slt, %jit3A, %sign3A_68 : i32
      %sign3A_70 = arith.extui %sign3A_69 : i1 to i32
      %sign3A_71 = arith.subi %sign3A_67, %sign3A_70 : i32
      %ne3A = arith.cmpi ne, %sign3A_64, %sign3A_71 : i32
      %rem3A = arith.remsi %add3A_57, %jit3A : i32
      %ne3A_72 = arith.constant 0 : i32
      %ne3A_73 = arith.cmpi ne, %rem3A, %ne3A_72 : i32
      %and3A = arith.andi %ne3A, %ne3A_73 : i1
      %sub3A = arith.constant 1 : i32
      %sub3A_74 = arith.subi %div3A, %sub3A : i32
      %select_n3A = arith.select %and3A, %sub3A_74, %div3A : i32
      %jit3A_75 = arith.constant 8 : i32
      %eq3A_76 = arith.constant 0 : i32
      %eq3A_77 = arith.cmpi eq, %jit3A_75, %eq3A_76 : i32
      %jit3A_78 = arith.constant 1 : i32
      %select_n3A_79 = arith.select %eq3A_77, %jit3A_78, %jit3A_75 : i32
      %rem3A_80 = arith.remsi %add3A_57, %select_n3A_79 : i32
      %ne3A_81 = arith.constant 0 : i32
      %ne3A_82 = arith.cmpi ne, %rem3A_80, %ne3A_81 : i32
      %lt3A = arith.constant 0 : i32
      %lt3A_83 = arith.cmpi slt, %rem3A_80, %lt3A : i32
      %lt3A_84 = arith.constant 0 : i32
      %lt3A_85 = arith.cmpi slt, %select_n3A_79, %lt3A_84 : i32
      %ne3A_86 = arith.xori %lt3A_83, %lt3A_85 : i1
      %and3A_87 = arith.andi %ne3A_86, %ne3A_82 : i1
      %add3A_88 = arith.addi %rem3A_80, %select_n3A_79 : i32
      %select_n3A_89 = arith.select %and3A_87, %add3A_88, %rem3A_80 : i32
      %mul3A_90 = arith.constant 16 : i32
      %mul3A_91 = arith.muli %select_n3A_89, %mul3A_90 : i32
      %swap3A = arith.index_cast %select_n3A : i32 to index
      %swap3A_92 = arith.index_cast %mul3A_91 : i32 to index
      %swap3A_93 = tpu.vector_load %arg10[%swap3A, %swap3A_92] {strides = array<i32>} : memref<48x128xf32, #tpu.memory_space<vmem>>, vector<1x16xf32>,
      %swap3A_94 = vector.shape_cast %swap3A_93 : vector<1x16xf32> to vector<16xf32>
      %swap3A_95 = vector.shape_cast %broadcast_in_dim3A_58 : vector<16xf32> to vector<1x16xf32>
      tpu.vector_store %arg10[%swap3A, %swap3A_92], %swap3A_95 {strides = array<i32>} : memref<48x128xf32, #tpu.memory_space<vmem>>, vector<1x16xf32>,
    }
    %scan3A_4 = arith.constant 384 : i32
    %scan3A_5 = arith.constant 0 : i32
    %scan3A_6 = arith.constant 13 : i32
    %scan3A_7 = arith.addi %scan3A_5, %scan3A_6 : i32
    %scan3A_8 = arith.constant 1 : i32
    scf.for %scan3A_53 = %scan3A_5 to %scan3A_7 step %scan3A_8  : i32 {
      %mul3A_54 = arith.constant 1 : i32
      %mul3A_55 = arith.muli %scan3A_53, %mul3A_54 : i32
      %add3A_56 = arith.constant 0 : i32
      %add3A_57 = arith.addi %add3A_56, %mul3A_55 : i32
      %mul3A_58 = arith.constant 624 : i32
      %mul3A_59 = arith.muli %arg1, %mul3A_58 : i32
      %mul3A_60 = arith.constant 48 : i32
      %mul3A_61 = arith.muli %add3A_57, %mul3A_60 : i32
      %add3A_62 = arith.addi %mul3A_59, %mul3A_61 : i32
      "tpu.region"() ({
        %run_scoped3A = tpu.sem_alloc : memref<!tpu.dma_semaphore, #tpu.memory_space<semaphore_mem>>
        %dma_start3A_63 = arith.constant 0 : i32
        %dma_start3A_64 = tpu.memref_slice %arg11[%add3A_62, %dma_start3A_63] : memref<10000x128xf32, #tpu.memory_space<vmem_shared>> -> memref<48x128xf32, #tpu.memory_space<vmem_shared>>
        %dma_start3A_65 = arith.constant 0 : i32
        %dma_start3A_66 = tpu.memref_slice %arg11[%add3A_62, %dma_start3A_65] : memref<10000x128xf32, #tpu.memory_space<vmem_shared>> -> memref<48x128xf32, #tpu.memory_space<vmem_shared>>
        tpu.enqueue_dma source(%arg10 : memref<48x128xf32, #tpu.memory_space<vmem>>) target(%dma_start3A_66 : memref<48x128xf32, #tpu.memory_space<vmem_shared>>) target_semaphore(%run_scoped3A : memref<!tpu.dma_semaphore, #tpu.memory_space<semaphore_mem>>)
        %dma_wait3A = arith.constant 0 : i32
        %dma_wait3A_67 = tpu.memref_slice %arg11[%add3A_62, %dma_wait3A] : memref<10000x128xf32, #tpu.memory_space<vmem_shared>> -> memref<48x128xf32, #tpu.memory_space<vmem_shared>>
        %dma_wait3A_68 = arith.constant 0 : i32
        %dma_wait3A_69 = tpu.memref_slice %arg11[%add3A_62, %dma_wait3A_68] : memref<10000x128xf32, #tpu.memory_space<vmem_shared>> -> memref<48x128xf32, #tpu.memory_space<vmem_shared>>
        tpu.wait_dma2 semaphore(%run_scoped3A : memref<!tpu.dma_semaphore, #tpu.memory_space<semaphore_mem>>) src(%arg10 : memref<48x128xf32, #tpu.memory_space<vmem>>) dst(%dma_wait3A_69 : memref<48x128xf32, #tpu.memory_space<vmem_shared>>)
        tpu.yield
      }) : () -> ()
    }
    %scan3A_9 = arith.constant 13 : i32
    %eq3A = arith.constant 15 : i32
    %eq3A_10 = arith.cmpi eq, %arg1, %eq3A : i32
    %convert_element_type3A = arith.extui %eq3A_10 : i1 to i32
    %cond3A = arith.constant 0 : i32
    %cond3A_11 = arith.cmpi ne, %convert_element_type3A, %cond3A : i32
    scf.if %cond3A_11 {
      "tpu.region"() ({
        %run_scoped3A = tpu.sem_alloc : memref<!tpu.dma_semaphore, #tpu.memory_space<semaphore_mem>>
        %dma_start3A_53 = arith.constant 0 : i32
        %dma_start3A_54 = arith.constant 0 : i32
        %dma_start3A_55 = tpu.memref_slice %arg10[%dma_start3A_53, %dma_start3A_54] : memref<48x128xf32, #tpu.memory_space<vmem>> -> memref<16x128xf32, #tpu.memory_space<vmem>>
        %dma_start3A_56 = arith.constant 9984 : i32
        %dma_start3A_57 = arith.constant 0 : i32
        %dma_start3A_58 = tpu.memref_slice %arg11[%dma_start3A_56, %dma_start3A_57] : memref<10000x128xf32, #tpu.memory_space<vmem_shared>> -> memref<16x128xf32, #tpu.memory_space<vmem_shared>>
        %dma_start3A_59 = arith.constant 9984 : i32
        %dma_start3A_60 = arith.constant 0 : i32
        %dma_start3A_61 = tpu.memref_slice %arg11[%dma_start3A_59, %dma_start3A_60] : memref<10000x128xf32, #tpu.memory_space<vmem_shared>> -> memref<16x128xf32, #tpu.memory_space<vmem_shared>>
        %dma_start3A_62 = arith.constant 0 : i32
        %dma_start3A_63 = arith.constant 0 : i32
        %dma_start3A_64 = tpu.memref_slice %arg10[%dma_start3A_62, %dma_start3A_63] : memref<48x128xf32, #tpu.memory_space<vmem>> -> memref<16x128xf32, #tpu.memory_space<vmem>>
        tpu.enqueue_dma source(%dma_start3A_64 : memref<16x128xf32, #tpu.memory_space<vmem>>) target(%dma_start3A_61 : memref<16x128xf32, #tpu.memory_space<vmem_shared>>) target_semaphore(%run_scoped3A : memref<!tpu.dma_semaphore, #tpu.memory_space<semaphore_mem>>)
        %dma_wait3A = arith.constant 0 : i32
        %dma_wait3A_65 = arith.constant 0 : i32
        %dma_wait3A_66 = tpu.memref_slice %arg10[%dma_wait3A, %dma_wait3A_65] : memref<48x128xf32, #tpu.memory_space<vmem>> -> memref<16x128xf32, #tpu.memory_space<vmem>>
        %dma_wait3A_67 = arith.constant 9984 : i32
        %dma_wait3A_68 = arith.constant 0 : i32
        %dma_wait3A_69 = tpu.memref_slice %arg11[%dma_wait3A_67, %dma_wait3A_68] : memref<10000x128xf32, #tpu.memory_space<vmem_shared>> -> memref<16x128xf32, #tpu.memory_space<vmem_shared>>
        %dma_wait3A_70 = arith.constant 9984 : i32
        %dma_wait3A_71 = arith.constant 0 : i32
        %dma_wait3A_72 = tpu.memref_slice %arg11[%dma_wait3A_70, %dma_wait3A_71] : memref<10000x128xf32, #tpu.memory_space<vmem_shared>> -> memref<16x128xf32, #tpu.memory_space<vmem_shared>>
        %dma_wait3A_73 = arith.constant 0 : i32
        %dma_wait3A_74 = arith.constant 0 : i32
        %dma_wait3A_75 = tpu.memref_slice %arg10[%dma_wait3A_73, %dma_wait3A_74] : memref<48x128xf32, #tpu.memory_space<vmem>> -> memref<16x128xf32, #tpu.memory_space<vmem>>
        tpu.wait_dma2 semaphore(%run_scoped3A : memref<!tpu.dma_semaphore, #tpu.memory_space<semaphore_mem>>) src(%dma_wait3A_75 : memref<16x128xf32, #tpu.memory_space<vmem>>) dst(%dma_wait3A_72 : memref<16x128xf32, #tpu.memory_space<vmem_shared>>)
        tpu.yield
      }) : () -> ()
    } else {
    }
    %barrier3A = arith.constant 0 : index
    tpu.barrier barrier_id(%barrier3A)
    %mul3A_12 = arith.constant 80 : i32
    %mul3A_13 = arith.muli %add3A, %mul3A_12 : i32
    %add3A_14 = arith.constant 0 : i32
    %add3A_15 = arith.addi %mul3A_13, %add3A_14 : i32
    "tpu.region"() ({
      %run_scoped3A = tpu.sem_alloc : memref<!tpu.dma_semaphore, #tpu.memory_space<semaphore_mem>>
      %dma_start3A_53 = arith.constant 0 : i32
      %dma_start3A_54 = tpu.memref_slice %arg3[%add3A_15, %dma_start3A_53] : memref<2560x125xi32, #tpu.memory_space<hbm>> -> memref<40x125xi32, #tpu.memory_space<hbm>>
      %dma_start3A_55 = arith.constant 0 : i32
      %dma_start3A_56 = tpu.memref_slice %arg3[%add3A_15, %dma_start3A_55] : memref<2560x125xi32, #tpu.memory_space<hbm>> -> memref<40x125xi32, #tpu.memory_space<hbm>>
      tpu.enqueue_dma source(%dma_start3A_56 : memref<40x125xi32, #tpu.memory_space<hbm>>) target(%arg6 : memref<40x125xi32, #tpu.memory_space<vmem>>) target_semaphore(%run_scoped3A : memref<!tpu.dma_semaphore, #tpu.memory_space<semaphore_mem>>)
      %dma_wait3A = arith.constant 0 : i32
      %dma_wait3A_57 = tpu.memref_slice %arg3[%add3A_15, %dma_wait3A] : memref<2560x125xi32, #tpu.memory_space<hbm>> -> memref<40x125xi32, #tpu.memory_space<hbm>>
      %dma_wait3A_58 = arith.constant 0 : i32
      %dma_wait3A_59 = tpu.memref_slice %arg3[%add3A_15, %dma_wait3A_58] : memref<2560x125xi32, #tpu.memory_space<hbm>> -> memref<40x125xi32, #tpu.memory_space<hbm>>
      tpu.wait_dma2 semaphore(%run_scoped3A : memref<!tpu.dma_semaphore, #tpu.memory_space<semaphore_mem>>) src(%dma_wait3A_59 : memref<40x125xi32, #tpu.memory_space<hbm>>) dst(%arg6 : memref<40x125xi32, #tpu.memory_space<vmem>>)
      tpu.yield
    }) : () -> ()
    "tpu.region"() ({
      %run_scoped3A = tpu.sem_alloc : memref<!tpu.dma_semaphore, #tpu.memory_space<semaphore_mem>>
      %dma_start3A_53 = arith.constant 0 : i32
      %dma_start3A_54 = tpu.memref_slice %arg4[%add3A_15, %dma_start3A_53] : memref<2560x125xi32, #tpu.memory_space<hbm>> -> memref<40x125xi32, #tpu.memory_space<hbm>>
      %dma_start3A_55 = arith.constant 0 : i32
      %dma_start3A_56 = tpu.memref_slice %arg4[%add3A_15, %dma_start3A_55] : memref<2560x125xi32, #tpu.memory_space<hbm>> -> memref<40x125xi32, #tpu.memory_space<hbm>>
      tpu.enqueue_dma source(%dma_start3A_56 : memref<40x125xi32, #tpu.memory_space<hbm>>) target(%arg7 : memref<40x125xi32, #tpu.memory_space<vmem>>) target_semaphore(%run_scoped3A : memref<!tpu.dma_semaphore, #tpu.memory_space<semaphore_mem>>)
      %dma_wait3A = arith.constant 0 : i32
      %dma_wait3A_57 = tpu.memref_slice %arg4[%add3A_15, %dma_wait3A] : memref<2560x125xi32, #tpu.memory_space<hbm>> -> memref<40x125xi32, #tpu.memory_space<hbm>>
      %dma_wait3A_58 = arith.constant 0 : i32
      %dma_wait3A_59 = tpu.memref_slice %arg4[%add3A_15, %dma_wait3A_58] : memref<2560x125xi32, #tpu.memory_space<hbm>> -> memref<40x125xi32, #tpu.memory_space<hbm>>
      tpu.wait_dma2 semaphore(%run_scoped3A : memref<!tpu.dma_semaphore, #tpu.memory_space<semaphore_mem>>) src(%dma_wait3A_59 : memref<40x125xi32, #tpu.memory_space<hbm>>) dst(%arg7 : memref<40x125xi32, #tpu.memory_space<vmem>>)
      tpu.yield
    }) : () -> ()
    %dma_start3A = arith.constant 0 : i32
    %dma_start3A_16 = arith.constant 0 : i32
    %dma_start3A_17 = tpu.memref_slice %arg6[%dma_start3A, %dma_start3A_16] : memref<40x125xi32, #tpu.memory_space<vmem>> -> memref<1x125xi32, #tpu.memory_space<vmem>>
    %dma_start3A_18 = tpu.memref_squeeze %dma_start3A_17 : memref<1x125xi32, #tpu.memory_space<vmem>> -> memref<125xi32, #tpu.memory_space<vmem>>
    %dma_start3A_19 = arith.constant 0 : i32
    %dma_start3A_20 = arith.constant 0 : i32
    %dma_start3A_21 = tpu.memref_slice %arg2[%dma_start3A_19, %dma_start3A_20] : memref<10000x128xf32, #tpu.memory_space<hbm>> -> memref<10000x128xf32, #tpu.memory_space<hbm>>
    tpu.enqueue_indirect_dma source(%dma_start3A_21 : memref<10000x128xf32, #tpu.memory_space<hbm>>) target(%arg8 : memref<125x128xf32, #tpu.memory_space<vmem>>) offsets(%dma_start3A_18 : memref<125xi32, #tpu.memory_space<vmem>>) semaphore(%arg12 : memref<!tpu.dma_semaphore, #tpu.memory_space<semaphore_mem>>)
    %scan3A_22 = arith.constant 0 : i32
    %scan3A_23 = arith.constant 20 : i32
    %scan3A_24 = arith.addi %scan3A_22, %scan3A_23 : i32
    %scan3A_25 = arith.constant 1 : i32
    scf.for %scan3A_53 = %scan3A_22 to %scan3A_24 step %scan3A_25  : i32 {
      %mul3A_54 = arith.constant 1 : i32
      %mul3A_55 = arith.muli %scan3A_53, %mul3A_54 : i32
      %add3A_56 = arith.constant 0 : i32
      %add3A_57 = arith.addi %add3A_56, %mul3A_55 : i32
      %mul3A_58 = arith.constant 2 : i32
      %mul3A_59 = arith.muli %add3A_57, %mul3A_58 : i32
      %add3A_60 = arith.constant 1 : i32
      %add3A_61 = arith.addi %mul3A_59, %add3A_60 : i32
      %dma_start3A_62 = arith.constant 0 : i32
      %dma_start3A_63 = tpu.memref_slice %arg6[%add3A_61, %dma_start3A_62] : memref<40x125xi32, #tpu.memory_space<vmem>> -> memref<1x125xi32, #tpu.memory_space<vmem>>
      %dma_start3A_64 = tpu.memref_squeeze %dma_start3A_63 : memref<1x125xi32, #tpu.memory_space<vmem>> -> memref<125xi32, #tpu.memory_space<vmem>>
      %dma_start3A_65 = arith.constant 0 : i32
      %dma_start3A_66 = arith.constant 0 : i32
      %dma_start3A_67 = tpu.memref_slice %arg2[%dma_start3A_65, %dma_start3A_66] : memref<10000x128xf32, #tpu.memory_space<hbm>> -> memref<10000x128xf32, #tpu.memory_space<hbm>>
      tpu.enqueue_indirect_dma source(%dma_start3A_67 : memref<10000x128xf32, #tpu.memory_space<hbm>>) target(%arg9 : memref<125x128xf32, #tpu.memory_space<vmem>>) offsets(%dma_start3A_64 : memref<125xi32, #tpu.memory_space<vmem>>) semaphore(%arg13 : memref<!tpu.dma_semaphore, #tpu.memory_space<semaphore_mem>>)
      %dma_wait3A = arith.constant 0 : i32
      %dma_wait3A_68 = tpu.memref_slice %arg6[%mul3A_59, %dma_wait3A] : memref<40x125xi32, #tpu.memory_space<vmem>> -> memref<1x125xi32, #tpu.memory_space<vmem>>
      %dma_wait3A_69 = tpu.memref_squeeze %dma_wait3A_68 : memref<1x125xi32, #tpu.memory_space<vmem>> -> memref<125xi32, #tpu.memory_space<vmem>>
      %dma_wait3A_70 = arith.constant 0 : i32
      %dma_wait3A_71 = arith.constant 0 : i32
      %dma_wait3A_72 = tpu.memref_slice %arg2[%dma_wait3A_70, %dma_wait3A_71] : memref<10000x128xf32, #tpu.memory_space<hbm>> -> memref<10000x128xf32, #tpu.memory_space<hbm>>
      tpu.wait_indirect_dma semaphore(%arg12 : memref<!tpu.dma_semaphore, #tpu.memory_space<semaphore_mem>>) src(%dma_wait3A_72 : memref<10000x128xf32, #tpu.memory_space<hbm>>) dst(%arg8 : memref<125x128xf32, #tpu.memory_space<vmem>>)
      "tpu.region"() ({
        %run_scoped3A = tpu.sem_alloc : memref<!tpu.dma_semaphore, #tpu.memory_space<semaphore_mem>>
        %dma_start3A_89 = arith.constant 0 : i32
        %dma_start3A_90 = tpu.memref_slice %arg7[%mul3A_59, %dma_start3A_89] : memref<40x125xi32, #tpu.memory_space<vmem>> -> memref<1x125xi32, #tpu.memory_space<vmem>>
        %dma_start3A_91 = tpu.memref_squeeze %dma_start3A_90 : memref<1x125xi32, #tpu.memory_space<vmem>> -> memref<125xi32, #tpu.memory_space<vmem>>
        %dma_start3A_92 = arith.constant 0 : i32
        %dma_start3A_93 = arith.constant 0 : i32
        %dma_start3A_94 = tpu.memref_slice %arg11[%dma_start3A_92, %dma_start3A_93] : memref<10000x128xf32, #tpu.memory_space<vmem_shared>> -> memref<10000x128xf32, #tpu.memory_space<vmem_shared>>
        tpu.enqueue_indirect_dma source(%arg8 : memref<125x128xf32, #tpu.memory_space<vmem>>) target(%dma_start3A_94 : memref<10000x128xf32, #tpu.memory_space<vmem_shared>>) offsets(%dma_start3A_91 : memref<125xi32, #tpu.memory_space<vmem>>) semaphore(%run_scoped3A : memref<!tpu.dma_semaphore, #tpu.memory_space<semaphore_mem>>) {add = true}
        %dma_wait3A_95 = arith.constant 0 : i32
        %dma_wait3A_96 = tpu.memref_slice %arg7[%mul3A_59, %dma_wait3A_95] : memref<40x125xi32, #tpu.memory_space<vmem>> -> memref<1x125xi32, #tpu.memory_space<vmem>>
        %dma_wait3A_97 = tpu.memref_squeeze %dma_wait3A_96 : memref<1x125xi32, #tpu.memory_space<vmem>> -> memref<125xi32, #tpu.memory_space<vmem>>
        %dma_wait3A_98 = arith.constant 0 : i32
        %dma_wait3A_99 = arith.constant 0 : i32
        %dma_wait3A_100 = tpu.memref_slice %arg11[%dma_wait3A_98, %dma_wait3A_99] : memref<10000x128xf32, #tpu.memory_space<vmem_shared>> -> memref<10000x128xf32, #tpu.memory_space<vmem_shared>>
        tpu.wait_indirect_dma semaphore(%run_scoped3A : memref<!tpu.dma_semaphore, #tpu.memory_space<semaphore_mem>>) src(%arg8 : memref<125x128xf32, #tpu.memory_space<vmem>>) dst(%dma_wait3A_100 : memref<10000x128xf32, #tpu.memory_space<vmem_shared>>)
        tpu.yield
      }) : () -> ()
      %add3A_73 = arith.constant 2 : i32
      %add3A_74 = arith.addi %mul3A_59, %add3A_73 : i32
      %lt3A = arith.constant 40 : i32
      %lt3A_75 = arith.cmpi slt, %add3A_74, %lt3A : i32
      %convert_element_type3A_76 = arith.extui %lt3A_75 : i1 to i32
      %cond3A_77 = arith.constant 0 : i32
      %cond3A_78 = arith.cmpi ne, %convert_element_type3A_76, %cond3A_77 : i32
      scf.if %cond3A_78 {
        %add3A_89 = arith.constant 2 : i32
        %add3A_90 = arith.addi %mul3A_59, %add3A_89 : i32
        %dma_start3A_91 = arith.constant 0 : i32
        %dma_start3A_92 = tpu.memref_slice %arg6[%add3A_90, %dma_start3A_91] : memref<40x125xi32, #tpu.memory_space<vmem>> -> memref<1x125xi32, #tpu.memory_space<vmem>>
        %dma_start3A_93 = tpu.memref_squeeze %dma_start3A_92 : memref<1x125xi32, #tpu.memory_space<vmem>> -> memref<125xi32, #tpu.memory_space<vmem>>
        %dma_start3A_94 = arith.constant 0 : i32
        %dma_start3A_95 = arith.constant 0 : i32
        %dma_start3A_96 = tpu.memref_slice %arg2[%dma_start3A_94, %dma_start3A_95] : memref<10000x128xf32, #tpu.memory_space<hbm>> -> memref<10000x128xf32, #tpu.memory_space<hbm>>
        tpu.enqueue_indirect_dma source(%dma_start3A_96 : memref<10000x128xf32, #tpu.memory_space<hbm>>) target(%arg8 : memref<125x128xf32, #tpu.memory_space<vmem>>) offsets(%dma_start3A_93 : memref<125xi32, #tpu.memory_space<vmem>>) semaphore(%arg12 : memref<!tpu.dma_semaphore, #tpu.memory_space<semaphore_mem>>)
      } else {
      }
      %add3A_79 = arith.constant 1 : i32
      %add3A_80 = arith.addi %mul3A_59, %add3A_79 : i32
      %dma_wait3A_81 = arith.constant 0 : i32
      %dma_wait3A_82 = tpu.memref_slice %arg6[%add3A_80, %dma_wait3A_81] : memref<40x125xi32, #tpu.memory_space<vmem>> -> memref<1x125xi32, #tpu.memory_space<vmem>>
      %dma_wait3A_83 = tpu.memref_squeeze %dma_wait3A_82 : memref<1x125xi32, #tpu.memory_space<vmem>> -> memref<125xi32, #tpu.memory_space<vmem>>
      %dma_wait3A_84 = arith.constant 0 : i32
      %dma_wait3A_85 = arith.constant 0 : i32
      %dma_wait3A_86 = tpu.memref_slice %arg2[%dma_wait3A_84, %dma_wait3A_85] : memref<10000x128xf32, #tpu.memory_space<hbm>> -> memref<10000x128xf32, #tpu.memory_space<hbm>>
      tpu.wait_indirect_dma semaphore(%arg13 : memref<!tpu.dma_semaphore, #tpu.memory_space<semaphore_mem>>) src(%dma_wait3A_86 : memref<10000x128xf32, #tpu.memory_space<hbm>>) dst(%arg9 : memref<125x128xf32, #tpu.memory_space<vmem>>)
      %add3A_87 = arith.constant 1 : i32
      %add3A_88 = arith.addi %mul3A_59, %add3A_87 : i32
      "tpu.region"() ({
        %run_scoped3A = tpu.sem_alloc : memref<!tpu.dma_semaphore, #tpu.memory_space<semaphore_mem>>
        %dma_start3A_89 = arith.constant 0 : i32
        %dma_start3A_90 = tpu.memref_slice %arg7[%add3A_88, %dma_start3A_89] : memref<40x125xi32, #tpu.memory_space<vmem>> -> memref<1x125xi32, #tpu.memory_space<vmem>>
        %dma_start3A_91 = tpu.memref_squeeze %dma_start3A_90 : memref<1x125xi32, #tpu.memory_space<vmem>> -> memref<125xi32, #tpu.memory_space<vmem>>
        %dma_start3A_92 = arith.constant 0 : i32
        %dma_start3A_93 = arith.constant 0 : i32
        %dma_start3A_94 = tpu.memref_slice %arg11[%dma_start3A_92, %dma_start3A_93] : memref<10000x128xf32, #tpu.memory_space<vmem_shared>> -> memref<10000x128xf32, #tpu.memory_space<vmem_shared>>
        tpu.enqueue_indirect_dma source(%arg9 : memref<125x128xf32, #tpu.memory_space<vmem>>) target(%dma_start3A_94 : memref<10000x128xf32, #tpu.memory_space<vmem_shared>>) offsets(%dma_start3A_91 : memref<125xi32, #tpu.memory_space<vmem>>) semaphore(%run_scoped3A : memref<!tpu.dma_semaphore, #tpu.memory_space<semaphore_mem>>) {add = true}
        %dma_wait3A_95 = arith.constant 0 : i32
        %dma_wait3A_96 = tpu.memref_slice %arg7[%add3A_88, %dma_wait3A_95] : memref<40x125xi32, #tpu.memory_space<vmem>> -> memref<1x125xi32, #tpu.memory_space<vmem>>
        %dma_wait3A_97 = tpu.memref_squeeze %dma_wait3A_96 : memref<1x125xi32, #tpu.memory_space<vmem>> -> memref<125xi32, #tpu.memory_space<vmem>>
        %dma_wait3A_98 = arith.constant 0 : i32
        %dma_wait3A_99 = arith.constant 0 : i32
        %dma_wait3A_100 = tpu.memref_slice %arg11[%dma_wait3A_98, %dma_wait3A_99] : memref<10000x128xf32, #tpu.memory_space<vmem_shared>> -> memref<10000x128xf32, #tpu.memory_space<vmem_shared>>
        tpu.wait_indirect_dma semaphore(%run_scoped3A : memref<!tpu.dma_semaphore, #tpu.memory_space<semaphore_mem>>) src(%arg9 : memref<125x128xf32, #tpu.memory_space<vmem>>) dst(%dma_wait3A_100 : memref<10000x128xf32, #tpu.memory_space<vmem_shared>>)
        tpu.yield
      }) : () -> ()
    }
    %scan3A_26 = arith.constant 20 : i32
    %mul3A_27 = arith.constant 80 : i32
    %mul3A_28 = arith.muli %add3A, %mul3A_27 : i32
    %add3A_29 = arith.constant 40 : i32
    %add3A_30 = arith.addi %mul3A_28, %add3A_29 : i32
    "tpu.region"() ({
      %run_scoped3A = tpu.sem_alloc : memref<!tpu.dma_semaphore, #tpu.memory_space<semaphore_mem>>
      %dma_start3A_53 = arith.constant 0 : i32
      %dma_start3A_54 = tpu.memref_slice %arg3[%add3A_30, %dma_start3A_53] : memref<2560x125xi32, #tpu.memory_space<hbm>> -> memref<40x125xi32, #tpu.memory_space<hbm>>
      %dma_start3A_55 = arith.constant 0 : i32
      %dma_start3A_56 = tpu.memref_slice %arg3[%add3A_30, %dma_start3A_55] : memref<2560x125xi32, #tpu.memory_space<hbm>> -> memref<40x125xi32, #tpu.memory_space<hbm>>
      tpu.enqueue_dma source(%dma_start3A_56 : memref<40x125xi32, #tpu.memory_space<hbm>>) target(%arg6 : memref<40x125xi32, #tpu.memory_space<vmem>>) target_semaphore(%run_scoped3A : memref<!tpu.dma_semaphore, #tpu.memory_space<semaphore_mem>>)
      %dma_wait3A = arith.constant 0 : i32
      %dma_wait3A_57 = tpu.memref_slice %arg3[%add3A_30, %dma_wait3A] : memref<2560x125xi32, #tpu.memory_space<hbm>> -> memref<40x125xi32, #tpu.memory_space<hbm>>
      %dma_wait3A_58 = arith.constant 0 : i32
      %dma_wait3A_59 = tpu.memref_slice %arg3[%add3A_30, %dma_wait3A_58] : memref<2560x125xi32, #tpu.memory_space<hbm>> -> memref<40x125xi32, #tpu.memory_space<hbm>>
      tpu.wait_dma2 semaphore(%run_scoped3A : memref<!tpu.dma_semaphore, #tpu.memory_space<semaphore_mem>>) src(%dma_wait3A_59 : memref<40x125xi32, #tpu.memory_space<hbm>>) dst(%arg6 : memref<40x125xi32, #tpu.memory_space<vmem>>)
      tpu.yield
    }) : () -> ()
    "tpu.region"() ({
      %run_scoped3A = tpu.sem_alloc : memref<!tpu.dma_semaphore, #tpu.memory_space<semaphore_mem>>
      %dma_start3A_53 = arith.constant 0 : i32
      %dma_start3A_54 = tpu.memref_slice %arg4[%add3A_30, %dma_start3A_53] : memref<2560x125xi32, #tpu.memory_space<hbm>> -> memref<40x125xi32, #tpu.memory_space<hbm>>
      %dma_start3A_55 = arith.constant 0 : i32
      %dma_start3A_56 = tpu.memref_slice %arg4[%add3A_30, %dma_start3A_55] : memref<2560x125xi32, #tpu.memory_space<hbm>> -> memref<40x125xi32, #tpu.memory_space<hbm>>
      tpu.enqueue_dma source(%dma_start3A_56 : memref<40x125xi32, #tpu.memory_space<hbm>>) target(%arg7 : memref<40x125xi32, #tpu.memory_space<vmem>>) target_semaphore(%run_scoped3A : memref<!tpu.dma_semaphore, #tpu.memory_space<semaphore_mem>>)
      %dma_wait3A = arith.constant 0 : i32
      %dma_wait3A_57 = tpu.memref_slice %arg4[%add3A_30, %dma_wait3A] : memref<2560x125xi32, #tpu.memory_space<hbm>> -> memref<40x125xi32, #tpu.memory_space<hbm>>
      %dma_wait3A_58 = arith.constant 0 : i32
      %dma_wait3A_59 = tpu.memref_slice %arg4[%add3A_30, %dma_wait3A_58] : memref<2560x125xi32, #tpu.memory_space<hbm>> -> memref<40x125xi32, #tpu.memory_space<hbm>>
      tpu.wait_dma2 semaphore(%run_scoped3A : memref<!tpu.dma_semaphore, #tpu.memory_space<semaphore_mem>>) src(%dma_wait3A_59 : memref<40x125xi32, #tpu.memory_space<hbm>>) dst(%arg7 : memref<40x125xi32, #tpu.memory_space<vmem>>)
      tpu.yield
    }) : () -> ()
    %dma_start3A_31 = arith.constant 0 : i32
    %dma_start3A_32 = arith.constant 0 : i32
    %dma_start3A_33 = tpu.memref_slice %arg6[%dma_start3A_31, %dma_start3A_32] : memref<40x125xi32, #tpu.memory_space<vmem>> -> memref<1x125xi32, #tpu.memory_space<vmem>>
    %dma_start3A_34 = tpu.memref_squeeze %dma_start3A_33 : memref<1x125xi32, #tpu.memory_space<vmem>> -> memref<125xi32, #tpu.memory_space<vmem>>
    %dma_start3A_35 = arith.constant 0 : i32
    %dma_start3A_36 = arith.constant 0 : i32
    %dma_start3A_37 = tpu.memref_slice %arg2[%dma_start3A_35, %dma_start3A_36] : memref<10000x128xf32, #tpu.memory_space<hbm>> -> memref<10000x128xf32, #tpu.memory_space<hbm>>
    tpu.enqueue_indirect_dma source(%dma_start3A_37 : memref<10000x128xf32, #tpu.memory_space<hbm>>) target(%arg8 : memref<125x128xf32, #tpu.memory_space<vmem>>) offsets(%dma_start3A_34 : memref<125xi32, #tpu.memory_space<vmem>>) semaphore(%arg12 : memref<!tpu.dma_semaphore, #tpu.memory_space<semaphore_mem>>)
    %scan3A_38 = arith.constant 0 : i32
    %scan3A_39 = arith.constant 20 : i32
    %scan3A_40 = arith.addi %scan3A_38, %scan3A_39 : i32
    %scan3A_41 = arith.constant 1 : i32
    scf.for %scan3A_53 = %scan3A_38 to %scan3A_40 step %scan3A_41  : i32 {
      %mul3A_54 = arith.constant 1 : i32
      %mul3A_55 = arith.muli %scan3A_53, %mul3A_54 : i32
      %add3A_56 = arith.constant 0 : i32
      %add3A_57 = arith.addi %add3A_56, %mul3A_55 : i32
      %mul3A_58 = arith.constant 2 : i32
      %mul3A_59 = arith.muli %add3A_57, %mul3A_58 : i32
      %add3A_60 = arith.constant 1 : i32
      %add3A_61 = arith.addi %mul3A_59, %add3A_60 : i32
      %dma_start3A_62 = arith.constant 0 : i32
      %dma_start3A_63 = tpu.memref_slice %arg6[%add3A_61, %dma_start3A_62] : memref<40x125xi32, #tpu.memory_space<vmem>> -> memref<1x125xi32, #tpu.memory_space<vmem>>
      %dma_start3A_64 = tpu.memref_squeeze %dma_start3A_63 : memref<1x125xi32, #tpu.memory_space<vmem>> -> memref<125xi32, #tpu.memory_space<vmem>>
      %dma_start3A_65 = arith.constant 0 : i32
      %dma_start3A_66 = arith.constant 0 : i32
      %dma_start3A_67 = tpu.memref_slice %arg2[%dma_start3A_65, %dma_start3A_66] : memref<10000x128xf32, #tpu.memory_space<hbm>> -> memref<10000x128xf32, #tpu.memory_space<hbm>>
      tpu.enqueue_indirect_dma source(%dma_start3A_67 : memref<10000x128xf32, #tpu.memory_space<hbm>>) target(%arg9 : memref<125x128xf32, #tpu.memory_space<vmem>>) offsets(%dma_start3A_64 : memref<125xi32, #tpu.memory_space<vmem>>) semaphore(%arg13 : memref<!tpu.dma_semaphore, #tpu.memory_space<semaphore_mem>>)
      %dma_wait3A = arith.constant 0 : i32
      %dma_wait3A_68 = tpu.memref_slice %arg6[%mul3A_59, %dma_wait3A] : memref<40x125xi32, #tpu.memory_space<vmem>> -> memref<1x125xi32, #tpu.memory_space<vmem>>
      %dma_wait3A_69 = tpu.memref_squeeze %dma_wait3A_68 : memref<1x125xi32, #tpu.memory_space<vmem>> -> memref<125xi32, #tpu.memory_space<vmem>>
      %dma_wait3A_70 = arith.constant 0 : i32
      %dma_wait3A_71 = arith.constant 0 : i32
      %dma_wait3A_72 = tpu.memref_slice %arg2[%dma_wait3A_70, %dma_wait3A_71] : memref<10000x128xf32, #tpu.memory_space<hbm>> -> memref<10000x128xf32, #tpu.memory_space<hbm>>
      tpu.wait_indirect_dma semaphore(%arg12 : memref<!tpu.dma_semaphore, #tpu.memory_space<semaphore_mem>>) src(%dma_wait3A_72 : memref<10000x128xf32, #tpu.memory_space<hbm>>) dst(%arg8 : memref<125x128xf32, #tpu.memory_space<vmem>>)
      "tpu.region"() ({
        %run_scoped3A = tpu.sem_alloc : memref<!tpu.dma_semaphore, #tpu.memory_space<semaphore_mem>>
        %dma_start3A_89 = arith.constant 0 : i32
        %dma_start3A_90 = tpu.memref_slice %arg7[%mul3A_59, %dma_start3A_89] : memref<40x125xi32, #tpu.memory_space<vmem>> -> memref<1x125xi32, #tpu.memory_space<vmem>>
        %dma_start3A_91 = tpu.memref_squeeze %dma_start3A_90 : memref<1x125xi32, #tpu.memory_space<vmem>> -> memref<125xi32, #tpu.memory_space<vmem>>
        %dma_start3A_92 = arith.constant 0 : i32
        %dma_start3A_93 = arith.constant 0 : i32
        %dma_start3A_94 = tpu.memref_slice %arg11[%dma_start3A_92, %dma_start3A_93] : memref<10000x128xf32, #tpu.memory_space<vmem_shared>> -> memref<10000x128xf32, #tpu.memory_space<vmem_shared>>
        tpu.enqueue_indirect_dma source(%arg8 : memref<125x128xf32, #tpu.memory_space<vmem>>) target(%dma_start3A_94 : memref<10000x128xf32, #tpu.memory_space<vmem_shared>>) offsets(%dma_start3A_91 : memref<125xi32, #tpu.memory_space<vmem>>) semaphore(%run_scoped3A : memref<!tpu.dma_semaphore, #tpu.memory_space<semaphore_mem>>) {add = true}
        %dma_wait3A_95 = arith.constant 0 : i32
        %dma_wait3A_96 = tpu.memref_slice %arg7[%mul3A_59, %dma_wait3A_95] : memref<40x125xi32, #tpu.memory_space<vmem>> -> memref<1x125xi32, #tpu.memory_space<vmem>>
        %dma_wait3A_97 = tpu.memref_squeeze %dma_wait3A_96 : memref<1x125xi32, #tpu.memory_space<vmem>> -> memref<125xi32, #tpu.memory_space<vmem>>
        %dma_wait3A_98 = arith.constant 0 : i32
        %dma_wait3A_99 = arith.constant 0 : i32
        %dma_wait3A_100 = tpu.memref_slice %arg11[%dma_wait3A_98, %dma_wait3A_99] : memref<10000x128xf32, #tpu.memory_space<vmem_shared>> -> memref<10000x128xf32, #tpu.memory_space<vmem_shared>>
        tpu.wait_indirect_dma semaphore(%run_scoped3A : memref<!tpu.dma_semaphore, #tpu.memory_space<semaphore_mem>>) src(%arg8 : memref<125x128xf32, #tpu.memory_space<vmem>>) dst(%dma_wait3A_100 : memref<10000x128xf32, #tpu.memory_space<vmem_shared>>)
        tpu.yield
      }) : () -> ()
      %add3A_73 = arith.constant 2 : i32
      %add3A_74 = arith.addi %mul3A_59, %add3A_73 : i32
      %lt3A = arith.constant 40 : i32
      %lt3A_75 = arith.cmpi slt, %add3A_74, %lt3A : i32
      %convert_element_type3A_76 = arith.extui %lt3A_75 : i1 to i32
      %cond3A_77 = arith.constant 0 : i32
      %cond3A_78 = arith.cmpi ne, %convert_element_type3A_76, %cond3A_77 : i32
      scf.if %cond3A_78 {
        %add3A_89 = arith.constant 2 : i32
        %add3A_90 = arith.addi %mul3A_59, %add3A_89 : i32
        %dma_start3A_91 = arith.constant 0 : i32
        %dma_start3A_92 = tpu.memref_slice %arg6[%add3A_90, %dma_start3A_91] : memref<40x125xi32, #tpu.memory_space<vmem>> -> memref<1x125xi32, #tpu.memory_space<vmem>>
        %dma_start3A_93 = tpu.memref_squeeze %dma_start3A_92 : memref<1x125xi32, #tpu.memory_space<vmem>> -> memref<125xi32, #tpu.memory_space<vmem>>
        %dma_start3A_94 = arith.constant 0 : i32
        %dma_start3A_95 = arith.constant 0 : i32
        %dma_start3A_96 = tpu.memref_slice %arg2[%dma_start3A_94, %dma_start3A_95] : memref<10000x128xf32, #tpu.memory_space<hbm>> -> memref<10000x128xf32, #tpu.memory_space<hbm>>
        tpu.enqueue_indirect_dma source(%dma_start3A_96 : memref<10000x128xf32, #tpu.memory_space<hbm>>) target(%arg8 : memref<125x128xf32, #tpu.memory_space<vmem>>) offsets(%dma_start3A_93 : memref<125xi32, #tpu.memory_space<vmem>>) semaphore(%arg12 : memref<!tpu.dma_semaphore, #tpu.memory_space<semaphore_mem>>)
      } else {
      }
      %add3A_79 = arith.constant 1 : i32
      %add3A_80 = arith.addi %mul3A_59, %add3A_79 : i32
      %dma_wait3A_81 = arith.constant 0 : i32
      %dma_wait3A_82 = tpu.memref_slice %arg6[%add3A_80, %dma_wait3A_81] : memref<40x125xi32, #tpu.memory_space<vmem>> -> memref<1x125xi32, #tpu.memory_space<vmem>>
      %dma_wait3A_83 = tpu.memref_squeeze %dma_wait3A_82 : memref<1x125xi32, #tpu.memory_space<vmem>> -> memref<125xi32, #tpu.memory_space<vmem>>
      %dma_wait3A_84 = arith.constant 0 : i32
      %dma_wait3A_85 = arith.constant 0 : i32
      %dma_wait3A_86 = tpu.memref_slice %arg2[%dma_wait3A_84, %dma_wait3A_85] : memref<10000x128xf32, #tpu.memory_space<hbm>> -> memref<10000x128xf32, #tpu.memory_space<hbm>>
      tpu.wait_indirect_dma semaphore(%arg13 : memref<!tpu.dma_semaphore, #tpu.memory_space<semaphore_mem>>) src(%dma_wait3A_86 : memref<10000x128xf32, #tpu.memory_space<hbm>>) dst(%arg9 : memref<125x128xf32, #tpu.memory_space<vmem>>)
      %add3A_87 = arith.constant 1 : i32
      %add3A_88 = arith.addi %mul3A_59, %add3A_87 : i32
      "tpu.region"() ({
        %run_scoped3A = tpu.sem_alloc : memref<!tpu.dma_semaphore, #tpu.memory_space<semaphore_mem>>
        %dma_start3A_89 = arith.constant 0 : i32
        %dma_start3A_90 = tpu.memref_slice %arg7[%add3A_88, %dma_start3A_89] : memref<40x125xi32, #tpu.memory_space<vmem>> -> memref<1x125xi32, #tpu.memory_space<vmem>>
        %dma_start3A_91 = tpu.memref_squeeze %dma_start3A_90 : memref<1x125xi32, #tpu.memory_space<vmem>> -> memref<125xi32, #tpu.memory_space<vmem>>
        %dma_start3A_92 = arith.constant 0 : i32
        %dma_start3A_93 = arith.constant 0 : i32
        %dma_start3A_94 = tpu.memref_slice %arg11[%dma_start3A_92, %dma_start3A_93] : memref<10000x128xf32, #tpu.memory_space<vmem_shared>> -> memref<10000x128xf32, #tpu.memory_space<vmem_shared>>
        tpu.enqueue_indirect_dma source(%arg9 : memref<125x128xf32, #tpu.memory_space<vmem>>) target(%dma_start3A_94 : memref<10000x128xf32, #tpu.memory_space<vmem_shared>>) offsets(%dma_start3A_91 : memref<125xi32, #tpu.memory_space<vmem>>) semaphore(%run_scoped3A : memref<!tpu.dma_semaphore, #tpu.memory_space<semaphore_mem>>) {add = true}
        %dma_wait3A_95 = arith.constant 0 : i32
        %dma_wait3A_96 = tpu.memref_slice %arg7[%add3A_88, %dma_wait3A_95] : memref<40x125xi32, #tpu.memory_space<vmem>> -> memref<1x125xi32, #tpu.memory_space<vmem>>
        %dma_wait3A_97 = tpu.memref_squeeze %dma_wait3A_96 : memref<1x125xi32, #tpu.memory_space<vmem>> -> memref<125xi32, #tpu.memory_space<vmem>>
        %dma_wait3A_98 = arith.constant 0 : i32
        %dma_wait3A_99 = arith.constant 0 : i32
        %dma_wait3A_100 = tpu.memref_slice %arg11[%dma_wait3A_98, %dma_wait3A_99] : memref<10000x128xf32, #tpu.memory_space<vmem_shared>> -> memref<10000x128xf32, #tpu.memory_space<vmem_shared>>
        tpu.wait_indirect_dma semaphore(%run_scoped3A : memref<!tpu.dma_semaphore, #tpu.memory_space<semaphore_mem>>) src(%arg9 : memref<125x128xf32, #tpu.memory_space<vmem>>) dst(%dma_wait3A_100 : memref<10000x128xf32, #tpu.memory_space<vmem_shared>>)
        tpu.yield
      }) : () -> ()
    }
    %scan3A_42 = arith.constant 20 : i32
    %barrier3A_43 = arith.constant 0 : index
    tpu.barrier barrier_id(%barrier3A_43)
    %mul3A_44 = arith.constant 624 : i32
    %mul3A_45 = arith.muli %arg1, %mul3A_44 : i32
    %mul3A_46 = arith.constant 624 : i32
    %mul3A_47 = arith.muli %arg1, %mul3A_46 : i32
    "tpu.region"() ({
      %run_scoped3A = tpu.sem_alloc : memref<!tpu.dma_semaphore, #tpu.memory_space<semaphore_mem>>
      %dma_start3A_53 = arith.constant 0 : i32
      %dma_start3A_54 = tpu.memref_slice %arg5[%arg0, %mul3A_47, %dma_start3A_53] : memref<2x10000x128xf32, #tpu.memory_space<hbm>> -> memref<1x624x128xf32, #tpu.memory_space<hbm>>
      %dma_start3A_55 = tpu.memref_squeeze %dma_start3A_54 : memref<1x624x128xf32, #tpu.memory_space<hbm>> -> memref<624x128xf32, #tpu.memory_space<hbm>>
      %dma_start3A_56 = arith.constant 0 : i32
      %dma_start3A_57 = tpu.memref_slice %arg11[%mul3A_45, %dma_start3A_56] : memref<10000x128xf32, #tpu.memory_space<vmem_shared>> -> memref<624x128xf32, #tpu.memory_space<vmem_shared>>
      tpu.enqueue_dma source(%dma_start3A_57 : memref<624x128xf32, #tpu.memory_space<vmem_shared>>) target(%dma_start3A_55 : memref<624x128xf32, #tpu.memory_space<hbm>>) target_semaphore(%run_scoped3A : memref<!tpu.dma_semaphore, #tpu.memory_space<semaphore_mem>>)
      %dma_wait3A = arith.constant 0 : i32
      %dma_wait3A_58 = tpu.memref_slice %arg5[%arg0, %mul3A_47, %dma_wait3A] : memref<2x10000x128xf32, #tpu.memory_space<hbm>> -> memref<1x624x128xf32, #tpu.memory_space<hbm>>
      %dma_wait3A_59 = tpu.memref_squeeze %dma_wait3A_58 : memref<1x624x128xf32, #tpu.memory_space<hbm>> -> memref<624x128xf32, #tpu.memory_space<hbm>>
      %dma_wait3A_60 = arith.constant 0 : i32
      %dma_wait3A_61 = tpu.memref_slice %arg11[%mul3A_45, %dma_wait3A_60] : memref<10000x128xf32, #tpu.memory_space<vmem_shared>> -> memref<624x128xf32, #tpu.memory_space<vmem_shared>>
      tpu.wait_dma2 semaphore(%run_scoped3A : memref<!tpu.dma_semaphore, #tpu.memory_space<semaphore_mem>>) src(%dma_wait3A_61 : memref<624x128xf32, #tpu.memory_space<vmem_shared>>) dst(%dma_wait3A_59 : memref<624x128xf32, #tpu.memory_space<hbm>>)
      tpu.yield
    }) : () -> ()
    %eq3A_48 = arith.constant 15 : i32
    %eq3A_49 = arith.cmpi eq, %arg1, %eq3A_48 : i32
    %convert_element_type3A_50 = arith.extui %eq3A_49 : i1 to i32
    %cond3A_51 = arith.constant 0 : i32
    %cond3A_52 = arith.cmpi ne, %convert_element_type3A_50, %cond3A_51 : i32
    scf.if %cond3A_52 {
      "tpu.region"() ({
        %run_scoped3A = tpu.sem_alloc : memref<!tpu.dma_semaphore, #tpu.memory_space<semaphore_mem>>
        %dma_start3A_53 = arith.constant 9984 : i32
        %dma_start3A_54 = arith.constant 0 : i32
        %dma_start3A_55 = tpu.memref_slice %arg5[%arg0, %dma_start3A_53, %dma_start3A_54] : memref<2x10000x128xf32, #tpu.memory_space<hbm>> -> memref<1x16x128xf32, #tpu.memory_space<hbm>>
        %dma_start3A_56 = tpu.memref_squeeze %dma_start3A_55 : memref<1x16x128xf32, #tpu.memory_space<hbm>> -> memref<16x128xf32, #tpu.memory_space<hbm>>
        %dma_start3A_57 = arith.constant 9984 : i32
        %dma_start3A_58 = arith.constant 0 : i32
        %dma_start3A_59 = tpu.memref_slice %arg11[%dma_start3A_57, %dma_start3A_58] : memref<10000x128xf32, #tpu.memory_space<vmem_shared>> -> memref<16x128xf32, #tpu.memory_space<vmem_shared>>
        tpu.enqueue_dma source(%dma_start3A_59 : memref<16x128xf32, #tpu.memory_space<vmem_shared>>) target(%dma_start3A_56 : memref<16x128xf32, #tpu.memory_space<hbm>>) target_semaphore(%run_scoped3A : memref<!tpu.dma_semaphore, #tpu.memory_space<semaphore_mem>>)
        %dma_wait3A = arith.constant 9984 : i32
        %dma_wait3A_60 = arith.constant 0 : i32
        %dma_wait3A_61 = tpu.memref_slice %arg5[%arg0, %dma_wait3A, %dma_wait3A_60] : memref<2x10000x128xf32, #tpu.memory_space<hbm>> -> memref<1x16x128xf32, #tpu.memory_space<hbm>>
        %dma_wait3A_62 = tpu.memref_squeeze %dma_wait3A_61 : memref<1x16x128xf32, #tpu.memory_space<hbm>> -> memref<16x128xf32, #tpu.memory_space<hbm>>
        %dma_wait3A_63 = arith.constant 9984 : i32
        %dma_wait3A_64 = arith.constant 0 : i32
        %dma_wait3A_65 = tpu.memref_slice %arg11[%dma_wait3A_63, %dma_wait3A_64] : memref<10000x128xf32, #tpu.memory_space<vmem_shared>> -> memref<16x128xf32, #tpu.memory_space<vmem_shared>>
        tpu.wait_dma2 semaphore(%run_scoped3A : memref<!tpu.dma_semaphore, #tpu.memory_space<semaphore_mem>>) src(%dma_wait3A_65 : memref<16x128xf32, #tpu.memory_space<vmem_shared>>) dst(%dma_wait3A_62 : memref<16x128xf32, #tpu.memory_space<hbm>>)
        tpu.yield
      }) : () -> ()
    } else {
    }
    return
  }
}

#map = affine_map<(d0, d1) -> (0, 0)>
#map1 = affine_map<(d0, d1) -> (0, 0, 0)>
module attributes {stable_mosaic.version = 14 : i64} {
  func.func @k(%arg0: i32, %arg1: i32, %arg2: memref<2560x125xi32, #tpu.memory_space<hbm>>, %arg3: memref<2x10000x16xf32, #tpu.memory_space<hbm>>, %arg4: memref<80x125xi32, #tpu.memory_space<vmem>>, %arg5: memref<125x16xf32, #tpu.memory_space<vmem>>, %arg6: memref<48x16xf32, #tpu.memory_space<vmem>>, %arg7: memref<10000x16xf32, #tpu.memory_space<vmem_shared>>) attributes {dimension_semantics = [#tpu.dimension_semantics<core_parallel>, #tpu.dimension_semantics<subcore_parallel>], iteration_bounds = array<i64: 2, 16>, scalar_prefetch = 0 : i64, scratch_operands = 4 : i64, tpu.core_type = #tpu.core_type<sc_vector_subcore>, window_params = [{transform_indices = #map}, {transform_indices = #map1}]} {
    %mul3A = arith.constant 2 : i32
    %mul3A_0 = arith.muli %arg1, %mul3A : i32
    %add3A = arith.addi %mul3A_0, %arg0 : i32
    %mul3A_1 = arith.constant 80 : i32
    %mul3A_2 = arith.muli %add3A, %mul3A_1 : i32
    "tpu.region"() ({
      %run_scoped3A = tpu.sem_alloc : memref<!tpu.dma_semaphore, #tpu.memory_space<semaphore_mem>>
      %dma_start3A = arith.constant 0 : i32
      %dma_start3A_34 = tpu.memref_slice %arg2[%mul3A_2, %dma_start3A] : memref<2560x125xi32, #tpu.memory_space<hbm>> -> memref<80x125xi32, #tpu.memory_space<hbm>>
      %dma_start3A_35 = arith.constant 0 : i32
      %dma_start3A_36 = tpu.memref_slice %arg2[%mul3A_2, %dma_start3A_35] : memref<2560x125xi32, #tpu.memory_space<hbm>> -> memref<80x125xi32, #tpu.memory_space<hbm>>
      tpu.enqueue_dma source(%dma_start3A_36 : memref<80x125xi32, #tpu.memory_space<hbm>>) target(%arg4 : memref<80x125xi32, #tpu.memory_space<vmem>>) target_semaphore(%run_scoped3A : memref<!tpu.dma_semaphore, #tpu.memory_space<semaphore_mem>>)
      %dma_wait3A = arith.constant 0 : i32
      %dma_wait3A_37 = tpu.memref_slice %arg2[%mul3A_2, %dma_wait3A] : memref<2560x125xi32, #tpu.memory_space<hbm>> -> memref<80x125xi32, #tpu.memory_space<hbm>>
      %dma_wait3A_38 = arith.constant 0 : i32
      %dma_wait3A_39 = tpu.memref_slice %arg2[%mul3A_2, %dma_wait3A_38] : memref<2560x125xi32, #tpu.memory_space<hbm>> -> memref<80x125xi32, #tpu.memory_space<hbm>>
      tpu.wait_dma2 semaphore(%run_scoped3A : memref<!tpu.dma_semaphore, #tpu.memory_space<semaphore_mem>>) src(%dma_wait3A_39 : memref<80x125xi32, #tpu.memory_space<hbm>>) dst(%arg4 : memref<80x125xi32, #tpu.memory_space<vmem>>)
      tpu.yield
    }) : () -> ()
    %scan3A = arith.constant 0 : i32
    %scan3A_3 = arith.constant 125 : i32
    %scan3A_4 = arith.addi %scan3A, %scan3A_3 : i32
    %scan3A_5 = arith.constant 1 : i32
    scf.for %scan3A_34 = %scan3A to %scan3A_4 step %scan3A_5  : i32 {
      %mul3A_35 = arith.constant 1 : i32
      %mul3A_36 = arith.muli %scan3A_34, %mul3A_35 : i32
      %add3A_37 = arith.constant 0 : i32
      %add3A_38 = arith.addi %add3A_37, %mul3A_36 : i32
      %broadcast_in_dim3A = arith.constant 1.000000e+00 : f32
      %broadcast_in_dim3A_39 = vector.broadcast %broadcast_in_dim3A : f32 to vector<16xf32>
      %swap3A = arith.index_cast %add3A_38 : i32 to index
      %swap3A_40 = arith.constant 0 : index
      %swap3A_41 = tpu.vector_load %arg5[%swap3A, %swap3A_40] {strides = array<i32>} : memref<125x16xf32, #tpu.memory_space<vmem>>, vector<1x16xf32>,
      %swap3A_42 = vector.shape_cast %swap3A_41 : vector<1x16xf32> to vector<16xf32>
      %swap3A_43 = vector.shape_cast %broadcast_in_dim3A_39 : vector<16xf32> to vector<1x16xf32>
      tpu.vector_store %arg5[%swap3A, %swap3A_40], %swap3A_43 {strides = array<i32>} : memref<125x16xf32, #tpu.memory_space<vmem>>, vector<1x16xf32>,
    }
    %scan3A_6 = arith.constant 125 : i32
    %scan3A_7 = arith.constant 0 : i32
    %scan3A_8 = arith.constant 48 : i32
    %scan3A_9 = arith.addi %scan3A_7, %scan3A_8 : i32
    %scan3A_10 = arith.constant 1 : i32
    scf.for %scan3A_34 = %scan3A_7 to %scan3A_9 step %scan3A_10  : i32 {
      %mul3A_35 = arith.constant 1 : i32
      %mul3A_36 = arith.muli %scan3A_34, %mul3A_35 : i32
      %add3A_37 = arith.constant 0 : i32
      %add3A_38 = arith.addi %add3A_37, %mul3A_36 : i32
      %broadcast_in_dim3A = arith.constant 0.000000e+00 : f32
      %broadcast_in_dim3A_39 = vector.broadcast %broadcast_in_dim3A : f32 to vector<16xf32>
      %swap3A = arith.index_cast %add3A_38 : i32 to index
      %swap3A_40 = arith.constant 0 : index
      %swap3A_41 = tpu.vector_load %arg6[%swap3A, %swap3A_40] {strides = array<i32>} : memref<48x16xf32, #tpu.memory_space<vmem>>, vector<1x16xf32>,
      %swap3A_42 = vector.shape_cast %swap3A_41 : vector<1x16xf32> to vector<16xf32>
      %swap3A_43 = vector.shape_cast %broadcast_in_dim3A_39 : vector<16xf32> to vector<1x16xf32>
      tpu.vector_store %arg6[%swap3A, %swap3A_40], %swap3A_43 {strides = array<i32>} : memref<48x16xf32, #tpu.memory_space<vmem>>, vector<1x16xf32>,
    }
    %scan3A_11 = arith.constant 48 : i32
    %scan3A_12 = arith.constant 0 : i32
    %scan3A_13 = arith.constant 13 : i32
    %scan3A_14 = arith.addi %scan3A_12, %scan3A_13 : i32
    %scan3A_15 = arith.constant 1 : i32
    scf.for %scan3A_34 = %scan3A_12 to %scan3A_14 step %scan3A_15  : i32 {
      %mul3A_35 = arith.constant 1 : i32
      %mul3A_36 = arith.muli %scan3A_34, %mul3A_35 : i32
      %add3A_37 = arith.constant 0 : i32
      %add3A_38 = arith.addi %add3A_37, %mul3A_36 : i32
      %mul3A_39 = arith.constant 624 : i32
      %mul3A_40 = arith.muli %arg1, %mul3A_39 : i32
      %mul3A_41 = arith.constant 48 : i32
      %mul3A_42 = arith.muli %add3A_38, %mul3A_41 : i32
      %add3A_43 = arith.addi %mul3A_40, %mul3A_42 : i32
      "tpu.region"() ({
        %run_scoped3A = tpu.sem_alloc : memref<!tpu.dma_semaphore, #tpu.memory_space<semaphore_mem>>
        %dma_start3A = arith.constant 0 : i32
        %dma_start3A_44 = tpu.memref_slice %arg7[%add3A_43, %dma_start3A] : memref<10000x16xf32, #tpu.memory_space<vmem_shared>> -> memref<48x16xf32, #tpu.memory_space<vmem_shared>>
        %dma_start3A_45 = arith.constant 0 : i32
        %dma_start3A_46 = tpu.memref_slice %arg7[%add3A_43, %dma_start3A_45] : memref<10000x16xf32, #tpu.memory_space<vmem_shared>> -> memref<48x16xf32, #tpu.memory_space<vmem_shared>>
        tpu.enqueue_dma source(%arg6 : memref<48x16xf32, #tpu.memory_space<vmem>>) target(%dma_start3A_46 : memref<48x16xf32, #tpu.memory_space<vmem_shared>>) target_semaphore(%run_scoped3A : memref<!tpu.dma_semaphore, #tpu.memory_space<semaphore_mem>>)
        %dma_wait3A = arith.constant 0 : i32
        %dma_wait3A_47 = tpu.memref_slice %arg7[%add3A_43, %dma_wait3A] : memref<10000x16xf32, #tpu.memory_space<vmem_shared>> -> memref<48x16xf32, #tpu.memory_space<vmem_shared>>
        %dma_wait3A_48 = arith.constant 0 : i32
        %dma_wait3A_49 = tpu.memref_slice %arg7[%add3A_43, %dma_wait3A_48] : memref<10000x16xf32, #tpu.memory_space<vmem_shared>> -> memref<48x16xf32, #tpu.memory_space<vmem_shared>>
        tpu.wait_dma2 semaphore(%run_scoped3A : memref<!tpu.dma_semaphore, #tpu.memory_space<semaphore_mem>>) src(%arg6 : memref<48x16xf32, #tpu.memory_space<vmem>>) dst(%dma_wait3A_49 : memref<48x16xf32, #tpu.memory_space<vmem_shared>>)
        tpu.yield
      }) : () -> ()
    }
    %scan3A_16 = arith.constant 13 : i32
    %eq3A = arith.constant 15 : i32
    %eq3A_17 = arith.cmpi eq, %arg1, %eq3A : i32
    %convert_element_type3A = arith.extui %eq3A_17 : i1 to i32
    %cond3A = arith.constant 0 : i32
    %cond3A_18 = arith.cmpi ne, %convert_element_type3A, %cond3A : i32
    scf.if %cond3A_18 {
      "tpu.region"() ({
        %run_scoped3A = tpu.sem_alloc : memref<!tpu.dma_semaphore, #tpu.memory_space<semaphore_mem>>
        %dma_start3A = arith.constant 0 : i32
        %dma_start3A_34 = arith.constant 0 : i32
        %dma_start3A_35 = tpu.memref_slice %arg6[%dma_start3A, %dma_start3A_34] : memref<48x16xf32, #tpu.memory_space<vmem>> -> memref<16x16xf32, #tpu.memory_space<vmem>>
        %dma_start3A_36 = arith.constant 9984 : i32
        %dma_start3A_37 = arith.constant 0 : i32
        %dma_start3A_38 = tpu.memref_slice %arg7[%dma_start3A_36, %dma_start3A_37] : memref<10000x16xf32, #tpu.memory_space<vmem_shared>> -> memref<16x16xf32, #tpu.memory_space<vmem_shared>>
        %dma_start3A_39 = arith.constant 9984 : i32
        %dma_start3A_40 = arith.constant 0 : i32
        %dma_start3A_41 = tpu.memref_slice %arg7[%dma_start3A_39, %dma_start3A_40] : memref<10000x16xf32, #tpu.memory_space<vmem_shared>> -> memref<16x16xf32, #tpu.memory_space<vmem_shared>>
        %dma_start3A_42 = arith.constant 0 : i32
        %dma_start3A_43 = arith.constant 0 : i32
        %dma_start3A_44 = tpu.memref_slice %arg6[%dma_start3A_42, %dma_start3A_43] : memref<48x16xf32, #tpu.memory_space<vmem>> -> memref<16x16xf32, #tpu.memory_space<vmem>>
        tpu.enqueue_dma source(%dma_start3A_44 : memref<16x16xf32, #tpu.memory_space<vmem>>) target(%dma_start3A_41 : memref<16x16xf32, #tpu.memory_space<vmem_shared>>) target_semaphore(%run_scoped3A : memref<!tpu.dma_semaphore, #tpu.memory_space<semaphore_mem>>)
        %dma_wait3A = arith.constant 0 : i32
        %dma_wait3A_45 = arith.constant 0 : i32
        %dma_wait3A_46 = tpu.memref_slice %arg6[%dma_wait3A, %dma_wait3A_45] : memref<48x16xf32, #tpu.memory_space<vmem>> -> memref<16x16xf32, #tpu.memory_space<vmem>>
        %dma_wait3A_47 = arith.constant 9984 : i32
        %dma_wait3A_48 = arith.constant 0 : i32
        %dma_wait3A_49 = tpu.memref_slice %arg7[%dma_wait3A_47, %dma_wait3A_48] : memref<10000x16xf32, #tpu.memory_space<vmem_shared>> -> memref<16x16xf32, #tpu.memory_space<vmem_shared>>
        %dma_wait3A_50 = arith.constant 9984 : i32
        %dma_wait3A_51 = arith.constant 0 : i32
        %dma_wait3A_52 = tpu.memref_slice %arg7[%dma_wait3A_50, %dma_wait3A_51] : memref<10000x16xf32, #tpu.memory_space<vmem_shared>> -> memref<16x16xf32, #tpu.memory_space<vmem_shared>>
        %dma_wait3A_53 = arith.constant 0 : i32
        %dma_wait3A_54 = arith.constant 0 : i32
        %dma_wait3A_55 = tpu.memref_slice %arg6[%dma_wait3A_53, %dma_wait3A_54] : memref<48x16xf32, #tpu.memory_space<vmem>> -> memref<16x16xf32, #tpu.memory_space<vmem>>
        tpu.wait_dma2 semaphore(%run_scoped3A : memref<!tpu.dma_semaphore, #tpu.memory_space<semaphore_mem>>) src(%dma_wait3A_55 : memref<16x16xf32, #tpu.memory_space<vmem>>) dst(%dma_wait3A_52 : memref<16x16xf32, #tpu.memory_space<vmem_shared>>)
        tpu.yield
      }) : () -> ()
    } else {
    }
    %barrier3A = arith.constant 0 : index
    tpu.barrier barrier_id(%barrier3A)
    %scan3A_19 = arith.constant 0 : i32
    %scan3A_20 = arith.constant 80 : i32
    %scan3A_21 = arith.addi %scan3A_19, %scan3A_20 : i32
    %scan3A_22 = arith.constant 1 : i32
    scf.for %scan3A_34 = %scan3A_19 to %scan3A_21 step %scan3A_22  : i32 {
      %mul3A_35 = arith.constant 1 : i32
      %mul3A_36 = arith.muli %scan3A_34, %mul3A_35 : i32
      %add3A_37 = arith.constant 0 : i32
      %add3A_38 = arith.addi %add3A_37, %mul3A_36 : i32
      "tpu.region"() ({
        %run_scoped3A = tpu.sem_alloc : memref<!tpu.dma_semaphore, #tpu.memory_space<semaphore_mem>>
        %dma_start3A = arith.constant 0 : i32
        %dma_start3A_39 = tpu.memref_slice %arg4[%add3A_38, %dma_start3A] : memref<80x125xi32, #tpu.memory_space<vmem>> -> memref<1x125xi32, #tpu.memory_space<vmem>>
        %dma_start3A_40 = tpu.memref_squeeze %dma_start3A_39 : memref<1x125xi32, #tpu.memory_space<vmem>> -> memref<125xi32, #tpu.memory_space<vmem>>
        %dma_start3A_41 = arith.constant 0 : i32
        %dma_start3A_42 = arith.constant 0 : i32
        %dma_start3A_43 = tpu.memref_slice %arg7[%dma_start3A_41, %dma_start3A_42] : memref<10000x16xf32, #tpu.memory_space<vmem_shared>> -> memref<10000x16xf32, #tpu.memory_space<vmem_shared>>
        tpu.enqueue_indirect_dma source(%arg5 : memref<125x16xf32, #tpu.memory_space<vmem>>) target(%dma_start3A_43 : memref<10000x16xf32, #tpu.memory_space<vmem_shared>>) offsets(%dma_start3A_40 : memref<125xi32, #tpu.memory_space<vmem>>) semaphore(%run_scoped3A : memref<!tpu.dma_semaphore, #tpu.memory_space<semaphore_mem>>) {add = true}
        %dma_wait3A = arith.constant 0 : i32
        %dma_wait3A_44 = tpu.memref_slice %arg4[%add3A_38, %dma_wait3A] : memref<80x125xi32, #tpu.memory_space<vmem>> -> memref<1x125xi32, #tpu.memory_space<vmem>>
        %dma_wait3A_45 = tpu.memref_squeeze %dma_wait3A_44 : memref<1x125xi32, #tpu.memory_space<vmem>> -> memref<125xi32, #tpu.memory_space<vmem>>
        %dma_wait3A_46 = arith.constant 0 : i32
        %dma_wait3A_47 = arith.constant 0 : i32
        %dma_wait3A_48 = tpu.memref_slice %arg7[%dma_wait3A_46, %dma_wait3A_47] : memref<10000x16xf32, #tpu.memory_space<vmem_shared>> -> memref<10000x16xf32, #tpu.memory_space<vmem_shared>>
        tpu.wait_indirect_dma semaphore(%run_scoped3A : memref<!tpu.dma_semaphore, #tpu.memory_space<semaphore_mem>>) src(%arg5 : memref<125x16xf32, #tpu.memory_space<vmem>>) dst(%dma_wait3A_48 : memref<10000x16xf32, #tpu.memory_space<vmem_shared>>)
        tpu.yield
      }) : () -> ()
    }
    %scan3A_23 = arith.constant 80 : i32
    %barrier3A_24 = arith.constant 0 : index
    tpu.barrier barrier_id(%barrier3A_24)
    %mul3A_25 = arith.constant 624 : i32
    %mul3A_26 = arith.muli %arg1, %mul3A_25 : i32
    %mul3A_27 = arith.constant 624 : i32
    %mul3A_28 = arith.muli %arg1, %mul3A_27 : i32
    "tpu.region"() ({
      %run_scoped3A = tpu.sem_alloc : memref<!tpu.dma_semaphore, #tpu.memory_space<semaphore_mem>>
      %dma_start3A = arith.constant 0 : i32
      %dma_start3A_34 = tpu.memref_slice %arg3[%arg0, %mul3A_28, %dma_start3A] : memref<2x10000x16xf32, #tpu.memory_space<hbm>> -> memref<1x624x16xf32, #tpu.memory_space<hbm>>
      %dma_start3A_35 = tpu.memref_squeeze %dma_start3A_34 : memref<1x624x16xf32, #tpu.memory_space<hbm>> -> memref<624x16xf32, #tpu.memory_space<hbm>>
      %dma_start3A_36 = arith.constant 0 : i32
      %dma_start3A_37 = tpu.memref_slice %arg7[%mul3A_26, %dma_start3A_36] : memref<10000x16xf32, #tpu.memory_space<vmem_shared>> -> memref<624x16xf32, #tpu.memory_space<vmem_shared>>
      tpu.enqueue_dma source(%dma_start3A_37 : memref<624x16xf32, #tpu.memory_space<vmem_shared>>) target(%dma_start3A_35 : memref<624x16xf32, #tpu.memory_space<hbm>>) target_semaphore(%run_scoped3A : memref<!tpu.dma_semaphore, #tpu.memory_space<semaphore_mem>>)
      %dma_wait3A = arith.constant 0 : i32
      %dma_wait3A_38 = tpu.memref_slice %arg3[%arg0, %mul3A_28, %dma_wait3A] : memref<2x10000x16xf32, #tpu.memory_space<hbm>> -> memref<1x624x16xf32, #tpu.memory_space<hbm>>
      %dma_wait3A_39 = tpu.memref_squeeze %dma_wait3A_38 : memref<1x624x16xf32, #tpu.memory_space<hbm>> -> memref<624x16xf32, #tpu.memory_space<hbm>>
      %dma_wait3A_40 = arith.constant 0 : i32
      %dma_wait3A_41 = tpu.memref_slice %arg7[%mul3A_26, %dma_wait3A_40] : memref<10000x16xf32, #tpu.memory_space<vmem_shared>> -> memref<624x16xf32, #tpu.memory_space<vmem_shared>>
      tpu.wait_dma2 semaphore(%run_scoped3A : memref<!tpu.dma_semaphore, #tpu.memory_space<semaphore_mem>>) src(%dma_wait3A_41 : memref<624x16xf32, #tpu.memory_space<vmem_shared>>) dst(%dma_wait3A_39 : memref<624x16xf32, #tpu.memory_space<hbm>>)
      tpu.yield
    }) : () -> ()
    %eq3A_29 = arith.constant 15 : i32
    %eq3A_30 = arith.cmpi eq, %arg1, %eq3A_29 : i32
    %convert_element_type3A_31 = arith.extui %eq3A_30 : i1 to i32
    %cond3A_32 = arith.constant 0 : i32
    %cond3A_33 = arith.cmpi ne, %convert_element_type3A_31, %cond3A_32 : i32
    scf.if %cond3A_33 {
      "tpu.region"() ({
        %run_scoped3A = tpu.sem_alloc : memref<!tpu.dma_semaphore, #tpu.memory_space<semaphore_mem>>
        %dma_start3A = arith.constant 9984 : i32
        %dma_start3A_34 = arith.constant 0 : i32
        %dma_start3A_35 = tpu.memref_slice %arg3[%arg0, %dma_start3A, %dma_start3A_34] : memref<2x10000x16xf32, #tpu.memory_space<hbm>> -> memref<1x16x16xf32, #tpu.memory_space<hbm>>
        %dma_start3A_36 = tpu.memref_squeeze %dma_start3A_35 : memref<1x16x16xf32, #tpu.memory_space<hbm>> -> memref<16x16xf32, #tpu.memory_space<hbm>>
        %dma_start3A_37 = arith.constant 9984 : i32
        %dma_start3A_38 = arith.constant 0 : i32
        %dma_start3A_39 = tpu.memref_slice %arg7[%dma_start3A_37, %dma_start3A_38] : memref<10000x16xf32, #tpu.memory_space<vmem_shared>> -> memref<16x16xf32, #tpu.memory_space<vmem_shared>>
        tpu.enqueue_dma source(%dma_start3A_39 : memref<16x16xf32, #tpu.memory_space<vmem_shared>>) target(%dma_start3A_36 : memref<16x16xf32, #tpu.memory_space<hbm>>) target_semaphore(%run_scoped3A : memref<!tpu.dma_semaphore, #tpu.memory_space<semaphore_mem>>)
        %dma_wait3A = arith.constant 9984 : i32
        %dma_wait3A_40 = arith.constant 0 : i32
        %dma_wait3A_41 = tpu.memref_slice %arg3[%arg0, %dma_wait3A, %dma_wait3A_40] : memref<2x10000x16xf32, #tpu.memory_space<hbm>> -> memref<1x16x16xf32, #tpu.memory_space<hbm>>
        %dma_wait3A_42 = tpu.memref_squeeze %dma_wait3A_41 : memref<1x16x16xf32, #tpu.memory_space<hbm>> -> memref<16x16xf32, #tpu.memory_space<hbm>>
        %dma_wait3A_43 = arith.constant 9984 : i32
        %dma_wait3A_44 = arith.constant 0 : i32
        %dma_wait3A_45 = tpu.memref_slice %arg7[%dma_wait3A_43, %dma_wait3A_44] : memref<10000x16xf32, #tpu.memory_space<vmem_shared>> -> memref<16x16xf32, #tpu.memory_space<vmem_shared>>
        tpu.wait_dma2 semaphore(%run_scoped3A : memref<!tpu.dma_semaphore, #tpu.memory_space<semaphore_mem>>) src(%dma_wait3A_45 : memref<16x16xf32, #tpu.memory_space<vmem_shared>>) dst(%dma_wait3A_42 : memref<16x16xf32, #tpu.memory_space<hbm>>)
        tpu.yield
      }) : () -> ()
    } else {
    }
    return
  }
}

#map = affine_map<(d0, d1) -> (0, 0)>
#map1 = affine_map<(d0, d1) -> (0, 0, 0)>
module attributes {stable_mosaic.version = 14 : i64} {
  func.func @k(%arg0: i32, %arg1: i32, %arg2: memref<10000x128xf32, #tpu.memory_space<hbm>>, %arg3: memref<2560x125xi32, #tpu.memory_space<hbm>>, %arg4: memref<2560x125xi32, #tpu.memory_space<hbm>>, %arg5: memref<2x10000x128xf32, #tpu.memory_space<hbm>>, %arg6: memref<40x125xi32, #tpu.memory_space<vmem>>, %arg7: memref<40x125xi32, #tpu.memory_space<vmem>>, %arg8: memref<125x128xf32, #tpu.memory_space<vmem>>, %arg9: memref<125x128xf32, #tpu.memory_space<vmem>>, %arg10: memref<48x128xf32, #tpu.memory_space<vmem>>, %arg11: memref<10000x128xf32, #tpu.memory_space<vmem_shared>>, %arg12: memref<!tpu.dma_semaphore, #tpu.memory_space<semaphore_mem>>, %arg13: memref<!tpu.dma_semaphore, #tpu.memory_space<semaphore_mem>>) attributes {dimension_semantics = [#tpu.dimension_semantics<core_parallel>, #tpu.dimension_semantics<subcore_parallel>], iteration_bounds = array<i64: 2, 16>, scalar_prefetch = 0 : i64, scratch_operands = 8 : i64, tpu.core_type = #tpu.core_type<sc_vector_subcore>, window_params = [{transform_indices = #map}, {transform_indices = #map}, {transform_indices = #map}, {transform_indices = #map1}]} {
    %mul3A = arith.constant 2 : i32
    %mul3A_0 = arith.muli %arg1, %mul3A : i32
    %add3A = arith.addi %mul3A_0, %arg0 : i32
    %scan3A = arith.constant 0 : i32
    %scan3A_1 = arith.constant 384 : i32
    %scan3A_2 = arith.addi %scan3A, %scan3A_1 : i32
    %scan3A_3 = arith.constant 1 : i32
    scf.for %scan3A_53 = %scan3A to %scan3A_2 step %scan3A_3  : i32 {
      %mul3A_54 = arith.constant 1 : i32
      %mul3A_55 = arith.muli %scan3A_53, %mul3A_54 : i32
      %add3A_56 = arith.constant 0 : i32
      %add3A_57 = arith.addi %add3A_56, %mul3A_55 : i32
      %broadcast_in_dim3A = arith.constant 0.000000e+00 : f32
      %broadcast_in_dim3A_58 = vector.broadcast %broadcast_in_dim3A : f32 to vector<16xf32>
      %jit3A = arith.constant 8 : i32
      %div3A = arith.divsi %add3A_57, %jit3A : i32
      %sign3A = arith.constant 0 : i32
      %sign3A_59 = arith.cmpi sgt, %add3A_57, %sign3A : i32
      %sign3A_60 = arith.extui %sign3A_59 : i1 to i32
      %sign3A_61 = arith.constant 0 : i32
      %sign3A_62 = arith.cmpi slt, %add3A_57, %sign3A_61 : i32
      %sign3A_63 = arith.extui %sign3A_62 : i1 to i32
      %sign3A_64 = arith.subi %sign3A_60, %sign3A_63 : i32
      %sign3A_65 = arith.constant 0 : i32
      %sign3A_66 = arith.cmpi sgt, %jit3A, %sign3A_65 : i32
      %sign3A_67 = arith.extui %sign3A_66 : i1 to i32
      %sign3A_68 = arith.constant 0 : i32
      %sign3A_69 = arith.cmpi slt, %jit3A, %sign3A_68 : i32
      %sign3A_70 = arith.extui %sign3A_69 : i1 to i32
      %sign3A_71 = arith.subi %sign3A_67, %sign3A_70 : i32
      %ne3A = arith.cmpi ne, %sign3A_64, %sign3A_71 : i32
      %rem3A = arith.remsi %add3A_57, %jit3A : i32
      %ne3A_72 = arith.constant 0 : i32
      %ne3A_73 = arith.cmpi ne, %rem3A, %ne3A_72 : i32
      %and3A = arith.andi %ne3A, %ne3A_73 : i1
      %sub3A = arith.constant 1 : i32
      %sub3A_74 = arith.subi %div3A, %sub3A : i32
      %select_n3A = arith.select %and3A, %sub3A_74, %div3A : i32
      %jit3A_75 = arith.constant 8 : i32
      %eq3A_76 = arith.constant 0 : i32
      %eq3A_77 = arith.cmpi eq, %jit3A_75, %eq3A_76 : i32
      %jit3A_78 = arith.constant 1 : i32
      %select_n3A_79 = arith.select %eq3A_77, %jit3A_78, %jit3A_75 : i32
      %rem3A_80 = arith.remsi %add3A_57, %select_n3A_79 : i32
      %ne3A_81 = arith.constant 0 : i32
      %ne3A_82 = arith.cmpi ne, %rem3A_80, %ne3A_81 : i32
      %lt3A = arith.constant 0 : i32
      %lt3A_83 = arith.cmpi slt, %rem3A_80, %lt3A : i32
      %lt3A_84 = arith.constant 0 : i32
      %lt3A_85 = arith.cmpi slt, %select_n3A_79, %lt3A_84 : i32
      %ne3A_86 = arith.xori %lt3A_83, %lt3A_85 : i1
      %and3A_87 = arith.andi %ne3A_86, %ne3A_82 : i1
      %add3A_88 = arith.addi %rem3A_80, %select_n3A_79 : i32
      %select_n3A_89 = arith.select %and3A_87, %add3A_88, %rem3A_80 : i32
      %mul3A_90 = arith.constant 16 : i32
      %mul3A_91 = arith.muli %select_n3A_89, %mul3A_90 : i32
      %swap3A = arith.index_cast %select_n3A : i32 to index
      %swap3A_92 = arith.index_cast %mul3A_91 : i32 to index
      %swap3A_93 = tpu.vector_load %arg10[%swap3A, %swap3A_92] {strides = array<i32>} : memref<48x128xf32, #tpu.memory_space<vmem>>, vector<1x16xf32>,
      %swap3A_94 = vector.shape_cast %swap3A_93 : vector<1x16xf32> to vector<16xf32>
      %swap3A_95 = vector.shape_cast %broadcast_in_dim3A_58 : vector<16xf32> to vector<1x16xf32>
      tpu.vector_store %arg10[%swap3A, %swap3A_92], %swap3A_95 {strides = array<i32>} : memref<48x128xf32, #tpu.memory_space<vmem>>, vector<1x16xf32>,
    }
    %scan3A_4 = arith.constant 384 : i32
    %scan3A_5 = arith.constant 0 : i32
    %scan3A_6 = arith.constant 13 : i32
    %scan3A_7 = arith.addi %scan3A_5, %scan3A_6 : i32
    %scan3A_8 = arith.constant 1 : i32
    scf.for %scan3A_53 = %scan3A_5 to %scan3A_7 step %scan3A_8  : i32 {
      %mul3A_54 = arith.constant 1 : i32
      %mul3A_55 = arith.muli %scan3A_53, %mul3A_54 : i32
      %add3A_56 = arith.constant 0 : i32
      %add3A_57 = arith.addi %add3A_56, %mul3A_55 : i32
      %mul3A_58 = arith.constant 624 : i32
      %mul3A_59 = arith.muli %arg1, %mul3A_58 : i32
      %mul3A_60 = arith.constant 48 : i32
      %mul3A_61 = arith.muli %add3A_57, %mul3A_60 : i32
      %add3A_62 = arith.addi %mul3A_59, %mul3A_61 : i32
      "tpu.region"() ({
        %run_scoped3A = tpu.sem_alloc : memref<!tpu.dma_semaphore, #tpu.memory_space<semaphore_mem>>
        %dma_start3A_63 = arith.constant 0 : i32
        %dma_start3A_64 = tpu.memref_slice %arg11[%add3A_62, %dma_start3A_63] : memref<10000x128xf32, #tpu.memory_space<vmem_shared>> -> memref<48x128xf32, #tpu.memory_space<vmem_shared>>
        %dma_start3A_65 = arith.constant 0 : i32
        %dma_start3A_66 = tpu.memref_slice %arg11[%add3A_62, %dma_start3A_65] : memref<10000x128xf32, #tpu.memory_space<vmem_shared>> -> memref<48x128xf32, #tpu.memory_space<vmem_shared>>
        tpu.enqueue_dma source(%arg10 : memref<48x128xf32, #tpu.memory_space<vmem>>) target(%dma_start3A_66 : memref<48x128xf32, #tpu.memory_space<vmem_shared>>) target_semaphore(%run_scoped3A : memref<!tpu.dma_semaphore, #tpu.memory_space<semaphore_mem>>)
        %dma_wait3A = arith.constant 0 : i32
        %dma_wait3A_67 = tpu.memref_slice %arg11[%add3A_62, %dma_wait3A] : memref<10000x128xf32, #tpu.memory_space<vmem_shared>> -> memref<48x128xf32, #tpu.memory_space<vmem_shared>>
        %dma_wait3A_68 = arith.constant 0 : i32
        %dma_wait3A_69 = tpu.memref_slice %arg11[%add3A_62, %dma_wait3A_68] : memref<10000x128xf32, #tpu.memory_space<vmem_shared>> -> memref<48x128xf32, #tpu.memory_space<vmem_shared>>
        tpu.wait_dma2 semaphore(%run_scoped3A : memref<!tpu.dma_semaphore, #tpu.memory_space<semaphore_mem>>) src(%arg10 : memref<48x128xf32, #tpu.memory_space<vmem>>) dst(%dma_wait3A_69 : memref<48x128xf32, #tpu.memory_space<vmem_shared>>)
        tpu.yield
      }) : () -> ()
    }
    %scan3A_9 = arith.constant 13 : i32
    %eq3A = arith.constant 15 : i32
    %eq3A_10 = arith.cmpi eq, %arg1, %eq3A : i32
    %convert_element_type3A = arith.extui %eq3A_10 : i1 to i32
    %cond3A = arith.constant 0 : i32
    %cond3A_11 = arith.cmpi ne, %convert_element_type3A, %cond3A : i32
    scf.if %cond3A_11 {
      "tpu.region"() ({
        %run_scoped3A = tpu.sem_alloc : memref<!tpu.dma_semaphore, #tpu.memory_space<semaphore_mem>>
        %dma_start3A_53 = arith.constant 0 : i32
        %dma_start3A_54 = arith.constant 0 : i32
        %dma_start3A_55 = tpu.memref_slice %arg10[%dma_start3A_53, %dma_start3A_54] : memref<48x128xf32, #tpu.memory_space<vmem>> -> memref<16x128xf32, #tpu.memory_space<vmem>>
        %dma_start3A_56 = arith.constant 9984 : i32
        %dma_start3A_57 = arith.constant 0 : i32
        %dma_start3A_58 = tpu.memref_slice %arg11[%dma_start3A_56, %dma_start3A_57] : memref<10000x128xf32, #tpu.memory_space<vmem_shared>> -> memref<16x128xf32, #tpu.memory_space<vmem_shared>>
        %dma_start3A_59 = arith.constant 9984 : i32
        %dma_start3A_60 = arith.constant 0 : i32
        %dma_start3A_61 = tpu.memref_slice %arg11[%dma_start3A_59, %dma_start3A_60] : memref<10000x128xf32, #tpu.memory_space<vmem_shared>> -> memref<16x128xf32, #tpu.memory_space<vmem_shared>>
        %dma_start3A_62 = arith.constant 0 : i32
        %dma_start3A_63 = arith.constant 0 : i32
        %dma_start3A_64 = tpu.memref_slice %arg10[%dma_start3A_62, %dma_start3A_63] : memref<48x128xf32, #tpu.memory_space<vmem>> -> memref<16x128xf32, #tpu.memory_space<vmem>>
        tpu.enqueue_dma source(%dma_start3A_64 : memref<16x128xf32, #tpu.memory_space<vmem>>) target(%dma_start3A_61 : memref<16x128xf32, #tpu.memory_space<vmem_shared>>) target_semaphore(%run_scoped3A : memref<!tpu.dma_semaphore, #tpu.memory_space<semaphore_mem>>)
        %dma_wait3A = arith.constant 0 : i32
        %dma_wait3A_65 = arith.constant 0 : i32
        %dma_wait3A_66 = tpu.memref_slice %arg10[%dma_wait3A, %dma_wait3A_65] : memref<48x128xf32, #tpu.memory_space<vmem>> -> memref<16x128xf32, #tpu.memory_space<vmem>>
        %dma_wait3A_67 = arith.constant 9984 : i32
        %dma_wait3A_68 = arith.constant 0 : i32
        %dma_wait3A_69 = tpu.memref_slice %arg11[%dma_wait3A_67, %dma_wait3A_68] : memref<10000x128xf32, #tpu.memory_space<vmem_shared>> -> memref<16x128xf32, #tpu.memory_space<vmem_shared>>
        %dma_wait3A_70 = arith.constant 9984 : i32
        %dma_wait3A_71 = arith.constant 0 : i32
        %dma_wait3A_72 = tpu.memref_slice %arg11[%dma_wait3A_70, %dma_wait3A_71] : memref<10000x128xf32, #tpu.memory_space<vmem_shared>> -> memref<16x128xf32, #tpu.memory_space<vmem_shared>>
        %dma_wait3A_73 = arith.constant 0 : i32
        %dma_wait3A_74 = arith.constant 0 : i32
        %dma_wait3A_75 = tpu.memref_slice %arg10[%dma_wait3A_73, %dma_wait3A_74] : memref<48x128xf32, #tpu.memory_space<vmem>> -> memref<16x128xf32, #tpu.memory_space<vmem>>
        tpu.wait_dma2 semaphore(%run_scoped3A : memref<!tpu.dma_semaphore, #tpu.memory_space<semaphore_mem>>) src(%dma_wait3A_75 : memref<16x128xf32, #tpu.memory_space<vmem>>) dst(%dma_wait3A_72 : memref<16x128xf32, #tpu.memory_space<vmem_shared>>)
        tpu.yield
      }) : () -> ()
    } else {
    }
    %barrier3A = arith.constant 0 : index
    tpu.barrier barrier_id(%barrier3A)
    %mul3A_12 = arith.constant 80 : i32
    %mul3A_13 = arith.muli %add3A, %mul3A_12 : i32
    %add3A_14 = arith.constant 0 : i32
    %add3A_15 = arith.addi %mul3A_13, %add3A_14 : i32
    "tpu.region"() ({
      %run_scoped3A = tpu.sem_alloc : memref<!tpu.dma_semaphore, #tpu.memory_space<semaphore_mem>>
      %dma_start3A_53 = arith.constant 0 : i32
      %dma_start3A_54 = tpu.memref_slice %arg3[%add3A_15, %dma_start3A_53] : memref<2560x125xi32, #tpu.memory_space<hbm>> -> memref<40x125xi32, #tpu.memory_space<hbm>>
      %dma_start3A_55 = arith.constant 0 : i32
      %dma_start3A_56 = tpu.memref_slice %arg3[%add3A_15, %dma_start3A_55] : memref<2560x125xi32, #tpu.memory_space<hbm>> -> memref<40x125xi32, #tpu.memory_space<hbm>>
      tpu.enqueue_dma source(%dma_start3A_56 : memref<40x125xi32, #tpu.memory_space<hbm>>) target(%arg6 : memref<40x125xi32, #tpu.memory_space<vmem>>) target_semaphore(%run_scoped3A : memref<!tpu.dma_semaphore, #tpu.memory_space<semaphore_mem>>)
      %dma_wait3A = arith.constant 0 : i32
      %dma_wait3A_57 = tpu.memref_slice %arg3[%add3A_15, %dma_wait3A] : memref<2560x125xi32, #tpu.memory_space<hbm>> -> memref<40x125xi32, #tpu.memory_space<hbm>>
      %dma_wait3A_58 = arith.constant 0 : i32
      %dma_wait3A_59 = tpu.memref_slice %arg3[%add3A_15, %dma_wait3A_58] : memref<2560x125xi32, #tpu.memory_space<hbm>> -> memref<40x125xi32, #tpu.memory_space<hbm>>
      tpu.wait_dma2 semaphore(%run_scoped3A : memref<!tpu.dma_semaphore, #tpu.memory_space<semaphore_mem>>) src(%dma_wait3A_59 : memref<40x125xi32, #tpu.memory_space<hbm>>) dst(%arg6 : memref<40x125xi32, #tpu.memory_space<vmem>>)
      tpu.yield
    }) : () -> ()
    "tpu.region"() ({
      %run_scoped3A = tpu.sem_alloc : memref<!tpu.dma_semaphore, #tpu.memory_space<semaphore_mem>>
      %dma_start3A_53 = arith.constant 0 : i32
      %dma_start3A_54 = tpu.memref_slice %arg4[%add3A_15, %dma_start3A_53] : memref<2560x125xi32, #tpu.memory_space<hbm>> -> memref<40x125xi32, #tpu.memory_space<hbm>>
      %dma_start3A_55 = arith.constant 0 : i32
      %dma_start3A_56 = tpu.memref_slice %arg4[%add3A_15, %dma_start3A_55] : memref<2560x125xi32, #tpu.memory_space<hbm>> -> memref<40x125xi32, #tpu.memory_space<hbm>>
      tpu.enqueue_dma source(%dma_start3A_56 : memref<40x125xi32, #tpu.memory_space<hbm>>) target(%arg7 : memref<40x125xi32, #tpu.memory_space<vmem>>) target_semaphore(%run_scoped3A : memref<!tpu.dma_semaphore, #tpu.memory_space<semaphore_mem>>)
      %dma_wait3A = arith.constant 0 : i32
      %dma_wait3A_57 = tpu.memref_slice %arg4[%add3A_15, %dma_wait3A] : memref<2560x125xi32, #tpu.memory_space<hbm>> -> memref<40x125xi32, #tpu.memory_space<hbm>>
      %dma_wait3A_58 = arith.constant 0 : i32
      %dma_wait3A_59 = tpu.memref_slice %arg4[%add3A_15, %dma_wait3A_58] : memref<2560x125xi32, #tpu.memory_space<hbm>> -> memref<40x125xi32, #tpu.memory_space<hbm>>
      tpu.wait_dma2 semaphore(%run_scoped3A : memref<!tpu.dma_semaphore, #tpu.memory_space<semaphore_mem>>) src(%dma_wait3A_59 : memref<40x125xi32, #tpu.memory_space<hbm>>) dst(%arg7 : memref<40x125xi32, #tpu.memory_space<vmem>>)
      tpu.yield
    }) : () -> ()
    %dma_start3A = arith.constant 0 : i32
    %dma_start3A_16 = arith.constant 0 : i32
    %dma_start3A_17 = tpu.memref_slice %arg6[%dma_start3A, %dma_start3A_16] : memref<40x125xi32, #tpu.memory_space<vmem>> -> memref<1x125xi32, #tpu.memory_space<vmem>>
    %dma_start3A_18 = tpu.memref_squeeze %dma_start3A_17 : memref<1x125xi32, #tpu.memory_space<vmem>> -> memref<125xi32, #tpu.memory_space<vmem>>
    %dma_start3A_19 = arith.constant 0 : i32
    %dma_start3A_20 = arith.constant 0 : i32
    %dma_start3A_21 = tpu.memref_slice %arg2[%dma_start3A_19, %dma_start3A_20] : memref<10000x128xf32, #tpu.memory_space<hbm>> -> memref<10000x128xf32, #tpu.memory_space<hbm>>
    tpu.enqueue_indirect_dma source(%dma_start3A_21 : memref<10000x128xf32, #tpu.memory_space<hbm>>) target(%arg8 : memref<125x128xf32, #tpu.memory_space<vmem>>) offsets(%dma_start3A_18 : memref<125xi32, #tpu.memory_space<vmem>>) semaphore(%arg12 : memref<!tpu.dma_semaphore, #tpu.memory_space<semaphore_mem>>)
    %scan3A_22 = arith.constant 0 : i32
    %scan3A_23 = arith.constant 20 : i32
    %scan3A_24 = arith.addi %scan3A_22, %scan3A_23 : i32
    %scan3A_25 = arith.constant 1 : i32
    scf.for %scan3A_53 = %scan3A_22 to %scan3A_24 step %scan3A_25  : i32 {
      %mul3A_54 = arith.constant 1 : i32
      %mul3A_55 = arith.muli %scan3A_53, %mul3A_54 : i32
      %add3A_56 = arith.constant 0 : i32
      %add3A_57 = arith.addi %add3A_56, %mul3A_55 : i32
      %mul3A_58 = arith.constant 2 : i32
      %mul3A_59 = arith.muli %add3A_57, %mul3A_58 : i32
      %add3A_60 = arith.constant 1 : i32
      %add3A_61 = arith.addi %mul3A_59, %add3A_60 : i32
      %dma_start3A_62 = arith.constant 0 : i32
      %dma_start3A_63 = tpu.memref_slice %arg6[%add3A_61, %dma_start3A_62] : memref<40x125xi32, #tpu.memory_space<vmem>> -> memref<1x125xi32, #tpu.memory_space<vmem>>
      %dma_start3A_64 = tpu.memref_squeeze %dma_start3A_63 : memref<1x125xi32, #tpu.memory_space<vmem>> -> memref<125xi32, #tpu.memory_space<vmem>>
      %dma_start3A_65 = arith.constant 0 : i32
      %dma_start3A_66 = arith.constant 0 : i32
      %dma_start3A_67 = tpu.memref_slice %arg2[%dma_start3A_65, %dma_start3A_66] : memref<10000x128xf32, #tpu.memory_space<hbm>> -> memref<10000x128xf32, #tpu.memory_space<hbm>>
      tpu.enqueue_indirect_dma source(%dma_start3A_67 : memref<10000x128xf32, #tpu.memory_space<hbm>>) target(%arg9 : memref<125x128xf32, #tpu.memory_space<vmem>>) offsets(%dma_start3A_64 : memref<125xi32, #tpu.memory_space<vmem>>) semaphore(%arg13 : memref<!tpu.dma_semaphore, #tpu.memory_space<semaphore_mem>>)
      %dma_wait3A = arith.constant 0 : i32
      %dma_wait3A_68 = tpu.memref_slice %arg6[%mul3A_59, %dma_wait3A] : memref<40x125xi32, #tpu.memory_space<vmem>> -> memref<1x125xi32, #tpu.memory_space<vmem>>
      %dma_wait3A_69 = tpu.memref_squeeze %dma_wait3A_68 : memref<1x125xi32, #tpu.memory_space<vmem>> -> memref<125xi32, #tpu.memory_space<vmem>>
      %dma_wait3A_70 = arith.constant 0 : i32
      %dma_wait3A_71 = arith.constant 0 : i32
      %dma_wait3A_72 = tpu.memref_slice %arg2[%dma_wait3A_70, %dma_wait3A_71] : memref<10000x128xf32, #tpu.memory_space<hbm>> -> memref<10000x128xf32, #tpu.memory_space<hbm>>
      tpu.wait_indirect_dma semaphore(%arg12 : memref<!tpu.dma_semaphore, #tpu.memory_space<semaphore_mem>>) src(%dma_wait3A_72 : memref<10000x128xf32, #tpu.memory_space<hbm>>) dst(%arg8 : memref<125x128xf32, #tpu.memory_space<vmem>>)
      "tpu.region"() ({
        %run_scoped3A = tpu.sem_alloc : memref<!tpu.dma_semaphore, #tpu.memory_space<semaphore_mem>>
        %dma_start3A_89 = arith.constant 0 : i32
        %dma_start3A_90 = tpu.memref_slice %arg7[%mul3A_59, %dma_start3A_89] : memref<40x125xi32, #tpu.memory_space<vmem>> -> memref<1x125xi32, #tpu.memory_space<vmem>>
        %dma_start3A_91 = tpu.memref_squeeze %dma_start3A_90 : memref<1x125xi32, #tpu.memory_space<vmem>> -> memref<125xi32, #tpu.memory_space<vmem>>
        %dma_start3A_92 = arith.constant 0 : i32
        %dma_start3A_93 = arith.constant 0 : i32
        %dma_start3A_94 = tpu.memref_slice %arg11[%dma_start3A_92, %dma_start3A_93] : memref<10000x128xf32, #tpu.memory_space<vmem_shared>> -> memref<10000x128xf32, #tpu.memory_space<vmem_shared>>
        tpu.enqueue_indirect_dma source(%arg8 : memref<125x128xf32, #tpu.memory_space<vmem>>) target(%dma_start3A_94 : memref<10000x128xf32, #tpu.memory_space<vmem_shared>>) offsets(%dma_start3A_91 : memref<125xi32, #tpu.memory_space<vmem>>) semaphore(%run_scoped3A : memref<!tpu.dma_semaphore, #tpu.memory_space<semaphore_mem>>) {add = true}
        %dma_wait3A_95 = arith.constant 0 : i32
        %dma_wait3A_96 = tpu.memref_slice %arg7[%mul3A_59, %dma_wait3A_95] : memref<40x125xi32, #tpu.memory_space<vmem>> -> memref<1x125xi32, #tpu.memory_space<vmem>>
        %dma_wait3A_97 = tpu.memref_squeeze %dma_wait3A_96 : memref<1x125xi32, #tpu.memory_space<vmem>> -> memref<125xi32, #tpu.memory_space<vmem>>
        %dma_wait3A_98 = arith.constant 0 : i32
        %dma_wait3A_99 = arith.constant 0 : i32
        %dma_wait3A_100 = tpu.memref_slice %arg11[%dma_wait3A_98, %dma_wait3A_99] : memref<10000x128xf32, #tpu.memory_space<vmem_shared>> -> memref<10000x128xf32, #tpu.memory_space<vmem_shared>>
        tpu.wait_indirect_dma semaphore(%run_scoped3A : memref<!tpu.dma_semaphore, #tpu.memory_space<semaphore_mem>>) src(%arg8 : memref<125x128xf32, #tpu.memory_space<vmem>>) dst(%dma_wait3A_100 : memref<10000x128xf32, #tpu.memory_space<vmem_shared>>)
        tpu.yield
      }) : () -> ()
      %add3A_73 = arith.constant 2 : i32
      %add3A_74 = arith.addi %mul3A_59, %add3A_73 : i32
      %lt3A = arith.constant 40 : i32
      %lt3A_75 = arith.cmpi slt, %add3A_74, %lt3A : i32
      %convert_element_type3A_76 = arith.extui %lt3A_75 : i1 to i32
      %cond3A_77 = arith.constant 0 : i32
      %cond3A_78 = arith.cmpi ne, %convert_element_type3A_76, %cond3A_77 : i32
      scf.if %cond3A_78 {
        %add3A_89 = arith.constant 2 : i32
        %add3A_90 = arith.addi %mul3A_59, %add3A_89 : i32
        %dma_start3A_91 = arith.constant 0 : i32
        %dma_start3A_92 = tpu.memref_slice %arg6[%add3A_90, %dma_start3A_91] : memref<40x125xi32, #tpu.memory_space<vmem>> -> memref<1x125xi32, #tpu.memory_space<vmem>>
        %dma_start3A_93 = tpu.memref_squeeze %dma_start3A_92 : memref<1x125xi32, #tpu.memory_space<vmem>> -> memref<125xi32, #tpu.memory_space<vmem>>
        %dma_start3A_94 = arith.constant 0 : i32
        %dma_start3A_95 = arith.constant 0 : i32
        %dma_start3A_96 = tpu.memref_slice %arg2[%dma_start3A_94, %dma_start3A_95] : memref<10000x128xf32, #tpu.memory_space<hbm>> -> memref<10000x128xf32, #tpu.memory_space<hbm>>
        tpu.enqueue_indirect_dma source(%dma_start3A_96 : memref<10000x128xf32, #tpu.memory_space<hbm>>) target(%arg8 : memref<125x128xf32, #tpu.memory_space<vmem>>) offsets(%dma_start3A_93 : memref<125xi32, #tpu.memory_space<vmem>>) semaphore(%arg12 : memref<!tpu.dma_semaphore, #tpu.memory_space<semaphore_mem>>)
      } else {
      }
      %add3A_79 = arith.constant 1 : i32
      %add3A_80 = arith.addi %mul3A_59, %add3A_79 : i32
      %dma_wait3A_81 = arith.constant 0 : i32
      %dma_wait3A_82 = tpu.memref_slice %arg6[%add3A_80, %dma_wait3A_81] : memref<40x125xi32, #tpu.memory_space<vmem>> -> memref<1x125xi32, #tpu.memory_space<vmem>>
      %dma_wait3A_83 = tpu.memref_squeeze %dma_wait3A_82 : memref<1x125xi32, #tpu.memory_space<vmem>> -> memref<125xi32, #tpu.memory_space<vmem>>
      %dma_wait3A_84 = arith.constant 0 : i32
      %dma_wait3A_85 = arith.constant 0 : i32
      %dma_wait3A_86 = tpu.memref_slice %arg2[%dma_wait3A_84, %dma_wait3A_85] : memref<10000x128xf32, #tpu.memory_space<hbm>> -> memref<10000x128xf32, #tpu.memory_space<hbm>>
      tpu.wait_indirect_dma semaphore(%arg13 : memref<!tpu.dma_semaphore, #tpu.memory_space<semaphore_mem>>) src(%dma_wait3A_86 : memref<10000x128xf32, #tpu.memory_space<hbm>>) dst(%arg9 : memref<125x128xf32, #tpu.memory_space<vmem>>)
      %add3A_87 = arith.constant 1 : i32
      %add3A_88 = arith.addi %mul3A_59, %add3A_87 : i32
      "tpu.region"() ({
        %run_scoped3A = tpu.sem_alloc : memref<!tpu.dma_semaphore, #tpu.memory_space<semaphore_mem>>
        %dma_start3A_89 = arith.constant 0 : i32
        %dma_start3A_90 = tpu.memref_slice %arg7[%add3A_88, %dma_start3A_89] : memref<40x125xi32, #tpu.memory_space<vmem>> -> memref<1x125xi32, #tpu.memory_space<vmem>>
        %dma_start3A_91 = tpu.memref_squeeze %dma_start3A_90 : memref<1x125xi32, #tpu.memory_space<vmem>> -> memref<125xi32, #tpu.memory_space<vmem>>
        %dma_start3A_92 = arith.constant 0 : i32
        %dma_start3A_93 = arith.constant 0 : i32
        %dma_start3A_94 = tpu.memref_slice %arg11[%dma_start3A_92, %dma_start3A_93] : memref<10000x128xf32, #tpu.memory_space<vmem_shared>> -> memref<10000x128xf32, #tpu.memory_space<vmem_shared>>
        tpu.enqueue_indirect_dma source(%arg9 : memref<125x128xf32, #tpu.memory_space<vmem>>) target(%dma_start3A_94 : memref<10000x128xf32, #tpu.memory_space<vmem_shared>>) offsets(%dma_start3A_91 : memref<125xi32, #tpu.memory_space<vmem>>) semaphore(%run_scoped3A : memref<!tpu.dma_semaphore, #tpu.memory_space<semaphore_mem>>) {add = true}
        %dma_wait3A_95 = arith.constant 0 : i32
        %dma_wait3A_96 = tpu.memref_slice %arg7[%add3A_88, %dma_wait3A_95] : memref<40x125xi32, #tpu.memory_space<vmem>> -> memref<1x125xi32, #tpu.memory_space<vmem>>
        %dma_wait3A_97 = tpu.memref_squeeze %dma_wait3A_96 : memref<1x125xi32, #tpu.memory_space<vmem>> -> memref<125xi32, #tpu.memory_space<vmem>>
        %dma_wait3A_98 = arith.constant 0 : i32
        %dma_wait3A_99 = arith.constant 0 : i32
        %dma_wait3A_100 = tpu.memref_slice %arg11[%dma_wait3A_98, %dma_wait3A_99] : memref<10000x128xf32, #tpu.memory_space<vmem_shared>> -> memref<10000x128xf32, #tpu.memory_space<vmem_shared>>
        tpu.wait_indirect_dma semaphore(%run_scoped3A : memref<!tpu.dma_semaphore, #tpu.memory_space<semaphore_mem>>) src(%arg9 : memref<125x128xf32, #tpu.memory_space<vmem>>) dst(%dma_wait3A_100 : memref<10000x128xf32, #tpu.memory_space<vmem_shared>>)
        tpu.yield
      }) : () -> ()
    }
    %scan3A_26 = arith.constant 20 : i32
    %mul3A_27 = arith.constant 80 : i32
    %mul3A_28 = arith.muli %add3A, %mul3A_27 : i32
    %add3A_29 = arith.constant 40 : i32
    %add3A_30 = arith.addi %mul3A_28, %add3A_29 : i32
    "tpu.region"() ({
      %run_scoped3A = tpu.sem_alloc : memref<!tpu.dma_semaphore, #tpu.memory_space<semaphore_mem>>
      %dma_start3A_53 = arith.constant 0 : i32
      %dma_start3A_54 = tpu.memref_slice %arg3[%add3A_30, %dma_start3A_53] : memref<2560x125xi32, #tpu.memory_space<hbm>> -> memref<40x125xi32, #tpu.memory_space<hbm>>
      %dma_start3A_55 = arith.constant 0 : i32
      %dma_start3A_56 = tpu.memref_slice %arg3[%add3A_30, %dma_start3A_55] : memref<2560x125xi32, #tpu.memory_space<hbm>> -> memref<40x125xi32, #tpu.memory_space<hbm>>
      tpu.enqueue_dma source(%dma_start3A_56 : memref<40x125xi32, #tpu.memory_space<hbm>>) target(%arg6 : memref<40x125xi32, #tpu.memory_space<vmem>>) target_semaphore(%run_scoped3A : memref<!tpu.dma_semaphore, #tpu.memory_space<semaphore_mem>>)
      %dma_wait3A = arith.constant 0 : i32
      %dma_wait3A_57 = tpu.memref_slice %arg3[%add3A_30, %dma_wait3A] : memref<2560x125xi32, #tpu.memory_space<hbm>> -> memref<40x125xi32, #tpu.memory_space<hbm>>
      %dma_wait3A_58 = arith.constant 0 : i32
      %dma_wait3A_59 = tpu.memref_slice %arg3[%add3A_30, %dma_wait3A_58] : memref<2560x125xi32, #tpu.memory_space<hbm>> -> memref<40x125xi32, #tpu.memory_space<hbm>>
      tpu.wait_dma2 semaphore(%run_scoped3A : memref<!tpu.dma_semaphore, #tpu.memory_space<semaphore_mem>>) src(%dma_wait3A_59 : memref<40x125xi32, #tpu.memory_space<hbm>>) dst(%arg6 : memref<40x125xi32, #tpu.memory_space<vmem>>)
      tpu.yield
    }) : () -> ()
    "tpu.region"() ({
      %run_scoped3A = tpu.sem_alloc : memref<!tpu.dma_semaphore, #tpu.memory_space<semaphore_mem>>
      %dma_start3A_53 = arith.constant 0 : i32
      %dma_start3A_54 = tpu.memref_slice %arg4[%add3A_30, %dma_start3A_53] : memref<2560x125xi32, #tpu.memory_space<hbm>> -> memref<40x125xi32, #tpu.memory_space<hbm>>
      %dma_start3A_55 = arith.constant 0 : i32
      %dma_start3A_56 = tpu.memref_slice %arg4[%add3A_30, %dma_start3A_55] : memref<2560x125xi32, #tpu.memory_space<hbm>> -> memref<40x125xi32, #tpu.memory_space<hbm>>
      tpu.enqueue_dma source(%dma_start3A_56 : memref<40x125xi32, #tpu.memory_space<hbm>>) target(%arg7 : memref<40x125xi32, #tpu.memory_space<vmem>>) target_semaphore(%run_scoped3A : memref<!tpu.dma_semaphore, #tpu.memory_space<semaphore_mem>>)
      %dma_wait3A = arith.constant 0 : i32
      %dma_wait3A_57 = tpu.memref_slice %arg4[%add3A_30, %dma_wait3A] : memref<2560x125xi32, #tpu.memory_space<hbm>> -> memref<40x125xi32, #tpu.memory_space<hbm>>
      %dma_wait3A_58 = arith.constant 0 : i32
      %dma_wait3A_59 = tpu.memref_slice %arg4[%add3A_30, %dma_wait3A_58] : memref<2560x125xi32, #tpu.memory_space<hbm>> -> memref<40x125xi32, #tpu.memory_space<hbm>>
      tpu.wait_dma2 semaphore(%run_scoped3A : memref<!tpu.dma_semaphore, #tpu.memory_space<semaphore_mem>>) src(%dma_wait3A_59 : memref<40x125xi32, #tpu.memory_space<hbm>>) dst(%arg7 : memref<40x125xi32, #tpu.memory_space<vmem>>)
      tpu.yield
    }) : () -> ()
    %dma_start3A_31 = arith.constant 0 : i32
    %dma_start3A_32 = arith.constant 0 : i32
    %dma_start3A_33 = tpu.memref_slice %arg6[%dma_start3A_31, %dma_start3A_32] : memref<40x125xi32, #tpu.memory_space<vmem>> -> memref<1x125xi32, #tpu.memory_space<vmem>>
    %dma_start3A_34 = tpu.memref_squeeze %dma_start3A_33 : memref<1x125xi32, #tpu.memory_space<vmem>> -> memref<125xi32, #tpu.memory_space<vmem>>
    %dma_start3A_35 = arith.constant 0 : i32
    %dma_start3A_36 = arith.constant 0 : i32
    %dma_start3A_37 = tpu.memref_slice %arg2[%dma_start3A_35, %dma_start3A_36] : memref<10000x128xf32, #tpu.memory_space<hbm>> -> memref<10000x128xf32, #tpu.memory_space<hbm>>
    tpu.enqueue_indirect_dma source(%dma_start3A_37 : memref<10000x128xf32, #tpu.memory_space<hbm>>) target(%arg8 : memref<125x128xf32, #tpu.memory_space<vmem>>) offsets(%dma_start3A_34 : memref<125xi32, #tpu.memory_space<vmem>>) semaphore(%arg12 : memref<!tpu.dma_semaphore, #tpu.memory_space<semaphore_mem>>)
    %scan3A_38 = arith.constant 0 : i32
    %scan3A_39 = arith.constant 20 : i32
    %scan3A_40 = arith.addi %scan3A_38, %scan3A_39 : i32
    %scan3A_41 = arith.constant 1 : i32
    scf.for %scan3A_53 = %scan3A_38 to %scan3A_40 step %scan3A_41  : i32 {
      %mul3A_54 = arith.constant 1 : i32
      %mul3A_55 = arith.muli %scan3A_53, %mul3A_54 : i32
      %add3A_56 = arith.constant 0 : i32
      %add3A_57 = arith.addi %add3A_56, %mul3A_55 : i32
      %mul3A_58 = arith.constant 2 : i32
      %mul3A_59 = arith.muli %add3A_57, %mul3A_58 : i32
      %add3A_60 = arith.constant 1 : i32
      %add3A_61 = arith.addi %mul3A_59, %add3A_60 : i32
      %dma_start3A_62 = arith.constant 0 : i32
      %dma_start3A_63 = tpu.memref_slice %arg6[%add3A_61, %dma_start3A_62] : memref<40x125xi32, #tpu.memory_space<vmem>> -> memref<1x125xi32, #tpu.memory_space<vmem>>
      %dma_start3A_64 = tpu.memref_squeeze %dma_start3A_63 : memref<1x125xi32, #tpu.memory_space<vmem>> -> memref<125xi32, #tpu.memory_space<vmem>>
      %dma_start3A_65 = arith.constant 0 : i32
      %dma_start3A_66 = arith.constant 0 : i32
      %dma_start3A_67 = tpu.memref_slice %arg2[%dma_start3A_65, %dma_start3A_66] : memref<10000x128xf32, #tpu.memory_space<hbm>> -> memref<10000x128xf32, #tpu.memory_space<hbm>>
      tpu.enqueue_indirect_dma source(%dma_start3A_67 : memref<10000x128xf32, #tpu.memory_space<hbm>>) target(%arg9 : memref<125x128xf32, #tpu.memory_space<vmem>>) offsets(%dma_start3A_64 : memref<125xi32, #tpu.memory_space<vmem>>) semaphore(%arg13 : memref<!tpu.dma_semaphore, #tpu.memory_space<semaphore_mem>>)
      %dma_wait3A = arith.constant 0 : i32
      %dma_wait3A_68 = tpu.memref_slice %arg6[%mul3A_59, %dma_wait3A] : memref<40x125xi32, #tpu.memory_space<vmem>> -> memref<1x125xi32, #tpu.memory_space<vmem>>
      %dma_wait3A_69 = tpu.memref_squeeze %dma_wait3A_68 : memref<1x125xi32, #tpu.memory_space<vmem>> -> memref<125xi32, #tpu.memory_space<vmem>>
      %dma_wait3A_70 = arith.constant 0 : i32
      %dma_wait3A_71 = arith.constant 0 : i32
      %dma_wait3A_72 = tpu.memref_slice %arg2[%dma_wait3A_70, %dma_wait3A_71] : memref<10000x128xf32, #tpu.memory_space<hbm>> -> memref<10000x128xf32, #tpu.memory_space<hbm>>
      tpu.wait_indirect_dma semaphore(%arg12 : memref<!tpu.dma_semaphore, #tpu.memory_space<semaphore_mem>>) src(%dma_wait3A_72 : memref<10000x128xf32, #tpu.memory_space<hbm>>) dst(%arg8 : memref<125x128xf32, #tpu.memory_space<vmem>>)
      "tpu.region"() ({
        %run_scoped3A = tpu.sem_alloc : memref<!tpu.dma_semaphore, #tpu.memory_space<semaphore_mem>>
        %dma_start3A_89 = arith.constant 0 : i32
        %dma_start3A_90 = tpu.memref_slice %arg7[%mul3A_59, %dma_start3A_89] : memref<40x125xi32, #tpu.memory_space<vmem>> -> memref<1x125xi32, #tpu.memory_space<vmem>>
        %dma_start3A_91 = tpu.memref_squeeze %dma_start3A_90 : memref<1x125xi32, #tpu.memory_space<vmem>> -> memref<125xi32, #tpu.memory_space<vmem>>
        %dma_start3A_92 = arith.constant 0 : i32
        %dma_start3A_93 = arith.constant 0 : i32
        %dma_start3A_94 = tpu.memref_slice %arg11[%dma_start3A_92, %dma_start3A_93] : memref<10000x128xf32, #tpu.memory_space<vmem_shared>> -> memref<10000x128xf32, #tpu.memory_space<vmem_shared>>
        tpu.enqueue_indirect_dma source(%arg8 : memref<125x128xf32, #tpu.memory_space<vmem>>) target(%dma_start3A_94 : memref<10000x128xf32, #tpu.memory_space<vmem_shared>>) offsets(%dma_start3A_91 : memref<125xi32, #tpu.memory_space<vmem>>) semaphore(%run_scoped3A : memref<!tpu.dma_semaphore, #tpu.memory_space<semaphore_mem>>) {add = true}
        %dma_wait3A_95 = arith.constant 0 : i32
        %dma_wait3A_96 = tpu.memref_slice %arg7[%mul3A_59, %dma_wait3A_95] : memref<40x125xi32, #tpu.memory_space<vmem>> -> memref<1x125xi32, #tpu.memory_space<vmem>>
        %dma_wait3A_97 = tpu.memref_squeeze %dma_wait3A_96 : memref<1x125xi32, #tpu.memory_space<vmem>> -> memref<125xi32, #tpu.memory_space<vmem>>
        %dma_wait3A_98 = arith.constant 0 : i32
        %dma_wait3A_99 = arith.constant 0 : i32
        %dma_wait3A_100 = tpu.memref_slice %arg11[%dma_wait3A_98, %dma_wait3A_99] : memref<10000x128xf32, #tpu.memory_space<vmem_shared>> -> memref<10000x128xf32, #tpu.memory_space<vmem_shared>>
        tpu.wait_indirect_dma semaphore(%run_scoped3A : memref<!tpu.dma_semaphore, #tpu.memory_space<semaphore_mem>>) src(%arg8 : memref<125x128xf32, #tpu.memory_space<vmem>>) dst(%dma_wait3A_100 : memref<10000x128xf32, #tpu.memory_space<vmem_shared>>)
        tpu.yield
      }) : () -> ()
      %add3A_73 = arith.constant 2 : i32
      %add3A_74 = arith.addi %mul3A_59, %add3A_73 : i32
      %lt3A = arith.constant 40 : i32
      %lt3A_75 = arith.cmpi slt, %add3A_74, %lt3A : i32
      %convert_element_type3A_76 = arith.extui %lt3A_75 : i1 to i32
      %cond3A_77 = arith.constant 0 : i32
      %cond3A_78 = arith.cmpi ne, %convert_element_type3A_76, %cond3A_77 : i32
      scf.if %cond3A_78 {
        %add3A_89 = arith.constant 2 : i32
        %add3A_90 = arith.addi %mul3A_59, %add3A_89 : i32
        %dma_start3A_91 = arith.constant 0 : i32
        %dma_start3A_92 = tpu.memref_slice %arg6[%add3A_90, %dma_start3A_91] : memref<40x125xi32, #tpu.memory_space<vmem>> -> memref<1x125xi32, #tpu.memory_space<vmem>>
        %dma_start3A_93 = tpu.memref_squeeze %dma_start3A_92 : memref<1x125xi32, #tpu.memory_space<vmem>> -> memref<125xi32, #tpu.memory_space<vmem>>
        %dma_start3A_94 = arith.constant 0 : i32
        %dma_start3A_95 = arith.constant 0 : i32
        %dma_start3A_96 = tpu.memref_slice %arg2[%dma_start3A_94, %dma_start3A_95] : memref<10000x128xf32, #tpu.memory_space<hbm>> -> memref<10000x128xf32, #tpu.memory_space<hbm>>
        tpu.enqueue_indirect_dma source(%dma_start3A_96 : memref<10000x128xf32, #tpu.memory_space<hbm>>) target(%arg8 : memref<125x128xf32, #tpu.memory_space<vmem>>) offsets(%dma_start3A_93 : memref<125xi32, #tpu.memory_space<vmem>>) semaphore(%arg12 : memref<!tpu.dma_semaphore, #tpu.memory_space<semaphore_mem>>)
      } else {
      }
      %add3A_79 = arith.constant 1 : i32
      %add3A_80 = arith.addi %mul3A_59, %add3A_79 : i32
      %dma_wait3A_81 = arith.constant 0 : i32
      %dma_wait3A_82 = tpu.memref_slice %arg6[%add3A_80, %dma_wait3A_81] : memref<40x125xi32, #tpu.memory_space<vmem>> -> memref<1x125xi32, #tpu.memory_space<vmem>>
      %dma_wait3A_83 = tpu.memref_squeeze %dma_wait3A_82 : memref<1x125xi32, #tpu.memory_space<vmem>> -> memref<125xi32, #tpu.memory_space<vmem>>
      %dma_wait3A_84 = arith.constant 0 : i32
      %dma_wait3A_85 = arith.constant 0 : i32
      %dma_wait3A_86 = tpu.memref_slice %arg2[%dma_wait3A_84, %dma_wait3A_85] : memref<10000x128xf32, #tpu.memory_space<hbm>> -> memref<10000x128xf32, #tpu.memory_space<hbm>>
      tpu.wait_indirect_dma semaphore(%arg13 : memref<!tpu.dma_semaphore, #tpu.memory_space<semaphore_mem>>) src(%dma_wait3A_86 : memref<10000x128xf32, #tpu.memory_space<hbm>>) dst(%arg9 : memref<125x128xf32, #tpu.memory_space<vmem>>)
      %add3A_87 = arith.constant 1 : i32
      %add3A_88 = arith.addi %mul3A_59, %add3A_87 : i32
      "tpu.region"() ({
        %run_scoped3A = tpu.sem_alloc : memref<!tpu.dma_semaphore, #tpu.memory_space<semaphore_mem>>
        %dma_start3A_89 = arith.constant 0 : i32
        %dma_start3A_90 = tpu.memref_slice %arg7[%add3A_88, %dma_start3A_89] : memref<40x125xi32, #tpu.memory_space<vmem>> -> memref<1x125xi32, #tpu.memory_space<vmem>>
        %dma_start3A_91 = tpu.memref_squeeze %dma_start3A_90 : memref<1x125xi32, #tpu.memory_space<vmem>> -> memref<125xi32, #tpu.memory_space<vmem>>
        %dma_start3A_92 = arith.constant 0 : i32
        %dma_start3A_93 = arith.constant 0 : i32
        %dma_start3A_94 = tpu.memref_slice %arg11[%dma_start3A_92, %dma_start3A_93] : memref<10000x128xf32, #tpu.memory_space<vmem_shared>> -> memref<10000x128xf32, #tpu.memory_space<vmem_shared>>
        tpu.enqueue_indirect_dma source(%arg9 : memref<125x128xf32, #tpu.memory_space<vmem>>) target(%dma_start3A_94 : memref<10000x128xf32, #tpu.memory_space<vmem_shared>>) offsets(%dma_start3A_91 : memref<125xi32, #tpu.memory_space<vmem>>) semaphore(%run_scoped3A : memref<!tpu.dma_semaphore, #tpu.memory_space<semaphore_mem>>) {add = true}
        %dma_wait3A_95 = arith.constant 0 : i32
        %dma_wait3A_96 = tpu.memref_slice %arg7[%add3A_88, %dma_wait3A_95] : memref<40x125xi32, #tpu.memory_space<vmem>> -> memref<1x125xi32, #tpu.memory_space<vmem>>
        %dma_wait3A_97 = tpu.memref_squeeze %dma_wait3A_96 : memref<1x125xi32, #tpu.memory_space<vmem>> -> memref<125xi32, #tpu.memory_space<vmem>>
        %dma_wait3A_98 = arith.constant 0 : i32
        %dma_wait3A_99 = arith.constant 0 : i32
        %dma_wait3A_100 = tpu.memref_slice %arg11[%dma_wait3A_98, %dma_wait3A_99] : memref<10000x128xf32, #tpu.memory_space<vmem_shared>> -> memref<10000x128xf32, #tpu.memory_space<vmem_shared>>
        tpu.wait_indirect_dma semaphore(%run_scoped3A : memref<!tpu.dma_semaphore, #tpu.memory_space<semaphore_mem>>) src(%arg9 : memref<125x128xf32, #tpu.memory_space<vmem>>) dst(%dma_wait3A_100 : memref<10000x128xf32, #tpu.memory_space<vmem_shared>>)
        tpu.yield
      }) : () -> ()
    }
    %scan3A_42 = arith.constant 20 : i32
    %barrier3A_43 = arith.constant 0 : index
    tpu.barrier barrier_id(%barrier3A_43)
    %mul3A_44 = arith.constant 624 : i32
    %mul3A_45 = arith.muli %arg1, %mul3A_44 : i32
    %mul3A_46 = arith.constant 624 : i32
    %mul3A_47 = arith.muli %arg1, %mul3A_46 : i32
    "tpu.region"() ({
      %run_scoped3A = tpu.sem_alloc : memref<!tpu.dma_semaphore, #tpu.memory_space<semaphore_mem>>
      %dma_start3A_53 = arith.constant 0 : i32
      %dma_start3A_54 = tpu.memref_slice %arg5[%arg0, %mul3A_47, %dma_start3A_53] : memref<2x10000x128xf32, #tpu.memory_space<hbm>> -> memref<1x624x128xf32, #tpu.memory_space<hbm>>
      %dma_start3A_55 = tpu.memref_squeeze %dma_start3A_54 : memref<1x624x128xf32, #tpu.memory_space<hbm>> -> memref<624x128xf32, #tpu.memory_space<hbm>>
      %dma_start3A_56 = arith.constant 0 : i32
      %dma_start3A_57 = tpu.memref_slice %arg11[%mul3A_45, %dma_start3A_56] : memref<10000x128xf32, #tpu.memory_space<vmem_shared>> -> memref<624x128xf32, #tpu.memory_space<vmem_shared>>
      tpu.enqueue_dma source(%dma_start3A_57 : memref<624x128xf32, #tpu.memory_space<vmem_shared>>) target(%dma_start3A_55 : memref<624x128xf32, #tpu.memory_space<hbm>>) target_semaphore(%run_scoped3A : memref<!tpu.dma_semaphore, #tpu.memory_space<semaphore_mem>>)
      %dma_wait3A = arith.constant 0 : i32
      %dma_wait3A_58 = tpu.memref_slice %arg5[%arg0, %mul3A_47, %dma_wait3A] : memref<2x10000x128xf32, #tpu.memory_space<hbm>> -> memref<1x624x128xf32, #tpu.memory_space<hbm>>
      %dma_wait3A_59 = tpu.memref_squeeze %dma_wait3A_58 : memref<1x624x128xf32, #tpu.memory_space<hbm>> -> memref<624x128xf32, #tpu.memory_space<hbm>>
      %dma_wait3A_60 = arith.constant 0 : i32
      %dma_wait3A_61 = tpu.memref_slice %arg11[%mul3A_45, %dma_wait3A_60] : memref<10000x128xf32, #tpu.memory_space<vmem_shared>> -> memref<624x128xf32, #tpu.memory_space<vmem_shared>>
      tpu.wait_dma2 semaphore(%run_scoped3A : memref<!tpu.dma_semaphore, #tpu.memory_space<semaphore_mem>>) src(%dma_wait3A_61 : memref<624x128xf32, #tpu.memory_space<vmem_shared>>) dst(%dma_wait3A_59 : memref<624x128xf32, #tpu.memory_space<hbm>>)
      tpu.yield
    }) : () -> ()
    %eq3A_48 = arith.constant 15 : i32
    %eq3A_49 = arith.cmpi eq, %arg1, %eq3A_48 : i32
    %convert_element_type3A_50 = arith.extui %eq3A_49 : i1 to i32
    %cond3A_51 = arith.constant 0 : i32
    %cond3A_52 = arith.cmpi ne, %convert_element_type3A_50, %cond3A_51 : i32
    scf.if %cond3A_52 {
      "tpu.region"() ({
        %run_scoped3A = tpu.sem_alloc : memref<!tpu.dma_semaphore, #tpu.memory_space<semaphore_mem>>
        %dma_start3A_53 = arith.constant 9984 : i32
        %dma_start3A_54 = arith.constant 0 : i32
        %dma_start3A_55 = tpu.memref_slice %arg5[%arg0, %dma_start3A_53, %dma_start3A_54] : memref<2x10000x128xf32, #tpu.memory_space<hbm>> -> memref<1x16x128xf32, #tpu.memory_space<hbm>>
        %dma_start3A_56 = tpu.memref_squeeze %dma_start3A_55 : memref<1x16x128xf32, #tpu.memory_space<hbm>> -> memref<16x128xf32, #tpu.memory_space<hbm>>
        %dma_start3A_57 = arith.constant 9984 : i32
        %dma_start3A_58 = arith.constant 0 : i32
        %dma_start3A_59 = tpu.memref_slice %arg11[%dma_start3A_57, %dma_start3A_58] : memref<10000x128xf32, #tpu.memory_space<vmem_shared>> -> memref<16x128xf32, #tpu.memory_space<vmem_shared>>
        tpu.enqueue_dma source(%dma_start3A_59 : memref<16x128xf32, #tpu.memory_space<vmem_shared>>) target(%dma_start3A_56 : memref<16x128xf32, #tpu.memory_space<hbm>>) target_semaphore(%run_scoped3A : memref<!tpu.dma_semaphore, #tpu.memory_space<semaphore_mem>>)
        %dma_wait3A = arith.constant 9984 : i32
        %dma_wait3A_60 = arith.constant 0 : i32
        %dma_wait3A_61 = tpu.memref_slice %arg5[%arg0, %dma_wait3A, %dma_wait3A_60] : memref<2x10000x128xf32, #tpu.memory_space<hbm>> -> memref<1x16x128xf32, #tpu.memory_space<hbm>>
        %dma_wait3A_62 = tpu.memref_squeeze %dma_wait3A_61 : memref<1x16x128xf32, #tpu.memory_space<hbm>> -> memref<16x128xf32, #tpu.memory_space<hbm>>
        %dma_wait3A_63 = arith.constant 9984 : i32
        %dma_wait3A_64 = arith.constant 0 : i32
        %dma_wait3A_65 = tpu.memref_slice %arg11[%dma_wait3A_63, %dma_wait3A_64] : memref<10000x128xf32, #tpu.memory_space<vmem_shared>> -> memref<16x128xf32, #tpu.memory_space<vmem_shared>>
        tpu.wait_dma2 semaphore(%run_scoped3A : memref<!tpu.dma_semaphore, #tpu.memory_space<semaphore_mem>>) src(%dma_wait3A_65 : memref<16x128xf32, #tpu.memory_space<vmem_shared>>) dst(%dma_wait3A_62 : memref<16x128xf32, #tpu.memory_space<hbm>>)
        tpu.yield
      }) : () -> ()
    } else {
    }
    return
  }
}

module attributes {stable_mosaic.version = 14 : i64} {
  func.func @body(%arg0: i32, %arg1: memref<1x2000x128xf32, #tpu.memory_space<vmem>>, %arg2: memref<1x2000x128xf32, #tpu.memory_space<vmem>>, %arg3: memref<2000x128xf32, #tpu.memory_space<vmem>>, %arg4: memref<2000x1xf32, #tpu.memory_space<vmem>>, %arg5: memref<1x128xf32, #tpu.memory_space<vmem>>, %arg6: memref<128x128xf32, #tpu.memory_space<vmem>>, %arg7: memref<2000x128xf32, #tpu.memory_space<vmem>>) attributes {dimension_semantics = [#tpu.dimension_semantics<arbitrary>], iteration_bounds = array<i64: 5>, scalar_prefetch = 0 : i64, scratch_operands = 0 : i64, tpu.core_type = #tpu.core_type<tc>, window_params = [{transform_indices = @transform_0, window_bounds = array<i64: 1, 2000, 128>}, {transform_indices = @transform_1, window_bounds = array<i64: 1, 2000, 128>}, {transform_indices = @transform_2, window_bounds = array<i64: 2000, 128>}, {transform_indices = @transform_3, window_bounds = array<i64: 2000, 1>}, {pipeline_mode = #tpu.pipeline_mode<synchronous>, transform_indices = @transform_4, window_bounds = array<i64: 1, 128>}, {pipeline_mode = #tpu.pipeline_mode<synchronous>, transform_indices = @transform_5, window_bounds = array<i64: 128, 128>}, {transform_indices = @transform_6, window_bounds = array<i64: 2000, 128>}]} {
    %get3A = arith.constant 0 : index
    %get3A_0 = arith.constant 0 : index
    %get3A_1 = vector.load %arg4[%get3A, %get3A_0] : memref<2000x1xf32, #tpu.memory_space<vmem>>, vector<2000x1xf32>
    %get3A_2 = arith.constant 0 : index
    %get3A_3 = arith.constant 0 : index
    %get3A_4 = arith.constant 0 : index
    %get3A_5 = vector.load %arg1[%get3A_2, %get3A_3, %get3A_4] : memref<1x2000x128xf32, #tpu.memory_space<vmem>>, vector<1x2000x128xf32>
    %get3A_6 = vector.shape_cast %get3A_5 : vector<1x2000x128xf32> to vector<2000x128xf32>
    %get3A_7 = arith.constant 0 : index
    %get3A_8 = arith.constant 0 : index
    %get3A_9 = arith.constant 0 : index
    %get3A_10 = vector.load %arg2[%get3A_7, %get3A_8, %get3A_9] : memref<1x2000x128xf32, #tpu.memory_space<vmem>>, vector<1x2000x128xf32>
    %get3A_11 = vector.shape_cast %get3A_10 : vector<1x2000x128xf32> to vector<2000x128xf32>
    %add3A = arith.addf %get3A_6, %get3A_11 : vector<2000x128xf32>
    %get3A_12 = arith.constant 0 : index
    %get3A_13 = arith.constant 0 : index
    %get3A_14 = vector.load %arg3[%get3A_12, %get3A_13] : memref<2000x128xf32, #tpu.memory_space<vmem>>, vector<2000x128xf32>
    %add3A_15 = arith.addf %add3A, %get3A_14 : vector<2000x128xf32>
    %mul3A = vector.broadcast %get3A_1 : vector<2000x1xf32> to vector<2000x128xf32>
    %mul3A_16 = arith.mulf %mul3A, %add3A_15 : vector<2000x128xf32>
    %get3A_17 = arith.constant 0 : index
    %get3A_18 = arith.constant 0 : index
    %get3A_19 = vector.load %arg5[%get3A_17, %get3A_18] : memref<1x128xf32, #tpu.memory_space<vmem>>, vector<1x128xf32>
    %add3A_20 = vector.broadcast %get3A_19 : vector<1x128xf32> to vector<2000x128xf32>
    %add3A_21 = arith.addf %mul3A_16, %add3A_20 : vector<2000x128xf32>
    %max3A = arith.constant 0.000000e+00 : f32
    %max3A_22 = vector.broadcast %max3A : f32 to vector<2000x128xf32>
    %max3A_23 = arith.maximumf %add3A_21, %max3A_22 : vector<2000x128xf32>
    %get3A_24 = arith.constant 0 : index
    %get3A_25 = arith.constant 0 : index
    %get3A_26 = vector.load %arg4[%get3A_24, %get3A_25] : memref<2000x1xf32, #tpu.memory_space<vmem>>, vector<2000x1xf32>
    %get3A_27 = arith.constant 0 : index
    %get3A_28 = arith.constant 0 : index
    %get3A_29 = vector.load %arg6[%get3A_27, %get3A_28] : memref<128x128xf32, #tpu.memory_space<vmem>>, vector<128x128xf32>
    %dot_general3A = arith.constant dense<0.000000e+00> : vector<2000x128xf32>
    %dot_general3A_30 = tpu.matmul %max3A_23, %get3A_29, %dot_general3A {dimension_numbers = #tpu.dot_dimension_numbers<[1], [0], [0], [1], [0, 0, 1, 1], [], []>, transpose_lhs_hint = false} : vector<2000x128xf32>, vector<128x128xf32>, vector<2000x128xf32> -> vector<2000x128xf32>
    %mul3A_31 = vector.broadcast %get3A_26 : vector<2000x1xf32> to vector<2000x128xf32>
    %mul3A_32 = arith.mulf %mul3A_31, %dot_general3A_30 : vector<2000x128xf32>
    %swap3A = arith.constant 0 : index
    %swap3A_33 = arith.constant 0 : index
    %swap3A_34 = vector.load %arg7[%swap3A, %swap3A_33] : memref<2000x128xf32, #tpu.memory_space<vmem>>, vector<2000x128xf32>
    tpu.vector_store %arg7[%swap3A, %swap3A_33], %mul3A_32 {strides = array<i32>} : memref<2000x128xf32, #tpu.memory_space<vmem>>, vector<2000x128xf32>,
    return
  }
  func.func @transform_0(%arg0: i32) -> (i32, i32, i32) {
    %c0_i32 = arith.constant 0 : i32
    %c0_i32_0 = arith.constant 0 : i32
    %c0_i32_1 = arith.constant 0 : i32
    return %c0_i32, %arg0, %c0_i32_0 : i32, i32, i32
  }
  func.func @transform_1(%arg0: i32) -> (i32, i32, i32) {
    %c1_i32 = arith.constant 1 : i32
    %c0_i32 = arith.constant 0 : i32
    %c0_i32_0 = arith.constant 0 : i32
    return %c1_i32, %arg0, %c0_i32 : i32, i32, i32
  }
  func.func @transform_2(%arg0: i32) -> (i32, i32) {
    %c0_i32 = arith.constant 0 : i32
    %c0_i32_0 = arith.constant 0 : i32
    return %arg0, %c0_i32 : i32, i32
  }
  func.func @transform_3(%arg0: i32) -> (i32, i32) {
    %c0_i32 = arith.constant 0 : i32
    %c0_i32_0 = arith.constant 0 : i32
    return %arg0, %c0_i32 : i32, i32
  }
  func.func @transform_4(%arg0: i32) -> (i32, i32) {
    %c0_i32 = arith.constant 0 : i32
    %c0_i32_0 = arith.constant 0 : i32
    %c0_i32_1 = arith.constant 0 : i32
    return %c0_i32, %c0_i32_0 : i32, i32
  }
  func.func @transform_5(%arg0: i32) -> (i32, i32) {
    %c0_i32 = arith.constant 0 : i32
    %c0_i32_0 = arith.constant 0 : i32
    %c0_i32_1 = arith.constant 0 : i32
    return %c0_i32, %c0_i32_0 : i32, i32
  }
  func.func @transform_6(%arg0: i32) -> (i32, i32) {
    %c0_i32 = arith.constant 0 : i32
    %c0_i32_0 = arith.constant 0 : i32
    return %arg0, %c0_i32 : i32, i32
  }
}

module attributes {stable_mosaic.version = 14 : i64} {
  func.func @body(%arg0: i32, %arg1: memref<1x2000x16xf32, #tpu.memory_space<vmem>>, %arg2: memref<1x2000x16xf32, #tpu.memory_space<vmem>>, %arg3: memref<2000x128xf32, #tpu.memory_space<vmem>>, %arg4: memref<128x128xf32, #tpu.memory_space<vmem>>, %arg5: memref<2000x128xf32, #tpu.memory_space<vmem>>, %arg6: memref<2000x1xf32, #tpu.memory_space<vmem>>) attributes {dimension_semantics = [#tpu.dimension_semantics<arbitrary>], iteration_bounds = array<i64: 5>, scalar_prefetch = 0 : i64, scratch_operands = 0 : i64, tpu.core_type = #tpu.core_type<tc>, window_params = [{transform_indices = @transform_0, window_bounds = array<i64: 1, 2000, 16>}, {transform_indices = @transform_1, window_bounds = array<i64: 1, 2000, 16>}, {transform_indices = @transform_2, window_bounds = array<i64: 2000, 128>}, {pipeline_mode = #tpu.pipeline_mode<synchronous>, transform_indices = @transform_3, window_bounds = array<i64: 128, 128>}, {transform_indices = @transform_4, window_bounds = array<i64: 2000, 128>}, {transform_indices = @transform_5, window_bounds = array<i64: 2000, 1>}]} {
    %get3A = arith.constant 0 : index
    %get3A_0 = arith.constant 0 : index
    %get3A_1 = arith.constant 0 : index
    %get3A_2 = vector.load %arg1[%get3A, %get3A_0, %get3A_1] : memref<1x2000x16xf32, #tpu.memory_space<vmem>>, vector<1x2000x1xf32>
    %get3A_3 = vector.shape_cast %get3A_2 : vector<1x2000x1xf32> to vector<2000x1xf32>
    %get3A_4 = arith.constant 0 : index
    %get3A_5 = arith.constant 0 : index
    %get3A_6 = arith.constant 0 : index
    %get3A_7 = vector.load %arg2[%get3A_4, %get3A_5, %get3A_6] : memref<1x2000x16xf32, #tpu.memory_space<vmem>>, vector<1x2000x1xf32>
    %get3A_8 = vector.shape_cast %get3A_7 : vector<1x2000x1xf32> to vector<2000x1xf32>
    %add3A = arith.addf %get3A_3, %get3A_8 : vector<2000x1xf32>
    %add3A_9 = arith.constant 1.000000e+00 : f32
    %add3A_10 = vector.broadcast %add3A_9 : f32 to vector<2000x1xf32>
    %add3A_11 = arith.addf %add3A, %add3A_10 : vector<2000x1xf32>
    %rsqrt3A = math.rsqrt %add3A_11 : vector<2000x1xf32>
    %swap3A = arith.constant 0 : index
    %swap3A_12 = arith.constant 0 : index
    %swap3A_13 = vector.load %arg6[%swap3A, %swap3A_12] : memref<2000x1xf32, #tpu.memory_space<vmem>>, vector<2000x1xf32>
    tpu.vector_store %arg6[%swap3A, %swap3A_12], %rsqrt3A {strides = array<i32>} : memref<2000x1xf32, #tpu.memory_space<vmem>>, vector<2000x1xf32>,
    %get3A_14 = arith.constant 0 : index
    %get3A_15 = arith.constant 0 : index
    %get3A_16 = vector.load %arg3[%get3A_14, %get3A_15] : memref<2000x128xf32, #tpu.memory_space<vmem>>, vector<2000x128xf32>
    %get3A_17 = arith.constant 0 : index
    %get3A_18 = arith.constant 0 : index
    %get3A_19 = vector.load %arg4[%get3A_17, %get3A_18] : memref<128x128xf32, #tpu.memory_space<vmem>>, vector<128x128xf32>
    %dot_general3A = arith.constant dense<0.000000e+00> : vector<2000x128xf32>
    %dot_general3A_20 = tpu.matmul %get3A_16, %get3A_19, %dot_general3A {dimension_numbers = #tpu.dot_dimension_numbers<[1], [0], [0], [1], [0, 0, 1, 1], [], []>, transpose_lhs_hint = false} : vector<2000x128xf32>, vector<128x128xf32>, vector<2000x128xf32> -> vector<2000x128xf32>
    %mul3A = vector.broadcast %rsqrt3A : vector<2000x1xf32> to vector<2000x128xf32>
    %mul3A_21 = arith.mulf %mul3A, %dot_general3A_20 : vector<2000x128xf32>
    %swap3A_22 = arith.constant 0 : index
    %swap3A_23 = arith.constant 0 : index
    %swap3A_24 = vector.load %arg5[%swap3A_22, %swap3A_23] : memref<2000x128xf32, #tpu.memory_space<vmem>>, vector<2000x128xf32>
    tpu.vector_store %arg5[%swap3A_22, %swap3A_23], %mul3A_21 {strides = array<i32>} : memref<2000x128xf32, #tpu.memory_space<vmem>>, vector<2000x128xf32>,
    return
  }
  func.func @transform_0(%arg0: i32) -> (i32, i32, i32) {
    %c0_i32 = arith.constant 0 : i32
    %c0_i32_0 = arith.constant 0 : i32
    %c0_i32_1 = arith.constant 0 : i32
    return %c0_i32, %arg0, %c0_i32_0 : i32, i32, i32
  }
  func.func @transform_1(%arg0: i32) -> (i32, i32, i32) {
    %c1_i32 = arith.constant 1 : i32
    %c0_i32 = arith.constant 0 : i32
    %c0_i32_0 = arith.constant 0 : i32
    return %c1_i32, %arg0, %c0_i32 : i32, i32, i32
  }
  func.func @transform_2(%arg0: i32) -> (i32, i32) {
    %c0_i32 = arith.constant 0 : i32
    %c0_i32_0 = arith.constant 0 : i32
    return %arg0, %c0_i32 : i32, i32
  }
  func.func @transform_3(%arg0: i32) -> (i32, i32) {
    %c0_i32 = arith.constant 0 : i32
    %c0_i32_0 = arith.constant 0 : i32
    %c0_i32_1 = arith.constant 0 : i32
    return %c0_i32, %c0_i32_0 : i32, i32
  }
  func.func @transform_4(%arg0: i32) -> (i32, i32) {
    %c0_i32 = arith.constant 0 : i32
    %c0_i32_0 = arith.constant 0 : i32
    return %arg0, %c0_i32 : i32, i32
  }
  func.func @transform_5(%arg0: i32) -> (i32, i32) {
    %c0_i32 = arith.constant 0 : i32
    %c0_i32_0 = arith.constant 0 : i32
    return %arg0, %c0_i32 : i32, i32
  }
}

module attributes {stable_mosaic.version = 14 : i64} {
  func.func @body(%arg0: i32, %arg1: memref<1x2000x128xf32, #tpu.memory_space<vmem>>, %arg2: memref<1x2000x128xf32, #tpu.memory_space<vmem>>, %arg3: memref<2000x128xf32, #tpu.memory_space<vmem>>, %arg4: memref<2000x1xf32, #tpu.memory_space<vmem>>, %arg5: memref<1x128xf32, #tpu.memory_space<vmem>>, %arg6: memref<2000x128xf32, #tpu.memory_space<vmem>>) attributes {dimension_semantics = [#tpu.dimension_semantics<arbitrary>], iteration_bounds = array<i64: 5>, scalar_prefetch = 0 : i64, scratch_operands = 0 : i64, tpu.core_type = #tpu.core_type<tc>, window_params = [{transform_indices = @transform_0, window_bounds = array<i64: 1, 2000, 128>}, {transform_indices = @transform_1, window_bounds = array<i64: 1, 2000, 128>}, {transform_indices = @transform_2, window_bounds = array<i64: 2000, 128>}, {transform_indices = @transform_3, window_bounds = array<i64: 2000, 1>}, {pipeline_mode = #tpu.pipeline_mode<synchronous>, transform_indices = @transform_4, window_bounds = array<i64: 1, 128>}, {transform_indices = @transform_5, window_bounds = array<i64: 2000, 128>}]} {
    %get3A = arith.constant 0 : index
    %get3A_0 = arith.constant 0 : index
    %get3A_1 = vector.load %arg4[%get3A, %get3A_0] : memref<2000x1xf32, #tpu.memory_space<vmem>>, vector<2000x1xf32>
    %get3A_2 = arith.constant 0 : index
    %get3A_3 = arith.constant 0 : index
    %get3A_4 = arith.constant 0 : index
    %get3A_5 = vector.load %arg1[%get3A_2, %get3A_3, %get3A_4] : memref<1x2000x128xf32, #tpu.memory_space<vmem>>, vector<1x2000x128xf32>
    %get3A_6 = vector.shape_cast %get3A_5 : vector<1x2000x128xf32> to vector<2000x128xf32>
    %get3A_7 = arith.constant 0 : index
    %get3A_8 = arith.constant 0 : index
    %get3A_9 = arith.constant 0 : index
    %get3A_10 = vector.load %arg2[%get3A_7, %get3A_8, %get3A_9] : memref<1x2000x128xf32, #tpu.memory_space<vmem>>, vector<1x2000x128xf32>
    %get3A_11 = vector.shape_cast %get3A_10 : vector<1x2000x128xf32> to vector<2000x128xf32>
    %add3A = arith.addf %get3A_6, %get3A_11 : vector<2000x128xf32>
    %get3A_12 = arith.constant 0 : index
    %get3A_13 = arith.constant 0 : index
    %get3A_14 = vector.load %arg3[%get3A_12, %get3A_13] : memref<2000x128xf32, #tpu.memory_space<vmem>>, vector<2000x128xf32>
    %add3A_15 = arith.addf %add3A, %get3A_14 : vector<2000x128xf32>
    %mul3A = vector.broadcast %get3A_1 : vector<2000x1xf32> to vector<2000x128xf32>
    %mul3A_16 = arith.mulf %mul3A, %add3A_15 : vector<2000x128xf32>
    %get3A_17 = arith.constant 0 : index
    %get3A_18 = arith.constant 0 : index
    %get3A_19 = vector.load %arg5[%get3A_17, %get3A_18] : memref<1x128xf32, #tpu.memory_space<vmem>>, vector<1x128xf32>
    %add3A_20 = vector.broadcast %get3A_19 : vector<1x128xf32> to vector<2000x128xf32>
    %add3A_21 = arith.addf %mul3A_16, %add3A_20 : vector<2000x128xf32>
    %get3A_22 = arith.constant 0 : index
    %get3A_23 = arith.constant 0 : index
    %get3A_24 = vector.load %arg4[%get3A_22, %get3A_23] : memref<2000x1xf32, #tpu.memory_space<vmem>>, vector<2000x1xf32>
    %max3A = arith.constant 0.000000e+00 : f32
    %max3A_25 = vector.broadcast %max3A : f32 to vector<2000x128xf32>
    %max3A_26 = arith.maximumf %add3A_21, %max3A_25 : vector<2000x128xf32>
    %mul3A_27 = vector.broadcast %get3A_24 : vector<2000x1xf32> to vector<2000x128xf32>
    %mul3A_28 = arith.mulf %mul3A_27, %max3A_26 : vector<2000x128xf32>
    %swap3A = arith.constant 0 : index
    %swap3A_29 = arith.constant 0 : index
    %swap3A_30 = vector.load %arg6[%swap3A, %swap3A_29] : memref<2000x128xf32, #tpu.memory_space<vmem>>, vector<2000x128xf32>
    tpu.vector_store %arg6[%swap3A, %swap3A_29], %mul3A_28 {strides = array<i32>} : memref<2000x128xf32, #tpu.memory_space<vmem>>, vector<2000x128xf32>,
    return
  }
  func.func @transform_0(%arg0: i32) -> (i32, i32, i32) {
    %c0_i32 = arith.constant 0 : i32
    %c0_i32_0 = arith.constant 0 : i32
    %c0_i32_1 = arith.constant 0 : i32
    return %c0_i32, %arg0, %c0_i32_0 : i32, i32, i32
  }
  func.func @transform_1(%arg0: i32) -> (i32, i32, i32) {
    %c1_i32 = arith.constant 1 : i32
    %c0_i32 = arith.constant 0 : i32
    %c0_i32_0 = arith.constant 0 : i32
    return %c1_i32, %arg0, %c0_i32 : i32, i32, i32
  }
  func.func @transform_2(%arg0: i32) -> (i32, i32) {
    %c0_i32 = arith.constant 0 : i32
    %c0_i32_0 = arith.constant 0 : i32
    return %arg0, %c0_i32 : i32, i32
  }
  func.func @transform_3(%arg0: i32) -> (i32, i32) {
    %c0_i32 = arith.constant 0 : i32
    %c0_i32_0 = arith.constant 0 : i32
    return %arg0, %c0_i32 : i32, i32
  }
  func.func @transform_4(%arg0: i32) -> (i32, i32) {
    %c0_i32 = arith.constant 0 : i32
    %c0_i32_0 = arith.constant 0 : i32
    %c0_i32_1 = arith.constant 0 : i32
    return %c0_i32, %c0_i32_0 : i32, i32
  }
  func.func @transform_5(%arg0: i32) -> (i32, i32) {
    %c0_i32 = arith.constant 0 : i32
    %c0_i32_0 = arith.constant 0 : i32
    return %arg0, %c0_i32 : i32, i32
  }
}

module attributes {stable_mosaic.version = 14 : i64} {
  func.func @body(%arg0: i32, %arg1: memref<1x2000x128xf32, #tpu.memory_space<vmem>>, %arg2: memref<1x2000x128xf32, #tpu.memory_space<vmem>>, %arg3: memref<2000x128xf32, #tpu.memory_space<vmem>>, %arg4: memref<2000x1xf32, #tpu.memory_space<vmem>>, %arg5: memref<128x256xf32, #tpu.memory_space<vmem>>, %arg6: memref<256x64xf32, #tpu.memory_space<vmem>>, %arg7: memref<1x256xf32, #tpu.memory_space<vmem>>, %arg8: memref<1x64xf32, #tpu.memory_space<vmem>>, %arg9: memref<2000x64xf32, #tpu.memory_space<vmem>>) attributes {dimension_semantics = [#tpu.dimension_semantics<arbitrary>], iteration_bounds = array<i64: 5>, scalar_prefetch = 0 : i64, scratch_operands = 0 : i64, tpu.core_type = #tpu.core_type<tc>, window_params = [{transform_indices = @transform_0, window_bounds = array<i64: 1, 2000, 128>}, {transform_indices = @transform_1, window_bounds = array<i64: 1, 2000, 128>}, {transform_indices = @transform_2, window_bounds = array<i64: 2000, 128>}, {transform_indices = @transform_3, window_bounds = array<i64: 2000, 1>}, {pipeline_mode = #tpu.pipeline_mode<synchronous>, transform_indices = @transform_4, window_bounds = array<i64: 128, 256>}, {pipeline_mode = #tpu.pipeline_mode<synchronous>, transform_indices = @transform_5, window_bounds = array<i64: 256, 64>}, {pipeline_mode = #tpu.pipeline_mode<synchronous>, transform_indices = @transform_6, window_bounds = array<i64: 1, 256>}, {pipeline_mode = #tpu.pipeline_mode<synchronous>, transform_indices = @transform_7, window_bounds = array<i64: 1, 64>}, {transform_indices = @transform_8, window_bounds = array<i64: 2000, 64>}]} {
    %get3A = arith.constant 0 : index
    %get3A_0 = arith.constant 0 : index
    %get3A_1 = vector.load %arg5[%get3A, %get3A_0] : memref<128x256xf32, #tpu.memory_space<vmem>>, vector<128x256xf32>
    %get3A_2 = arith.constant 0 : index
    %get3A_3 = arith.constant 0 : index
    %get3A_4 = vector.load %arg6[%get3A_2, %get3A_3] : memref<256x64xf32, #tpu.memory_space<vmem>>, vector<256x64xf32>
    %dot_general3A = arith.constant dense<0.000000e+00> : vector<128x64xf32>
    %dot_general3A_5 = tpu.matmul %get3A_1, %get3A_4, %dot_general3A {dimension_numbers = #tpu.dot_dimension_numbers<[1], [0], [0], [1], [0, 0, 1, 1], [], []>, transpose_lhs_hint = false} : vector<128x256xf32>, vector<256x64xf32>, vector<128x64xf32> -> vector<128x64xf32>
    %get3A_6 = arith.constant 0 : index
    %get3A_7 = arith.constant 0 : index
    %get3A_8 = vector.load %arg7[%get3A_6, %get3A_7] : memref<1x256xf32, #tpu.memory_space<vmem>>, vector<1x256xf32>
    %get3A_9 = arith.constant 0 : index
    %get3A_10 = arith.constant 0 : index
    %get3A_11 = vector.load %arg6[%get3A_9, %get3A_10] : memref<256x64xf32, #tpu.memory_space<vmem>>, vector<256x64xf32>
    %dot_general3A_12 = arith.constant dense<0.000000e+00> : vector<1x64xf32>
    %dot_general3A_13 = tpu.matmul %get3A_8, %get3A_11, %dot_general3A_12 {dimension_numbers = #tpu.dot_dimension_numbers<[1], [0], [0], [1], [0, 0, 1, 1], [], []>, transpose_lhs_hint = false} : vector<1x256xf32>, vector<256x64xf32>, vector<1x64xf32> -> vector<1x64xf32>
    %get3A_14 = arith.constant 0 : index
    %get3A_15 = arith.constant 0 : index
    %get3A_16 = vector.load %arg8[%get3A_14, %get3A_15] : memref<1x64xf32, #tpu.memory_space<vmem>>, vector<1x64xf32>
    %add3A = arith.addf %dot_general3A_13, %get3A_16 : vector<1x64xf32>
    %get3A_17 = arith.constant 0 : index
    %get3A_18 = arith.constant 0 : index
    %get3A_19 = vector.load %arg4[%get3A_17, %get3A_18] : memref<2000x1xf32, #tpu.memory_space<vmem>>, vector<2000x1xf32>
    %get3A_20 = arith.constant 0 : index
    %get3A_21 = arith.constant 0 : index
    %get3A_22 = arith.constant 0 : index
    %get3A_23 = vector.load %arg1[%get3A_20, %get3A_21, %get3A_22] : memref<1x2000x128xf32, #tpu.memory_space<vmem>>, vector<1x2000x128xf32>
    %get3A_24 = vector.shape_cast %get3A_23 : vector<1x2000x128xf32> to vector<2000x128xf32>
    %get3A_25 = arith.constant 0 : index
    %get3A_26 = arith.constant 0 : index
    %get3A_27 = arith.constant 0 : index
    %get3A_28 = vector.load %arg2[%get3A_25, %get3A_26, %get3A_27] : memref<1x2000x128xf32, #tpu.memory_space<vmem>>, vector<1x2000x128xf32>
    %get3A_29 = vector.shape_cast %get3A_28 : vector<1x2000x128xf32> to vector<2000x128xf32>
    %add3A_30 = arith.addf %get3A_24, %get3A_29 : vector<2000x128xf32>
    %get3A_31 = arith.constant 0 : index
    %get3A_32 = arith.constant 0 : index
    %get3A_33 = vector.load %arg3[%get3A_31, %get3A_32] : memref<2000x128xf32, #tpu.memory_space<vmem>>, vector<2000x128xf32>
    %add3A_34 = arith.addf %add3A_30, %get3A_33 : vector<2000x128xf32>
    %mul3A = vector.broadcast %get3A_19 : vector<2000x1xf32> to vector<2000x128xf32>
    %mul3A_35 = arith.mulf %mul3A, %add3A_34 : vector<2000x128xf32>
    %dot_general3A_36 = arith.constant dense<0.000000e+00> : vector<2000x64xf32>
    %dot_general3A_37 = tpu.matmul %mul3A_35, %dot_general3A_5, %dot_general3A_36 {dimension_numbers = #tpu.dot_dimension_numbers<[1], [0], [0], [1], [0, 0, 1, 1], [], []>, transpose_lhs_hint = false} : vector<2000x128xf32>, vector<128x64xf32>, vector<2000x64xf32> -> vector<2000x64xf32>
    %add3A_38 = vector.broadcast %add3A : vector<1x64xf32> to vector<2000x64xf32>
    %add3A_39 = arith.addf %dot_general3A_37, %add3A_38 : vector<2000x64xf32>
    %swap3A = arith.constant 0 : index
    %swap3A_40 = arith.constant 0 : index
    %swap3A_41 = vector.load %arg9[%swap3A, %swap3A_40] : memref<2000x64xf32, #tpu.memory_space<vmem>>, vector<2000x64xf32>
    tpu.vector_store %arg9[%swap3A, %swap3A_40], %add3A_39 {strides = array<i32>} : memref<2000x64xf32, #tpu.memory_space<vmem>>, vector<2000x64xf32>,
    return
  }
  func.func @transform_0(%arg0: i32) -> (i32, i32, i32) {
    %c0_i32 = arith.constant 0 : i32
    %c0_i32_0 = arith.constant 0 : i32
    %c0_i32_1 = arith.constant 0 : i32
    return %c0_i32, %arg0, %c0_i32_0 : i32, i32, i32
  }
  func.func @transform_1(%arg0: i32) -> (i32, i32, i32) {
    %c1_i32 = arith.constant 1 : i32
    %c0_i32 = arith.constant 0 : i32
    %c0_i32_0 = arith.constant 0 : i32
    return %c1_i32, %arg0, %c0_i32 : i32, i32, i32
  }
  func.func @transform_2(%arg0: i32) -> (i32, i32) {
    %c0_i32 = arith.constant 0 : i32
    %c0_i32_0 = arith.constant 0 : i32
    return %arg0, %c0_i32 : i32, i32
  }
  func.func @transform_3(%arg0: i32) -> (i32, i32) {
    %c0_i32 = arith.constant 0 : i32
    %c0_i32_0 = arith.constant 0 : i32
    return %arg0, %c0_i32 : i32, i32
  }
  func.func @transform_4(%arg0: i32) -> (i32, i32) {
    %c0_i32 = arith.constant 0 : i32
    %c0_i32_0 = arith.constant 0 : i32
    %c0_i32_1 = arith.constant 0 : i32
    return %c0_i32, %c0_i32_0 : i32, i32
  }
  func.func @transform_5(%arg0: i32) -> (i32, i32) {
    %c0_i32 = arith.constant 0 : i32
    %c0_i32_0 = arith.constant 0 : i32
    %c0_i32_1 = arith.constant 0 : i32
    return %c0_i32, %c0_i32_0 : i32, i32
  }
  func.func @transform_6(%arg0: i32) -> (i32, i32) {
    %c0_i32 = arith.constant 0 : i32
    %c0_i32_0 = arith.constant 0 : i32
    %c0_i32_1 = arith.constant 0 : i32
    return %c0_i32, %c0_i32_0 : i32, i32
  }
  func.func @transform_7(%arg0: i32) -> (i32, i32) {
    %c0_i32 = arith.constant 0 : i32
    %c0_i32_0 = arith.constant 0 : i32
    %c0_i32_1 = arith.constant 0 : i32
    return %c0_i32, %c0_i32_0 : i32, i32
  }
  func.func @transform_8(%arg0: i32) -> (i32, i32) {
    %c0_i32 = arith.constant 0 : i32
    %c0_i32_0 = arith.constant 0 : i32
    return %arg0, %c0_i32 : i32, i32
  }
}

</mosaic_0001>

<sc_bundles>
// kernel: kernel.10.cloned.1.call-start
scs
__scs_entry_jumppad:
0x0: {  	(pc) =	sbr.rel $0x88, $3  }
0x1: {  	(tag) =	ssettag $0x0;
	lr =	simm.s32 $0x1  }
0x2: {  	[smem:$0x3F97] =	sst lr;
	_ =	strace $0xD0000000  }
0x3: {  	_ = 	snop  }
0x4: {  	_ = 	snop  }
0x5: {  	_ = 	snop  }
0x6: {  	_ = 	snop  }
0x7: {  	_ = 	snop  }
__scs_overlays_trampoline_lowered:
0x8: {  	[smem:$0x3FA6] =	sst s0  }
0x9: {  	[smem:$0x3FA7] =	sst s1  }
0xa: {  	[smem:$0x3FA8] =	sst s2  }
0xb: {  	[smem:$0x3FA9] =	sst s3  }
0xc: {  	[smem:$0x3FAA] =	sst s4  }
0xd: {  	[smem:$0x3FAB] =	sst s5  }
0xe: {  	[smem:$0x3FAC] =	sst s6  }
0xf: {  	[smem:$0x3FAD] =	sst s7  }
0x10: {  	[smem:$0x3FAE] =	sst s8  }
0x11: {  	[smem:$0x3FAF] =	sst s9;
	s0 =	simm.s32 @!p0 $0x0  }
0x12: {  	s1 =	sld [smem:$0x3F95];
	s0 =	simm.s32 @p0 $0x1  }
0x13: {  	[smem:$0x3FB0] =	sst s0;
	s0 =	simm.s32 @!p1 $0x0  }
0x14: {  	s2 =	sld [smem:$0x3F94];
	s0 =	simm.s32 @p1 $0x1  }
0x15: {  	[smem:$0x3FB1] =	sst s0;
	s0 =	simm.s32 @!p2 $0x0  }
0x16: {  	s3 =	sld [smem:$0x3FDB];
	s0 =	simm.s32 @p2 $0x1  }
0x17: {  	s4 =	simm.s32 $0x1BF5;
	[smem:$0x3FB3] =	sst s0  }
0x18: {  	s0 =	sld [smem:$0x3F96];
	_ =	swait.ge [sflag:s4], $0x0  }
0x19: {  	s7 =	sld [smem:$0x3F97]  }
0x1a: {  	s8 =	sadd.s32 $0xFFFFE003, lr  }
0x1b: {  	s9 =	sadd.s32 $0xFFFFFEF7, lr;
	s5 =	simm.s32 $0xFFFFFFFF;
	p2 =	slt.u32 s8, $0xFFFFF086  }
0x1c: {  	p1 =	slt.u32 s9, $0xF7A;
	s5 =	simm.s32 @!p2 $0x0  }
0x1d: {  	s5 =	simm.s32 @p1 $0x1;
	p0 =	seq.s32 s7, s2  }
0x1e: {  	s7 =	smul.u32 @!p0 $0xF7A, s2;
	p2 =	seq.s32 @!p0 s5, $0x0  }
0x1f: {  	s9 =	smul.u32 $0xF7A, s1;
	s8 =	simm.s32 @!p0 $0x1BF5;
	p2 =	por !p2, p0  }
0x20: {  	[sflag:s8] =	ssyncset.s32 @!p0 $0xFFFFF086;
	s6 =	sadd.s32 @!p0 s3, s7;
	s7 =	simm.s32 @!p0 $0x108  }
0x21: {  	s3 =	sadd.s32 s3, s9;
	s6 =	sadd.s32 @!p0 $0x88, s6;
	s7 =	simm.s32 @p2 $0x1082  }
0x22: {  	[simem:s7], [sflag:s8] =	dma.local @!p0 [hbm:s6], $0xF7A  }
0x23: {  	s9 =	sor.u32 $0xD0000000, s2;
	s6 =	simm.s32 $0x108;
	_ =	swait.ge @!p0 [sflag:s8], $0x0  }
0x24: {  	s3 =	sadd.s32 $0x88, s3;
	s6 =	simm.s32 @!p1 $0x1082;
	[sflag:s4] =	ssyncset.s32 $0xFFFFF086  }
0x25: {  	[simem:s6], [sflag:s4] =	dma.local [hbm:s3], $0xF7A  }
0x26: {  	[smem:$0x3F97] =	sst s1;
	(tag) =	ssettag s2;
	_ =	strace s9  }
0x27: {  	s1 =	sld [smem:$0x3FA7]  }
0x28: {  	s2 =	sld [smem:$0x3FA8]  }
0x29: {  	s4 =	sld [smem:$0x3FAA]  }
0x2a: {  	p0 =	seq.s32 s5, $0x0;
	s5 =	sld [smem:$0x3FAB]  }
0x2b: {  	s6 =	sld [smem:$0x3FAC]  }
0x2c: {  	s7 =	sld [smem:$0x3FAD]  }
0x2d: {  	s3 =	simm.s32 $0x108;
	s8 =	sld [smem:$0x3FAE]  }
0x2e: {  	s3 =	simm.s32 @!p0 $0x1082;
	s9 =	sld [smem:$0x3FAF]  }
0x2f: {  	lr =	sadd.s32 s0, s3;
	s0 =	sld [smem:$0x3FA6]  }
0x30: {  	s3 =	sld [smem:$0x3FA9]  }
0x31: {  	[smem:$0x3FB2] =	sst s10  }
0x32: {  	s10 =	sld [smem:$0x3FB0];
	_ =	sdelay $0x3  }
0x33: {  	p0 =	seq.s32 s10, $0x1;
	s10 =	sld [smem:$0x3FB2];
	_ =	sdelay $0x3  }
0x34: {  	[smem:$0x3FB2] =	sst s10  }
0x35: {  	s10 =	sld [smem:$0x3FB1];
	_ =	sdelay $0x3  }
0x36: {  	p1 =	seq.s32 s10, $0x1;
	s10 =	sld [smem:$0x3FB2];
	_ =	sdelay $0x3  }
0x37: {  	[smem:$0x3FB2] =	sst s10  }
0x38: {  	s10 =	sld [smem:$0x3FB3]  }
0x39: {  	_ = 	snop;
	(pc) =	sbr.ind lr, $3  }
0x3a: {  	_ = 	snop  }
0x3b: {  	_ = 	snop  }
0x3c: {  	p2 =	seq.s32 s10, $0x1;
	s10 =	sld [smem:$0x3FB2]  }
0x3d: {  	_ =	shalt  }
0x3e: {  	_ =	shalt  }
0x3f: {  	_ =	shalt  }
0x40: {  	_ =	shalt  }
0x41: {  	_ =	shalt  }
0x42: {  	_ =	shalt  }
0x43: {  	_ =	shalt  }
0x44: {  	_ =	shalt  }
0x45: {  	_ =	shalt  }
0x46: {  	_ =	shalt  }
0x47: {  	_ =	shalt  }
0x48: {  	_ =	shalt  }
0x49: {  	_ =	shalt  }
0x4a: {  	_ =	shalt  }
0x4b: {  	_ =	shalt  }
0x4c: {  	_ =	shalt  }
0x4d: {  	_ =	shalt  }
0x4e: {  	_ =	shalt  }
0x4f: {  	_ =	shalt  }
0x50: {  	_ =	shalt  }
0x51: {  	_ =	shalt  }
0x52: {  	_ =	shalt  }
0x53: {  	_ =	shalt  }
0x54: {  	_ =	shalt  }
0x55: {  	_ =	shalt  }
0x56: {  	_ =	shalt  }
0x57: {  	_ =	shalt  }
0x58: {  	_ =	shalt  }
0x59: {  	_ =	shalt  }
0x5a: {  	_ =	shalt  }
0x5b: {  	_ =	shalt  }
0x5c: {  	_ =	shalt  }
0x5d: {  	_ =	shalt  }
0x5e: {  	_ =	shalt  }
0x5f: {  	_ =	shalt  }
0x60: {  	_ =	shalt  }
0x61: {  	_ =	shalt  }
0x62: {  	_ =	shalt  }
0x63: {  	_ =	shalt  }
0x64: {  	_ =	shalt  }
0x65: {  	_ =	shalt  }
0x66: {  	_ =	shalt  }
0x67: {  	_ =	shalt  }
0x68: {  	_ =	shalt  }
0x69: {  	_ =	shalt  }
0x6a: {  	_ =	shalt  }
0x6b: {  	_ =	shalt  }
0x6c: {  	_ =	shalt  }
0x6d: {  	_ =	shalt  }
0x6e: {  	_ =	shalt  }
0x6f: {  	_ =	shalt  }
0x70: {  	_ =	shalt  }
0x71: {  	_ =	shalt  }
0x72: {  	_ =	shalt  }
0x73: {  	_ =	shalt  }
0x74: {  	_ =	shalt  }
0x75: {  	_ =	shalt  }
0x76: {  	_ =	shalt  }
0x77: {  	_ =	shalt  }
0x78: {  	_ =	shalt  }
0x79: {  	_ =	shalt  }
0x7a: {  	_ =	shalt  }
0x7b: {  	_ =	shalt  }
0x7c: {  	_ =	shalt  }
0x7d: {  	_ =	shalt  }
0x7e: {  	_ =	shalt  }
0x7f: {  	_ =	shalt  }
0x80: {  	_ =	shalt  }
0x81: {  	_ =	shalt  }
0x82: {  	_ =	shalt  }
0x83: {  	_ =	shalt  }
0x84: {  	_ =	shalt  }
0x85: {  	_ =	shalt  }
0x86: {  	_ =	shalt  }
0x87: {  	_ =	shalt  }
.Lfunc_end0:
.L_simem_size_0:
called_computation_lowered:
.L_overlay_start_0:
0x88: {  	s2 =	sld [smem:$0x3FD9]  }
0x89: {  	s3 =	sld [smem:$0x3FFE];
	_ =	sdelay $0x1  }
0x8a: {  	s1 =	srdreg.scid  }
0x8b: {  	s0 =	sand.u32 $0x1, s1  }
0x8c: {  	s17 =	sshll.u32 s0, $0xA;
	s2 =	sadd.s32 s3, s2  }
0x8d: {  	s2 =	sadd.s32 s2, s17  }
0x8e: {  	[smem:$0x3FBE] =	sst s2  }
0x8f: {  	_ = 	snop  }
0x90: {  	s2 =	sld [smem:$0x3FD0];
	(tm) =	ssettm $0x1  }
0x91: {  	s18 =	sld [smem:$0x3FFB];
	_ =	sdelay $0x3  }
0x92: {  	_ =	strace s18  }
0x93: {  	s3 =	sld [smem:$0x3FFC];
	_ =	sdelay $0x3  }
0x94: {  	_ =	strace s3  }
0x95: {  	s3 =	sld [smem:$0x3FFD];
	_ =	sdelay $0x3  }
0x96: {  	_ =	strace s3  }
0x97: {  	_ =	strace $0x8FFFFFFF  }
0x98: {  	s19 =	sld [smem:$0x3FDB];
	_ =	sdelay $0x1  }
0x99: {  	s4 =	simm.s32 $_scs_section_size  }
0x9a: {  	s5 =	simm.s32 $_size__tile_overlayer_lowered;
	s6 =	simm.s32 $_tile_overlayer_lowered  }
0x9b: {  	s22 =	simm.s32 $0x1BFF;
	s21 =	sshll.u32 s6, $0x1;
	s3 =	sadd.s32 s4, s19  }
0x9c: {  	s7 =	simm.s32 $0x0;
	s20 =	sshll.u32 s5, $0x1;
	s5 =	sadd.s32 s21, s3  }
0x9d: {  	[timem:s7], [sflag:s22] =	dma.local [hbm:s5], s20  }
0x9e: {  	_ =	swait.ge [sflag:s22], s20  }
0x9f: {  	s4 =	ssub.s32 $0x0, s20;
	[sflag:s22] =	ssyncset.done $0x0  }
0xa0: {  	[sflag:s22] =	ssyncadd.s32 s4;
	_ =	sdelay $0x1  }
0xa1: {  	s23 =	simm.s32 $0x1B8B  }
0xa2: {  	_ =	swait.ge [sflag:s23], $0x1  }
0xa3: {  	[sflag:s23] =	ssyncset.done $0x0  }
0xa4: {  	s25 =	simm.s32 $0x1B8E;
	s24 =	sld [smem:$0x3FFE];
	[sflag:s23] =	ssyncadd.s32 $0xFFFFFFFF  }
0xa5: {  	s26 =	simm.s32 $execute0_lowered;
	[smem:$0x3FD2] =	sst s25  }
0xa6: {  	s5 =	sshll.u32 s26, $0x1;
	_ =	strace $0x80000046;
	[dreg:$0x1] =	wrdreg $0xFFFFFFFF  }
0xa7: {  	s28 =	simm.s32 $_size_execute0_lowered;
	s3 =	sadd.s32 s3, s5;
	[dreg:$0x0] =	wrdreg $0x0  }
0xa8: {  	s5 =	sshll.u32 s28, $0x1;
	[dreg:$0x2] =	wrdreg s3  }
0xa9: {  	[dreg:$0x3] =	wrdreg s5  }
0xaa: {  	[dreg:$0x4] =	wrdreg $0xC0  }
0xab: {  	_ =	task [dreg:s7], $0x5FFFF  }
0xac: {  	[dreg:$0x1] =	wrdreg $0xFFFFFFFF  }
0xad: {  	[dreg:$0x0] =	wrdreg $0x60  }
0xae: {  	[dreg:$0x2] =	wrdreg s2  }
0xaf: {  	[dreg:$0x3] =	wrdreg s24  }
0xb0: {  	[dreg:$0x4] =	wrdreg $0x80000  }
0xb1: {  	[dreg:$0x5] =	wrdreg $0x9  }
0xb2: {  	_ =	task.clear_ibuf [dreg:s7], $0x6FFFF;
	_ =	strace $0x90000046  }
0xb3: {  	s29 =	simm.s32 $0x9;
	_ =	strace $0x80000048  }
0xb4: {  	_ =	swait.ge [sflag:s29], $0x1  }
0xb5: {  	[sflag:s29] =	ssyncadd.s32 $0xFFFFFFFF  }
0xb6: {  	_ =	strace $0x90000048  }
0xb7: {  	_ =	sfence  }
0xb8: {  	s30 =	sld [smem:$0x0];
	_ =	sdelay $0x2  }
0xb9: {  	s31 =	sshll.u32 s1, $0xD;
	s1 =	sshrl.u32 s1, $0x2  }
0xba: {  	s3 =	sand.u32 $0x4000, s31;
	s1 =	sadd.s32 s1, s30  }
0xbb: {  	s0 =	sor.u32 s3, s0;
	s1 =	sshll.u32 s1, $0x11  }
0xbc: {  	s0 =	sor.u32 s1, s0  }
0xbd: {  	s0 =	sadd.s32 $0x8F2B, s0  }
0xbe: {  	[sflag:s0] =	ssyncadd.remote.s32 $0x1  }
0xbf: {  	_ =	sfence.sel $0xFFFF  }
0xc0: {  	[dreg:$0x0] =	wrdreg $0xFFFFFFFF;
	(pc) =	sbr.abs _section_cstart, $3  }
0xc1: {  	[dreg:$0x1] =	wrdreg $0xFFFFFFFF  }
0xc2: {  	_ =	task.clear_ibuf [dreg:s7], $0x2FFFF;
	_ =	strace $0x9FFFFFFF  }
0xc3: {  	(tm) =	ssettm $0x7FFFFFFF  }
tec
execute0_lowered:
.L_overlay_start_1:
0x0: {  	(tag) =	ssettag $0x1  }
0x1: {  	s4 =	rddreg [dreg:$0x0];
	s1 =	srdreg.scid  }
0x2: {  	s0 =	stileid.u32;
	s5 =	rddreg [dreg:$0x1]  }
0x3: {  	s2 =	rddreg [dreg:$0x2];
	s22 =	simm.s32 $0x1;
	s23 =	simm.s32 $0x6800  }
0x4: {  	s24 =	simm.s32 $0x7D;
	s6 =	sand.u32 $0x1, s1;
	s25 =	sshll.u32 s0, $0x1  }
0x5: {  	s1 =	rddreg [dreg:$0x3];
	s10 =	smul.u32 $0x13800, s0;
	s11 =	sadd.s32 $0x3400, s5  }
0x6: {  	s28 =	smul.u32 $0x4E000, s0;
	s5 =	sadd.s32 $0x138000, s2;
	p0 =	sne.s32 s0, $0xF  }
0x7: {  	s3 =	sor.u32 s6, s25;
	s8 =	ssub.s32 $0x2, s6;
	s6 =	smul.u32 $0x138800, s6  }
0x8: {  	s25 =	simm.s32 $0x2800;
	s7 =	smul.u32 $0x500, s3;
	s3 =	simm.s32 $0x0  }
0x9: {  	s9 =	sshrl.u32 s8, $0x1;
	s30 =	sshrl.u32 s28, $0x2;
	[smem:$0x7FF] =	sst s3  }
0xa: {  	s9 =	ssub.s32 s8, s9;
	s26 =	sadd.s32 s10, s6;
	s29 =	sshrl.u32 s6, $0x3  }
0xb: {  	_ =	strace $0x80000047;
	s4 =	sadd.s32 s4, s7;
	s7 =	sshrl.u32 s26, $0x3  }
0xc: {  	s31 =	sadd.s32 s11, s29;
	s9 =	smax.u32 s9, $0x1;
	s26 =	simm.s32 $0x0  }
0xd: {  	s6 =	sadd.s32 s11, s7;
	s7 =	sadd.s32 s30, s2;
	s8 =	sadd.s32 $0x27000, s31  }
0xe: {  	s10 =	sadd.s32 $0x1800, s7;
	s11 =	sadd.s32 $0x3000, s7;
	s12 =	sadd.s32 $0x4800, s7  }
0xf: {  	s13 =	sadd.s32 $0x6000, s7;
	s14 =	sadd.s32 $0x7800, s7;
	s15 =	sadd.s32 $0x9000, s7  }
0x10: {  	s16 =	sadd.s32 $0xA800, s7;
	s17 =	sadd.s32 $0xC000, s7;
	s18 =	sadd.s32 $0xD800, s7  }
0x11: {  	v0 =	vimm.f32 $1.000000000e+00;
	v1 =	vimm.f32 $0.0e+00;
	s19 =	sadd.s32 $0xF000, s7;
	s20 =	sadd.s32 $0x10800, s7;
	s21 =	sadd.s32 $0x12000, s7  }
.LBB2_1:
0x12: {  	[tilespmem:s3], [sflag:$0x1] =	stream.linear.gather [hbm4b:s4+s3], $0x2800, $0x38;
	[tilespmem:$0xA710] =	vst v63  }
0x13: {  	_ =	swait.ge [sflag:s22], $0x2800  }
0x14: {  	[sflag:s22] =	ssyncset.done $0x0  }
0x15: {  	s28 =	simm.s32 $0x200;
	s29 =	simm.s32 $0x0;
	[sflag:s22] =	ssyncadd.s32 $0xFFFFD800  }
.LBB2_2:
0x16: {  	p1 =	sne.s32 s28, $0xF800;
	[tilespmem:s29+$0x2800] =	vst v0;
	s29 =	smov.u32 s28;
	s28 =	sadd.s32 $0x200, s28  }
.Ltmp0:
0x17: {  	(pc) =	sbr.rel @p1 .LBB2_2-.Ltmp0, $2  }
0x18: {  	_ =	sdelay $0x2  }
0x19: {  	s29 =	sshra.s32 s29, $0x2  }
0x1a: {  	[tilespmem:s29+$0x2800] =	vst v0  }
0x1b: {  	[tilespmem:$0x6800] =	vst v1  }
0x1c: {  	[tilespmem:$0x6880] =	vst v1  }
0x1d: {  	[tilespmem:$0x6900] =	vst v1  }
0x1e: {  	[tilespmem:$0x6980] =	vst v1  }
0x1f: {  	[tilespmem:$0x6A00] =	vst v1  }
0x20: {  	[tilespmem:$0x6A80] =	vst v1  }
0x21: {  	[tilespmem:$0x6B00] =	vst v1  }
0x22: {  	[tilespmem:$0x6B80] =	vst v1  }
0x23: {  	[tilespmem:$0x6C00] =	vst v1  }
0x24: {  	[tilespmem:$0x6C80] =	vst v1  }
0x25: {  	[tilespmem:$0x6D00] =	vst v1  }
0x26: {  	[tilespmem:$0x6D80] =	vst v1  }
0x27: {  	[tilespmem:$0x6E00] =	vst v1  }
0x28: {  	[tilespmem:$0x6E80] =	vst v1  }
0x29: {  	[tilespmem:$0x6F00] =	vst v1  }
0x2a: {  	[tilespmem:$0x6F80] =	vst v1  }
0x2b: {  	[tilespmem:$0x7000] =	vst v1  }
0x2c: {  	[tilespmem:$0x7080] =	vst v1  }
0x2d: {  	[tilespmem:$0x7100] =	vst v1  }
0x2e: {  	[tilespmem:$0x7180] =	vst v1  }
0x2f: {  	[tilespmem:$0x7200] =	vst v1  }
0x30: {  	[tilespmem:$0x7280] =	vst v1  }
0x31: {  	[tilespmem:$0x7300] =	vst v1  }
0x32: {  	[tilespmem:$0x7380] =	vst v1  }
0x33: {  	[tilespmem:$0x7400] =	vst v1  }
0x34: {  	[tilespmem:$0x7480] =	vst v1  }
0x35: {  	[tilespmem:$0x7500] =	vst v1  }
0x36: {  	[tilespmem:$0x7580] =	vst v1  }
0x37: {  	[tilespmem:$0x7600] =	vst v1  }
0x38: {  	[tilespmem:$0x7680] =	vst v1  }
0x39: {  	[tilespmem:$0x7700] =	vst v1  }
0x3a: {  	[tilespmem:$0x7780] =	vst v1  }
0x3b: {  	[tilespmem:$0x7800] =	vst v1  }
0x3c: {  	[tilespmem:$0x7880] =	vst v1  }
0x3d: {  	[tilespmem:$0x7900] =	vst v1  }
0x3e: {  	[tilespmem:$0x7980] =	vst v1  }
0x3f: {  	[tilespmem:$0x7A00] =	vst v1  }
0x40: {  	[tilespmem:$0x7A80] =	vst v1  }
0x41: {  	[tilespmem:$0x7B00] =	vst v1  }
0x42: {  	[tilespmem:$0x7B80] =	vst v1  }
0x43: {  	[tilespmem:$0x7C00] =	vst v1  }
0x44: {  	[tilespmem:$0x7C80] =	vst v1  }
0x45: {  	[tilespmem:$0x7D00] =	vst v1  }
0x46: {  	[tilespmem:$0x7D80] =	vst v1  }
0x47: {  	[tilespmem:$0x7E00] =	vst v1  }
0x48: {  	[tilespmem:$0x7E80] =	vst v1  }
0x49: {  	[tilespmem:$0x7F00] =	vst v1  }
0x4a: {  	[tilespmem:$0x7F80] =	vst v1  }
0x4b: {  	[spmem:s7] =	stream.linear.scatter [tilespmem:s23], [sflag:$0x1], $0x1800, $0x38;
	[tilespmem:$0xA710] =	vst v63  }
0x4c: {  	_ =	swait.ge [sflag:s22], $0x1800  }
0x4d: {  	[sflag:s22] =	ssyncset.done $0x0  }
0x4e: {  	[sflag:s22] =	ssyncadd.s32 $0xFFFFE800  }
0x4f: {  	[spmem:s10] =	stream.linear.scatter [tilespmem:s23], [sflag:$0x1], $0x1800, $0x38;
	[tilespmem:$0xA710] =	vst v63  }
0x50: {  	_ =	swait.ge [sflag:s22], $0x1800  }
0x51: {  	[sflag:s22] =	ssyncset.done $0x0  }
0x52: {  	[sflag:s22] =	ssyncadd.s32 $0xFFFFE800  }
0x53: {  	[spmem:s11] =	stream.linear.scatter [tilespmem:s23], [sflag:$0x1], $0x1800, $0x38;
	[tilespmem:$0xA710] =	vst v63  }
0x54: {  	_ =	swait.ge [sflag:s22], $0x1800  }
0x55: {  	[sflag:s22] =	ssyncset.done $0x0  }
0x56: {  	[sflag:s22] =	ssyncadd.s32 $0xFFFFE800  }
0x57: {  	[spmem:s12] =	stream.linear.scatter [tilespmem:s23], [sflag:$0x1], $0x1800, $0x38;
	[tilespmem:$0xA710] =	vst v63  }
0x58: {  	_ =	swait.ge [sflag:s22], $0x1800  }
0x59: {  	[sflag:s22] =	ssyncset.done $0x0  }
0x5a: {  	[sflag:s22] =	ssyncadd.s32 $0xFFFFE800  }
0x5b: {  	[spmem:s13] =	stream.linear.scatter [tilespmem:s23], [sflag:$0x1], $0x1800, $0x38;
	[tilespmem:$0xA710] =	vst v63  }
0x5c: {  	_ =	swait.ge [sflag:s22], $0x1800  }
0x5d: {  	[sflag:s22] =	ssyncset.done $0x0  }
0x5e: {  	[sflag:s22] =	ssyncadd.s32 $0xFFFFE800  }
0x5f: {  	[spmem:s14] =	stream.linear.scatter [tilespmem:s23], [sflag:$0x1], $0x1800, $0x38;
	[tilespmem:$0xA710] =	vst v63  }
0x60: {  	_ =	swait.ge [sflag:s22], $0x1800  }
0x61: {  	[sflag:s22] =	ssyncset.done $0x0  }
0x62: {  	[sflag:s22] =	ssyncadd.s32 $0xFFFFE800  }
0x63: {  	[spmem:s15] =	stream.linear.scatter [tilespmem:s23], [sflag:$0x1], $0x1800, $0x38;
	[tilespmem:$0xA710] =	vst v63  }
0x64: {  	_ =	swait.ge [sflag:s22], $0x1800  }
0x65: {  	[sflag:s22] =	ssyncset.done $0x0  }
0x66: {  	[sflag:s22] =	ssyncadd.s32 $0xFFFFE800  }
0x67: {  	[spmem:s16] =	stream.linear.scatter [tilespmem:s23], [sflag:$0x1], $0x1800, $0x38;
	[tilespmem:$0xA710] =	vst v63  }
0x68: {  	_ =	swait.ge [sflag:s22], $0x1800  }
0x69: {  	[sflag:s22] =	ssyncset.done $0x0  }
0x6a: {  	[sflag:s22] =	ssyncadd.s32 $0xFFFFE800  }
0x6b: {  	[spmem:s17] =	stream.linear.scatter [tilespmem:s23], [sflag:$0x1], $0x1800, $0x38;
	[tilespmem:$0xA710] =	vst v63  }
0x6c: {  	_ =	swait.ge [sflag:s22], $0x1800  }
0x6d: {  	[sflag:s22] =	ssyncset.done $0x0  }
0x6e: {  	[sflag:s22] =	ssyncadd.s32 $0xFFFFE800  }
0x6f: {  	[spmem:s18] =	stream.linear.scatter [tilespmem:s23], [sflag:$0x1], $0x1800, $0x38;
	[tilespmem:$0xA710] =	vst v63  }
0x70: {  	_ =	swait.ge [sflag:s22], $0x1800  }
0x71: {  	[sflag:s22] =	ssyncset.done $0x0  }
0x72: {  	[sflag:s22] =	ssyncadd.s32 $0xFFFFE800  }
0x73: {  	[spmem:s19] =	stream.linear.scatter [tilespmem:s23], [sflag:$0x1], $0x1800, $0x38;
	[tilespmem:$0xA710] =	vst v63  }
0x74: {  	_ =	swait.ge [sflag:s22], $0x1800  }
0x75: {  	[sflag:s22] =	ssyncset.done $0x0  }
0x76: {  	[sflag:s22] =	ssyncadd.s32 $0xFFFFE800  }
0x77: {  	[spmem:s20] =	stream.linear.scatter [tilespmem:s23], [sflag:$0x1], $0x1800, $0x38;
	[tilespmem:$0xA710] =	vst v63  }
0x78: {  	_ =	swait.ge [sflag:s22], $0x1800  }
0x79: {  	[sflag:s22] =	ssyncset.done $0x0  }
0x7a: {  	[sflag:s22] =	ssyncadd.s32 $0xFFFFE800  }
0x7b: {  	[spmem:s21] =	stream.linear.scatter [tilespmem:s23], [sflag:$0x1], $0x1800, $0x38;
	[tilespmem:$0xA710] =	vst v63  }
0x7c: {  	_ =	swait.ge [sflag:s22], $0x1800  }
0x7d: {  	[sflag:s22] =	ssyncset.done $0x0  }
0x7e: {  	s28 =	simm.s32 @!p0 $0x6800;
	[sflag:s22] =	ssyncadd.s32 $0xFFFFE800  }
0x7f: {  	[spmem:s5] =	stream.linear.scatter @!p0 [tilespmem:s28], [sflag:$0x1], $0x800, $0x38;
	[tilespmem:$0xA710] =	vst v63  }
0x80: {  	s28 =	simm.s32 @!p0 $0x1  }
0x81: {  	_ =	swait.ge @!p0 [sflag:s28], $0x800  }
0x82: {  	[sflag:s28] =	ssyncset.done @!p0 $0x0  }
0x83: {  	[sflag:s28] =	ssyncadd.s32 @!p0 $0xFFFFF800  }
0x84: {  	s28 =	simm.s32 $0x0;
	[bflag:$0x0] =	sbarrier.arrive $0xFFFF  }
0x85: {  	[spmem:s2] =	stream.indirect.scatter.add.f32 [tilespmem:s25], [sflag:$0x1], $0x10, s28, s24, $0xb8;
	[tilespmem:$0xA710] =	vst v63  }
0x86: {  	_ =	swait.ge [sflag:s22], $0x7D0  }
0x87: {  	s28 =	simm.s32 $0x200;
	[sflag:s22] =	ssyncset.done $0x0  }
.LBB2_4:
0x88: {  	s29 =	sshra.s32 s28, $0x2;
	[sflag:s22] =	ssyncadd.s32 $0xFFFFF830;
	p1 =	sne.s32 s28, $0x9E00  }
0x89: {  	[spmem:s2] =	stream.indirect.scatter.add.f32 [tilespmem:s25], [sflag:$0x1], $0x10, s29, s24, $0xb8;
	[tilespmem:$0xA710] =	vst v63  }
.Ltmp1:
0x8a: {  	_ = 	snop;
	(pc) =	sbr.rel @p1 .LBB2_4-.Ltmp1, $4  }
0x8b: {  	_ = 	snop  }
0x8c: {  	s28 =	sadd.s32 $0x200, s28  }
0x8d: {  	_ =	swait.ge [sflag:s22], $0x7D0  }
0x8e: {  	[sflag:s22] =	ssyncset.done $0x0  }
0x8f: {  	[sflag:s22] =	ssyncadd.s32 $0xFFFFF830;
	s28 =	sshll.u32 s0, $0x6  }
0x90: {  	s29 =	sshrl.u32 s7, $0x3;
	[bflag:$0x0] =	sbarrier.arrive $0xFFFF;
	s28 =	sor.u32 $0x1C01, s28  }
0x91: {  	[hbm:s6], [sflag:s28] =	dma.local [spmem:s29], $0x2700  }
0x92: {  	_ =	swait.ge [sflag:s22], $0x2700  }
0x93: {  	s26 =	sadd.s32 $0x1, s26;
	[sflag:s22] =	ssyncset.done $0x0  }
0x94: {  	p1 =	sne.s32 s26, s9;
	s29 =	sshrl.u32 @!p0 s5, $0x3;
	[sflag:s22] =	ssyncadd.s32 $0xFFFFD900  }
0x95: {  	[hbm:s8], [sflag:s28] =	dma.local @!p0 [spmem:s29], $0x100  }
.Ltmp2:
0x96: {  	_ = 	snop;
	(pc) =	sbr.rel @p1 .LBB2_1-.Ltmp2, $4  }
0x97: {  	s28 =	simm.s32 @!p0 $0x1  }
0x98: {  	_ =	swait.ge @!p0 [sflag:s28], $0x100  }
0x99: {  	[sflag:s28] =	ssyncset.done @!p0 $0x0  }
0x9a: {  	[sflag:s28] =	ssyncadd.s32 @!p0 $0xFFFFFF00  }
0x9b: {  	_ =	sfence.sel $0x180000  }
0x9c: {  	[bflag:$0x0] =	sbarrier.arrive $0xFFFF  }
0x9d: {  	p0 =	sne.s32 s0, $0x0;
	_ =	strace $0x90000047  }
0x9e: {  	s0 =	sadd.s32 @!p0 $0x100000, s1;
	[bflag:$0x2] =	sbarrier.arrive $0xFFFF  }
0x9f: {  	[sflag:s0] =	ssyncadd.tile.s32 @!p0 $0x1;
	_ =	shalt  }
.Lfunc_end2:
_tile_overlayer_lowered:
.L_overlay_start_2:
0xa0: {  	(tag) =	ssettag $0x2  }
0xa1: {  	s0 =	rddreg [dreg:$0x0];
	s2 =	stileid.u32  }
0xa2: {  	s1 =	rddreg [dreg:$0x1];
	p0 =	sne.s32 s2, $0x0  }
0xa3: {  	s3 =	rddreg [dreg:$0x2];
	[bflag:$0x3] =	sbarrier.arrive $0xFFFF;
	s2 =	simm.s32 @!p0 $0x1C01  }
0xa4: {  	[timem:s3], [sflag:s2] =	dma.local @!p0 [hbm:s0], s1  }
0xa5: {  	s0 =	simm.s32 @!p0 $0x1  }
0xa6: {  	_ =	swait.ge @!p0 [sflag:s0], s1  }
0xa7: {  	s1 =	ssub.s32 @!p0 $0x0, s1;
	[sflag:s0] =	ssyncset.done @!p0 $0x0  }
0xa8: {  	[sflag:s0] =	ssyncadd.s32 @!p0 s1  }
0xa9: {  	[bflag:$0x3] =	sbarrier.arrive $0xFFFF  }
0xaa: {  	_ =	shalt  }

// kernel: kernel.13.cloned.1.call-start
scs
__scs_entry_jumppad:
0x0: {  	(pc) =	sbr.rel $0x88, $3  }
0x1: {  	(tag) =	ssettag $0x0;
	lr =	simm.s32 $0x1  }
0x2: {  	[smem:$0x3F97] =	sst lr;
	_ =	strace $0xD0000000  }
0x3: {  	_ = 	snop  }
0x4: {  	_ = 	snop  }
0x5: {  	_ = 	snop  }
0x6: {  	_ = 	snop  }
0x7: {  	_ = 	snop  }
__scs_overlays_trampoline_lowered:
0x8: {  	[smem:$0x3FA6] =	sst s0  }
0x9: {  	[smem:$0x3FA7] =	sst s1  }
0xa: {  	[smem:$0x3FA8] =	sst s2  }
0xb: {  	[smem:$0x3FA9] =	sst s3  }
0xc: {  	[smem:$0x3FAA] =	sst s4  }
0xd: {  	[smem:$0x3FAB] =	sst s5  }
0xe: {  	[smem:$0x3FAC] =	sst s6  }
0xf: {  	[smem:$0x3FAD] =	sst s7  }
0x10: {  	[smem:$0x3FAE] =	sst s8  }
0x11: {  	[smem:$0x3FAF] =	sst s9;
	s0 =	simm.s32 @!p0 $0x0  }
0x12: {  	s1 =	sld [smem:$0x3F95];
	s0 =	simm.s32 @p0 $0x1  }
0x13: {  	[smem:$0x3FB0] =	sst s0;
	s0 =	simm.s32 @!p1 $0x0  }
0x14: {  	s2 =	sld [smem:$0x3F94];
	s0 =	simm.s32 @p1 $0x1  }
0x15: {  	[smem:$0x3FB1] =	sst s0;
	s0 =	simm.s32 @!p2 $0x0  }
0x16: {  	s3 =	sld [smem:$0x3FDB];
	s0 =	simm.s32 @p2 $0x1  }
0x17: {  	s4 =	simm.s32 $0x1BF5;
	[smem:$0x3FB3] =	sst s0  }
0x18: {  	s0 =	sld [smem:$0x3F96];
	_ =	swait.ge [sflag:s4], $0x0  }
0x19: {  	s7 =	sld [smem:$0x3F97]  }
0x1a: {  	s8 =	sadd.s32 $0xFFFFE003, lr  }
0x1b: {  	s9 =	sadd.s32 $0xFFFFFEF7, lr;
	s5 =	simm.s32 $0xFFFFFFFF;
	p2 =	slt.u32 s8, $0xFFFFF086  }
0x1c: {  	p1 =	slt.u32 s9, $0xF7A;
	s5 =	simm.s32 @!p2 $0x0  }
0x1d: {  	s5 =	simm.s32 @p1 $0x1;
	p0 =	seq.s32 s7, s2  }
0x1e: {  	s7 =	smul.u32 @!p0 $0xF7A, s2;
	p2 =	seq.s32 @!p0 s5, $0x0  }
0x1f: {  	s9 =	smul.u32 $0xF7A, s1;
	s8 =	simm.s32 @!p0 $0x1BF5;
	p2 =	por !p2, p0  }
0x20: {  	[sflag:s8] =	ssyncset.s32 @!p0 $0xFFFFF086;
	s6 =	sadd.s32 @!p0 s3, s7;
	s7 =	simm.s32 @!p0 $0x108  }
0x21: {  	s3 =	sadd.s32 s3, s9;
	s6 =	sadd.s32 @!p0 $0x88, s6;
	s7 =	simm.s32 @p2 $0x1082  }
0x22: {  	[simem:s7], [sflag:s8] =	dma.local @!p0 [hbm:s6], $0xF7A  }
0x23: {  	s9 =	sor.u32 $0xD0000000, s2;
	s6 =	simm.s32 $0x108;
	_ =	swait.ge @!p0 [sflag:s8], $0x0  }
0x24: {  	s3 =	sadd.s32 $0x88, s3;
	s6 =	simm.s32 @!p1 $0x1082;
	[sflag:s4] =	ssyncset.s32 $0xFFFFF086  }
0x25: {  	[simem:s6], [sflag:s4] =	dma.local [hbm:s3], $0xF7A  }
0x26: {  	[smem:$0x3F97] =	sst s1;
	(tag) =	ssettag s2;
	_ =	strace s9  }
0x27: {  	s1 =	sld [smem:$0x3FA7]  }
0x28: {  	s2 =	sld [smem:$0x3FA8]  }
0x29: {  	s4 =	sld [smem:$0x3FAA]  }
0x2a: {  	p0 =	seq.s32 s5, $0x0;
	s5 =	sld [smem:$0x3FAB]  }
0x2b: {  	s6 =	sld [smem:$0x3FAC]  }
0x2c: {  	s7 =	sld [smem:$0x3FAD]  }
0x2d: {  	s3 =	simm.s32 $0x108;
	s8 =	sld [smem:$0x3FAE]  }
0x2e: {  	s3 =	simm.s32 @!p0 $0x1082;
	s9 =	sld [smem:$0x3FAF]  }
0x2f: {  	lr =	sadd.s32 s0, s3;
	s0 =	sld [smem:$0x3FA6]  }
0x30: {  	s3 =	sld [smem:$0x3FA9]  }
0x31: {  	[smem:$0x3FB2] =	sst s10  }
0x32: {  	s10 =	sld [smem:$0x3FB0];
	_ =	sdelay $0x3  }
0x33: {  	p0 =	seq.s32 s10, $0x1;
	s10 =	sld [smem:$0x3FB2];
	_ =	sdelay $0x3  }
0x34: {  	[smem:$0x3FB2] =	sst s10  }
0x35: {  	s10 =	sld [smem:$0x3FB1];
	_ =	sdelay $0x3  }
0x36: {  	p1 =	seq.s32 s10, $0x1;
	s10 =	sld [smem:$0x3FB2];
	_ =	sdelay $0x3  }
0x37: {  	[smem:$0x3FB2] =	sst s10  }
0x38: {  	s10 =	sld [smem:$0x3FB3]  }
0x39: {  	_ = 	snop;
	(pc) =	sbr.ind lr, $3  }
0x3a: {  	_ = 	snop  }
0x3b: {  	_ = 	snop  }
0x3c: {  	p2 =	seq.s32 s10, $0x1;
	s10 =	sld [smem:$0x3FB2]  }
0x3d: {  	_ =	shalt  }
0x3e: {  	_ =	shalt  }
0x3f: {  	_ =	shalt  }
0x40: {  	_ =	shalt  }
0x41: {  	_ =	shalt  }
0x42: {  	_ =	shalt  }
0x43: {  	_ =	shalt  }
0x44: {  	_ =	shalt  }
0x45: {  	_ =	shalt  }
0x46: {  	_ =	shalt  }
0x47: {  	_ =	shalt  }
0x48: {  	_ =	shalt  }
0x49: {  	_ =	shalt  }
0x4a: {  	_ =	shalt  }
0x4b: {  	_ =	shalt  }
0x4c: {  	_ =	shalt  }
0x4d: {  	_ =	shalt  }
0x4e: {  	_ =	shalt  }
0x4f: {  	_ =	shalt  }
0x50: {  	_ =	shalt  }
0x51: {  	_ =	shalt  }
0x52: {  	_ =	shalt  }
0x53: {  	_ =	shalt  }
0x54: {  	_ =	shalt  }
0x55: {  	_ =	shalt  }
0x56: {  	_ =	shalt  }
0x57: {  	_ =	shalt  }
0x58: {  	_ =	shalt  }
0x59: {  	_ =	shalt  }
0x5a: {  	_ =	shalt  }
0x5b: {  	_ =	shalt  }
0x5c: {  	_ =	shalt  }
0x5d: {  	_ =	shalt  }
0x5e: {  	_ =	shalt  }
0x5f: {  	_ =	shalt  }
0x60: {  	_ =	shalt  }
0x61: {  	_ =	shalt  }
0x62: {  	_ =	shalt  }
0x63: {  	_ =	shalt  }
0x64: {  	_ =	shalt  }
0x65: {  	_ =	shalt  }
0x66: {  	_ =	shalt  }
0x67: {  	_ =	shalt  }
0x68: {  	_ =	shalt  }
0x69: {  	_ =	shalt  }
0x6a: {  	_ =	shalt  }
0x6b: {  	_ =	shalt  }
0x6c: {  	_ =	shalt  }
0x6d: {  	_ =	shalt  }
0x6e: {  	_ =	shalt  }
0x6f: {  	_ =	shalt  }
0x70: {  	_ =	shalt  }
0x71: {  	_ =	shalt  }
0x72: {  	_ =	shalt  }
0x73: {  	_ =	shalt  }
0x74: {  	_ =	shalt  }
0x75: {  	_ =	shalt  }
0x76: {  	_ =	shalt  }
0x77: {  	_ =	shalt  }
0x78: {  	_ =	shalt  }
0x79: {  	_ =	shalt  }
0x7a: {  	_ =	shalt  }
0x7b: {  	_ =	shalt  }
0x7c: {  	_ =	shalt  }
0x7d: {  	_ =	shalt  }
0x7e: {  	_ =	shalt  }
0x7f: {  	_ =	shalt  }
0x80: {  	_ =	shalt  }
0x81: {  	_ =	shalt  }
0x82: {  	_ =	shalt  }
0x83: {  	_ =	shalt  }
0x84: {  	_ =	shalt  }
0x85: {  	_ =	shalt  }
0x86: {  	_ =	shalt  }
0x87: {  	_ =	shalt  }
.Lfunc_end0:
.L_simem_size_0:
called_computation.1_lowered:
.L_overlay_start_0:
0x88: {  	s2 =	sld [smem:$0x3FD9]  }
0x89: {  	s3 =	sld [smem:$0x3FFE];
	_ =	sdelay $0x1  }
0x8a: {  	s1 =	srdreg.scid  }
0x8b: {  	s0 =	sand.u32 $0x1, s1  }
0x8c: {  	s17 =	sshll.u32 s0, $0xA;
	s2 =	sadd.s32 s3, s2  }
0x8d: {  	s2 =	sadd.s32 s2, s17  }
0x8e: {  	[smem:$0x3FBE] =	sst s2  }
0x8f: {  	_ = 	snop  }
0x90: {  	s2 =	sld [smem:$0x3FD0];
	(tm) =	ssettm $0x1  }
0x91: {  	s18 =	sld [smem:$0x3FFB];
	_ =	sdelay $0x3  }
0x92: {  	_ =	strace s18  }
0x93: {  	s3 =	sld [smem:$0x3FFC];
	_ =	sdelay $0x3  }
0x94: {  	_ =	strace s3  }
0x95: {  	s3 =	sld [smem:$0x3FFD];
	_ =	sdelay $0x3  }
0x96: {  	_ =	strace s3  }
0x97: {  	_ =	strace $0x8FFFFFFF  }
0x98: {  	s19 =	sld [smem:$0x3FDB];
	_ =	sdelay $0x1  }
0x99: {  	s4 =	simm.s32 $_scs_section_size  }
0x9a: {  	s5 =	simm.s32 $_size__tile_overlayer_lowered;
	s6 =	simm.s32 $_tile_overlayer_lowered  }
0x9b: {  	s22 =	simm.s32 $0x1BFF;
	s21 =	sshll.u32 s6, $0x1;
	s3 =	sadd.s32 s4, s19  }
0x9c: {  	s7 =	simm.s32 $0x0;
	s20 =	sshll.u32 s5, $0x1;
	s5 =	sadd.s32 s21, s3  }
0x9d: {  	[timem:s7], [sflag:s22] =	dma.local [hbm:s5], s20  }
0x9e: {  	_ =	swait.ge [sflag:s22], s20  }
0x9f: {  	s4 =	ssub.s32 $0x0, s20;
	[sflag:s22] =	ssyncset.done $0x0  }
0xa0: {  	[sflag:s22] =	ssyncadd.s32 s4;
	_ =	sdelay $0x1  }
0xa1: {  	s23 =	simm.s32 $0x1B8B  }
0xa2: {  	_ =	swait.ge [sflag:s23], $0x1  }
0xa3: {  	[sflag:s23] =	ssyncset.done $0x0  }
0xa4: {  	s25 =	simm.s32 $0x1B8E;
	s24 =	sld [smem:$0x3FFE];
	[sflag:s23] =	ssyncadd.s32 $0xFFFFFFFF  }
0xa5: {  	s26 =	simm.s32 $execute0_lowered;
	[smem:$0x3FD2] =	sst s25  }
0xa6: {  	s5 =	sshll.u32 s26, $0x1;
	_ =	strace $0x80000049;
	[dreg:$0x1] =	wrdreg $0xFFFFFFFF  }
0xa7: {  	s28 =	simm.s32 $_size_execute0_lowered;
	s3 =	sadd.s32 s3, s5;
	[dreg:$0x0] =	wrdreg $0x0  }
0xa8: {  	s5 =	sshll.u32 s28, $0x1;
	[dreg:$0x2] =	wrdreg s3  }
0xa9: {  	[dreg:$0x3] =	wrdreg s5  }
0xaa: {  	[dreg:$0x4] =	wrdreg $0xC0  }
0xab: {  	_ =	task [dreg:s7], $0x5FFFF  }
0xac: {  	[dreg:$0x1] =	wrdreg $0xFFFFFFFF  }
0xad: {  	[dreg:$0x0] =	wrdreg $0x60  }
0xae: {  	[dreg:$0x2] =	wrdreg s24  }
0xaf: {  	[dreg:$0x3] =	wrdreg s2  }
0xb0: {  	[dreg:$0x4] =	wrdreg $0xC0000  }
0xb1: {  	[dreg:$0x5] =	wrdreg $0x9  }
0xb2: {  	_ =	task.clear_ibuf [dreg:s7], $0x6FFFF;
	_ =	strace $0x90000049  }
0xb3: {  	s29 =	simm.s32 $0x9;
	_ =	strace $0x8000004B  }
0xb4: {  	_ =	swait.ge [sflag:s29], $0x1  }
0xb5: {  	[sflag:s29] =	ssyncadd.s32 $0xFFFFFFFF  }
0xb6: {  	_ =	strace $0x9000004B  }
0xb7: {  	_ =	sfence  }
0xb8: {  	s30 =	sld [smem:$0x0];
	_ =	sdelay $0x2  }
0xb9: {  	s31 =	sshll.u32 s1, $0xD;
	s1 =	sshrl.u32 s1, $0x2  }
0xba: {  	s3 =	sand.u32 $0x4000, s31;
	s1 =	sadd.s32 s1, s30  }
0xbb: {  	s0 =	sor.u32 s3, s0;
	s1 =	sshll.u32 s1, $0x11  }
0xbc: {  	s0 =	sor.u32 s1, s0  }
0xbd: {  	s0 =	sadd.s32 $0x8F2B, s0  }
0xbe: {  	[sflag:s0] =	ssyncadd.remote.s32 $0x1  }
0xbf: {  	_ =	sfence.sel $0xFFFF  }
0xc0: {  	[dreg:$0x0] =	wrdreg $0xFFFFFFFF;
	(pc) =	sbr.abs _section_cstart, $3  }
0xc1: {  	[dreg:$0x1] =	wrdreg $0xFFFFFFFF  }
0xc2: {  	_ =	task.clear_ibuf [dreg:s7], $0x2FFFF;
	_ =	strace $0x9FFFFFFF  }
0xc3: {  	(tm) =	ssettm $0x7FFFFFFF  }
tec
execute0_lowered:
.L_overlay_start_1:
0x0: {  	(tag) =	ssettag $0x1  }
0x1: {  	s0 =	rddreg [dreg:$0x0]  }
0x2: {  	s1 =	rddreg [dreg:$0x1]  }
0x3: {  	s2 =	rddreg [dreg:$0x2]  }
0x4: {  	s4 =	simm.s32 $0x0;
	s3 =	srdreg.scid;
	s12 =	stileid.u32  }
0x5: {  	s28 =	simm.s32 $0x3;
	s29 =	simm.s32 $0x1400;
	s30 =	simm.s32 $0x7D  }
0x6: {  	s31 =	simm.s32 $0x2800;
	[smem:$0x7FF] =	sst s4;
	s3 =	sand.u32 $0x1, s3  }
0x7: {  	s5 =	sshll.u32 s12, $0x1;
	s4 =	sadd.s32 $0x3400, s0;
	s19 =	smul.u32 $0x13800, s12  }
0x8: {  	s6 =	sadd.s32 $0x51600, s0;
	s0 =	sadd.s32 $0x5B600, s0;
	s21 =	smul.u32 $0x4E000, s12  }
0x9: {  	s5 =	sor.u32 s3, s5;
	s7 =	ssub.s32 $0x2, s3;
	s3 =	smul.u32 $0x138800, s3  }
0xa: {  	p0 =	sne.s32 s12, $0xF;
	_ =	strace $0x8000004A;
	s8 =	smul.u32 $0x500, s5  }
0xb: {  	s9 =	sshrl.u32 s7, $0x1;
	s10 =	smul.u32 $0x2800, s5;
	s5 =	sadd.s32 $0x138000, s2  }
0xc: {  	s23 =	sshrl.u32 s21, $0x2;
	s7 =	ssub.s32 s7, s9;
	s22 =	sadd.s32 s19, s3  }
0xd: {  	s3 =	sshrl.u32 s3, $0x3;
	s11 =	sadd.s32 s23, s2;
	s9 =	simm.s32 $0x0  }
0xe: {  	s17 =	sadd.s32 s6, s8;
	s18 =	sshrl.u32 s10, $0x3;
	s8 =	sadd.s32 s1, s8  }
0xf: {  	s24 =	smax.u32 s7, $0x1;
	s25 =	sadd.s32 $0x1800, s11;
	[dreg:$0x4] =	wrdreg s17  }
0x10: {  	s26 =	sadd.s32 $0x3000, s11;
	s16 =	sadd.s32 $0x4800, s11;
	[dreg:$0x5] =	wrdreg s8  }
0x11: {  	s19 =	sadd.s32 $0x9000, s11;
	s21 =	sadd.s32 $0xC000, s11;
	[dreg:$0xa] =	wrdreg s24  }
0x12: {  	s23 =	sadd.s32 $0xF000, s11;
	s7 =	simm.s32 $0x2700;
	[dreg:$0xb] =	wrdreg s25  }
0x13: {  	s20 =	sadd.s32 $0x280, s18;
	[dreg:$0xc] =	wrdreg s26;
	s17 =	sadd.s32 $0x6000, s11  }
0x14: {  	s18 =	sadd.s32 $0x7800, s11;
	s24 =	sadd.s32 $0x10800, s11;
	s25 =	sadd.s32 $0x12000, s11  }
0x15: {  	s26 =	simm.s32 $0xA800;
	s8 =	simm.s32 $0x2780;
	s6 =	sadd.s32 s6, s20  }
0x16: {  	s1 =	sadd.s32 s1, s20;
	s20 =	sadd.s32 $0xA800, s11;
	[dreg:$0x6] =	wrdreg s6  }
0x17: {  	[dreg:$0x7] =	wrdreg s1;
	s1 =	sshrl.u32 s22, $0x3;
	s22 =	sadd.s32 $0xD800, s11  }
0x18: {  	s6 =	simm.s32 $0x1380;
	s1 =	sadd.s32 s0, s1;
	s0 =	sadd.s32 s0, s3  }
0x19: {  	s3 =	simm.s32 $0x2;
	[dreg:$0x8] =	wrdreg s1;
	s0 =	sadd.s32 $0x27000, s0  }
0x1a: {  	v0 =	vimm.f32 $0.0e+00;
	s1 =	simm.s32 $0x1;
	[dreg:$0x9] =	wrdreg s0;
	s0 =	simm.s32 $0x6800  }
.LBB2_1:
0x1b: {  	s12 =	simm.s32 $0x0  }
0x1c: {  	s10 =	sand.u32 $0x7E00, s12  }
0x1d: {  	s12 =	sand.u32 $0x70, s12;
	s13 =	sshrl.u32 s10, $0x2  }
0x1e: {  	s10 =	simm.s32 $0x40;
	s13 =	sor.u32 s12, s13;
	s12 =	simm.s32 $0x0  }
.LBB2_2:
0x1f: {  	p1 =	sne.s32 s10, $0x5FC0  }
0x20: {  	[tilespmem:s13+$0xA800] =	vst v0;
	s12 =	sadd.s32 $0x10, s12;
	s13 =	smov.u32 s10;
	s10 =	sadd.s32 $0x40, s10  }
.Ltmp0:
0x21: {  	(pc) =	sbr.rel @p1 .LBB2_2-.Ltmp0, $4  }
0x22: {  	_ = 	snop  }
0x23: {  	s13 =	sand.u32 $0x7E00, s13  }
0x24: {  	s14 =	sand.u32 $0x70, s12;
	s13 =	sshrl.u32 s13, $0x2  }
0x25: {  	s13 =	sor.u32 s14, s13  }
0x26: {  	[tilespmem:s13+$0xA800] =	vst v0  }
0x27: {  	[spmem:s11] =	stream.linear.scatter [tilespmem:s26], [sflag:$0x3], $0x1800, $0x38;
	[tilespmem:$0x1F880] =	vst v63  }
0x28: {  	_ =	swait.ge [sflag:s28], $0x1800  }
0x29: {  	[sflag:s28] =	ssyncset.done $0x0  }
0x2a: {  	s10 =	rddreg [dreg:$0xb];
	[sflag:s28] =	ssyncadd.s32 $0xFFFFE800  }
0x2b: {  	[spmem:s10] =	stream.linear.scatter [tilespmem:s26], [sflag:$0x3], $0x1800, $0x38;
	[tilespmem:$0x1F880] =	vst v63  }
0x2c: {  	_ =	swait.ge [sflag:s28], $0x1800  }
0x2d: {  	[sflag:s28] =	ssyncset.done $0x0  }
0x2e: {  	s13 =	rddreg [dreg:$0xc];
	[sflag:s28] =	ssyncadd.s32 $0xFFFFE800  }
0x2f: {  	[spmem:s13] =	stream.linear.scatter [tilespmem:s26], [sflag:$0x3], $0x1800, $0x38;
	[tilespmem:$0x1F880] =	vst v63  }
0x30: {  	_ =	swait.ge [sflag:s28], $0x1800  }
0x31: {  	[sflag:s28] =	ssyncset.done $0x0  }
0x32: {  	[sflag:s28] =	ssyncadd.s32 $0xFFFFE800  }
0x33: {  	[spmem:s16] =	stream.linear.scatter [tilespmem:s26], [sflag:$0x3], $0x1800, $0x38;
	[tilespmem:$0x1F880] =	vst v63  }
0x34: {  	_ =	swait.ge [sflag:s28], $0x1800  }
0x35: {  	[sflag:s28] =	ssyncset.done $0x0  }
0x36: {  	[sflag:s28] =	ssyncadd.s32 $0xFFFFE800  }
0x37: {  	[spmem:s17] =	stream.linear.scatter [tilespmem:s26], [sflag:$0x3], $0x1800, $0x38;
	[tilespmem:$0x1F880] =	vst v63  }
0x38: {  	_ =	swait.ge [sflag:s28], $0x1800  }
0x39: {  	[sflag:s28] =	ssyncset.done $0x0  }
0x3a: {  	[sflag:s28] =	ssyncadd.s32 $0xFFFFE800  }
0x3b: {  	[spmem:s18] =	stream.linear.scatter [tilespmem:s26], [sflag:$0x3], $0x1800, $0x38;
	[tilespmem:$0x1F880] =	vst v63  }
0x3c: {  	_ =	swait.ge [sflag:s28], $0x1800  }
0x3d: {  	[sflag:s28] =	ssyncset.done $0x0  }
0x3e: {  	[sflag:s28] =	ssyncadd.s32 $0xFFFFE800  }
0x3f: {  	[spmem:s19] =	stream.linear.scatter [tilespmem:s26], [sflag:$0x3], $0x1800, $0x38;
	[tilespmem:$0x1F880] =	vst v63  }
0x40: {  	_ =	swait.ge [sflag:s28], $0x1800  }
0x41: {  	[sflag:s28] =	ssyncset.done $0x0  }
0x42: {  	[sflag:s28] =	ssyncadd.s32 $0xFFFFE800  }
0x43: {  	[spmem:s20] =	stream.linear.scatter [tilespmem:s26], [sflag:$0x3], $0x1800, $0x38;
	[tilespmem:$0x1F880] =	vst v63  }
0x44: {  	_ =	swait.ge [sflag:s28], $0x1800  }
0x45: {  	[sflag:s28] =	ssyncset.done $0x0  }
0x46: {  	[sflag:s28] =	ssyncadd.s32 $0xFFFFE800  }
0x47: {  	[spmem:s21] =	stream.linear.scatter [tilespmem:s26], [sflag:$0x3], $0x1800, $0x38;
	[tilespmem:$0x1F880] =	vst v63  }
0x48: {  	_ =	swait.ge [sflag:s28], $0x1800  }
0x49: {  	[sflag:s28] =	ssyncset.done $0x0  }
0x4a: {  	[sflag:s28] =	ssyncadd.s32 $0xFFFFE800  }
0x4b: {  	[spmem:s22] =	stream.linear.scatter [tilespmem:s26], [sflag:$0x3], $0x1800, $0x38;
	[tilespmem:$0x1F880] =	vst v63  }
0x4c: {  	_ =	swait.ge [sflag:s28], $0x1800  }
0x4d: {  	[sflag:s28] =	ssyncset.done $0x0  }
0x4e: {  	[sflag:s28] =	ssyncadd.s32 $0xFFFFE800  }
0x4f: {  	[spmem:s23] =	stream.linear.scatter [tilespmem:s26], [sflag:$0x3], $0x1800, $0x38;
	[tilespmem:$0x1F880] =	vst v63  }
0x50: {  	_ =	swait.ge [sflag:s28], $0x1800  }
0x51: {  	[sflag:s28] =	ssyncset.done $0x0  }
0x52: {  	[sflag:s28] =	ssyncadd.s32 $0xFFFFE800  }
0x53: {  	[spmem:s24] =	stream.linear.scatter [tilespmem:s26], [sflag:$0x3], $0x1800, $0x38;
	[tilespmem:$0x1F880] =	vst v63  }
0x54: {  	_ =	swait.ge [sflag:s28], $0x1800  }
0x55: {  	[sflag:s28] =	ssyncset.done $0x0  }
0x56: {  	[sflag:s28] =	ssyncadd.s32 $0xFFFFE800  }
0x57: {  	[spmem:s25] =	stream.linear.scatter [tilespmem:s26], [sflag:$0x3], $0x1800, $0x38;
	[tilespmem:$0x1F880] =	vst v63  }
0x58: {  	_ =	swait.ge [sflag:s28], $0x1800  }
0x59: {  	[sflag:s28] =	ssyncset.done $0x0  }
0x5a: {  	s10 =	simm.s32 @!p0 $0xA800;
	[sflag:s28] =	ssyncadd.s32 $0xFFFFE800  }
0x5b: {  	[spmem:s5] =	stream.linear.scatter @!p0 [tilespmem:s10], [sflag:$0x3], $0x800, $0x38;
	[tilespmem:$0x1F880] =	vst v63  }
0x5c: {  	s10 =	simm.s32 @!p0 $0x3  }
0x5d: {  	_ =	swait.ge @!p0 [sflag:s10], $0x800  }
0x5e: {  	[sflag:s10] =	ssyncset.done @!p0 $0x0  }
0x5f: {  	[sflag:s10] =	ssyncadd.s32 @!p0 $0xFFFFF800  }
0x60: {  	[bflag:$0x0] =	sbarrier.arrive $0xFFFF  }
0x61: {  	s14 =	simm.s32 $0x0;
	s12 =	rddreg [dreg:$0x4]  }
0x62: {  	[tilespmem:s14], [sflag:$0x3] =	stream.linear.gather [hbm4b:s12+s14], $0x1400, $0x38;
	[tilespmem:$0x1F880] =	vst v63  }
0x63: {  	_ =	swait.ge [sflag:s28], $0x1400  }
0x64: {  	[sflag:s28] =	ssyncset.done $0x0  }
0x65: {  	s15 =	rddreg [dreg:$0x5];
	[sflag:s28] =	ssyncadd.s32 $0xFFFFEC00  }
0x66: {  	[tilespmem:s29], [sflag:$0x3] =	stream.linear.gather [hbm4b:s15+s14], $0x1400, $0x38;
	[tilespmem:$0x1F880] =	vst v63  }
0x67: {  	_ =	swait.ge [sflag:s28], $0x1400  }
0x68: {  	[sflag:s28] =	ssyncset.done $0x0  }
0x69: {  	[sflag:s28] =	ssyncadd.s32 $0xFFFFEC00  }
0x6a: {  	[tilespmem:s31], [sflag:$0x1] =	stream.indirect.gather [hbm4b:s4+s30], $0x80, s14, s30, $0xb8;
	[tilespmem:$0x1F880] =	vst v63  }
0x6b: {  	s12 =	simm.s32 $0x80  }
0x6c: {  	[tilespmem:s0], [sflag:$0x2] =	stream.indirect.gather [hbm4b:s4+s30], $0x80, s12, s30, $0xb8;
	[tilespmem:$0x1F880] =	vst v63  }
0x6d: {  	_ =	swait.ge [sflag:s1], $0x3E80  }
0x6e: {  	[sflag:s1] =	ssyncset.done $0x0  }
0x6f: {  	s13 =	simm.s32 $0x1400;
	[sflag:s1] =	ssyncadd.s32 $0xFFFFC180  }
0x70: {  	[spmem:s2] =	stream.indirect.scatter.add.f32 [tilespmem:s31], [sflag:$0x3], $0x80, s13, s30, $0xb8;
	[tilespmem:$0x1F880] =	vst v63  }
0x71: {  	_ =	swait.ge [sflag:s28], $0x3E80  }
0x72: {  	[sflag:s28] =	ssyncset.done $0x0  }
0x73: {  	s14 =	simm.s32 $0x100;
	[sflag:s28] =	ssyncadd.s32 $0xFFFFC180  }
0x74: {  	[tilespmem:s31], [sflag:$0x1] =	stream.indirect.gather [hbm4b:s4+s30], $0x80, s14, s30, $0xb8;
	[tilespmem:$0x1F880] =	vst v63  }
0x75: {  	_ =	swait.ge [sflag:s3], $0x3E80  }
0x76: {  	[sflag:s3] =	ssyncset.done $0x0  }
0x77: {  	s15 =	simm.s32 $0x1480;
	[sflag:s3] =	ssyncadd.s32 $0xFFFFC180  }
0x78: {  	[spmem:s2] =	stream.indirect.scatter.add.f32 [tilespmem:s0], [sflag:$0x3], $0x80, s15, s30, $0xb8;
	[tilespmem:$0x1F880] =	vst v63  }
0x79: {  	_ =	swait.ge [sflag:s28], $0x3E80  }
0x7a: {  	s10 =	simm.s32 $0x100;
	s12 =	simm.s32 $0x800;
	[sflag:s28] =	ssyncset.done $0x0  }
.LBB2_4:
0x7b: {  	s13 =	sadd.s32 $0x80, s10  }
0x7c: {  	[sflag:s28] =	ssyncadd.s32 $0xFFFFC180;
	s14 =	smov.u32 s12;
	s15 =	sadd.s32 $0x400, s12  }
0x7d: {  	[tilespmem:s0], [sflag:$0x2] =	stream.indirect.gather [hbm4b:s4+s30], $0x80, s13, s30, $0xb8;
	[tilespmem:$0x1F880] =	vst v63  }
0x7e: {  	p1 =	sne.s32 s12, $0x4800;
	_ =	swait.ge [sflag:s1], $0x3E80  }
0x7f: {  	[sflag:s1] =	ssyncset.done $0x0  }
0x80: {  	s12 =	sadd.s32 $0x1400, s10;
	[sflag:s1] =	ssyncadd.s32 $0xFFFFC180  }
0x81: {  	[spmem:s2] =	stream.indirect.scatter.add.f32 [tilespmem:s31], [sflag:$0x3], $0x80, s12, s30, $0xb8;
	[tilespmem:$0x1F880] =	vst v63  }
0x82: {  	_ =	swait.ge [sflag:s28], $0x3E80  }
0x83: {  	[sflag:s28] =	ssyncset.done $0x0  }
0x84: {  	s12 =	sadd.s32 $0x100, s10;
	[sflag:s28] =	ssyncadd.s32 $0xFFFFC180  }
0x85: {  	[tilespmem:s31], [sflag:$0x1] =	stream.indirect.gather [hbm4b:s4+s30], $0x80, s12, s30, $0xb8;
	[tilespmem:$0x1F880] =	vst v63  }
0x86: {  	_ =	swait.ge [sflag:s3], $0x3E80  }
.Ltmp1:
0x87: {  	[sflag:s3] =	ssyncset.done $0x0;
	(pc) =	sbr.rel @p1 .LBB2_4-.Ltmp1, $4  }
0x88: {  	s10 =	sadd.s32 $0x1480, s10;
	[sflag:s3] =	ssyncadd.s32 $0xFFFFC180  }
0x89: {  	[spmem:s2] =	stream.indirect.scatter.add.f32 [tilespmem:s0], [sflag:$0x3], $0x80, s10, s30, $0xb8;
	[tilespmem:$0x1F880] =	vst v63  }
0x8a: {  	_ =	swait.ge [sflag:s28], $0x3E80  }
0x8b: {  	s12 =	smov.u32 s15;
	s10 =	sshra.s32 s14, $0x2;
	[sflag:s28] =	ssyncset.done $0x0  }
0x8c: {  	s12 =	sadd.s32 $0x80, s10;
	[sflag:s28] =	ssyncadd.s32 $0xFFFFC180  }
0x8d: {  	[tilespmem:s0], [sflag:$0x2] =	stream.indirect.gather [hbm4b:s4+s30], $0x80, s12, s30, $0xb8;
	[tilespmem:$0x1F880] =	vst v63  }
0x8e: {  	_ =	swait.ge [sflag:s1], $0x3E80  }
0x8f: {  	[sflag:s1] =	ssyncset.done $0x0  }
0x90: {  	s14 =	sadd.s32 $0x1400, s10;
	[sflag:s1] =	ssyncadd.s32 $0xFFFFC180  }
0x91: {  	[spmem:s2] =	stream.indirect.scatter.add.f32 [tilespmem:s31], [sflag:$0x3], $0x80, s14, s30, $0xb8;
	[tilespmem:$0x1F880] =	vst v63  }
0x92: {  	_ =	swait.ge [sflag:s28], $0x3E80  }
0x93: {  	[sflag:s28] =	ssyncset.done $0x0  }
0x94: {  	s15 =	sadd.s32 $0x100, s10;
	[sflag:s28] =	ssyncadd.s32 $0xFFFFC180  }
0x95: {  	[tilespmem:s31], [sflag:$0x1] =	stream.indirect.gather [hbm4b:s4+s30], $0x80, s15, s30, $0xb8;
	[tilespmem:$0x1F880] =	vst v63  }
0x96: {  	_ =	swait.ge [sflag:s3], $0x3E80  }
0x97: {  	[sflag:s3] =	ssyncset.done $0x0  }
0x98: {  	s12 =	sadd.s32 $0x1480, s10;
	[sflag:s3] =	ssyncadd.s32 $0xFFFFC180  }
0x99: {  	[spmem:s2] =	stream.indirect.scatter.add.f32 [tilespmem:s0], [sflag:$0x3], $0x80, s12, s30, $0xb8;
	[tilespmem:$0x1F880] =	vst v63  }
0x9a: {  	_ =	swait.ge [sflag:s28], $0x3E80  }
0x9b: {  	[sflag:s28] =	ssyncset.done $0x0  }
0x9c: {  	[sflag:s28] =	ssyncadd.s32 $0xFFFFC180  }
0x9d: {  	[tilespmem:s0], [sflag:$0x2] =	stream.indirect.gather [hbm4b:s4+s30], $0x80, s6, s30, $0xb8;
	[tilespmem:$0x1F880] =	vst v63  }
0x9e: {  	_ =	swait.ge [sflag:s1], $0x3E80  }
0x9f: {  	[sflag:s1] =	ssyncset.done $0x0  }
0xa0: {  	[sflag:s1] =	ssyncadd.s32 $0xFFFFC180  }
0xa1: {  	[spmem:s2] =	stream.indirect.scatter.add.f32 [tilespmem:s31], [sflag:$0x3], $0x80, s7, s30, $0xb8;
	[tilespmem:$0x1F880] =	vst v63  }
0xa2: {  	_ =	swait.ge [sflag:s28], $0x3E80  }
0xa3: {  	[sflag:s28] =	ssyncset.done $0x0  }
0xa4: {  	[sflag:s28] =	ssyncadd.s32 $0xFFFFC180  }
0xa5: {  	_ =	swait.ge [sflag:s3], $0x3E80  }
0xa6: {  	[sflag:s3] =	ssyncset.done $0x0  }
0xa7: {  	[sflag:s3] =	ssyncadd.s32 $0xFFFFC180  }
0xa8: {  	[spmem:s2] =	stream.indirect.scatter.add.f32 [tilespmem:s0], [sflag:$0x3], $0x80, s8, s30, $0xb8;
	[tilespmem:$0x1F880] =	vst v63  }
0xa9: {  	_ =	swait.ge [sflag:s28], $0x3E80  }
0xaa: {  	[sflag:s28] =	ssyncset.done $0x0  }
0xab: {  	s13 =	simm.s32 $0x0;
	s14 =	rddreg [dreg:$0x6];
	[sflag:s28] =	ssyncadd.s32 $0xFFFFC180  }
0xac: {  	[tilespmem:s13], [sflag:$0x3] =	stream.linear.gather [hbm4b:s14+s13], $0x1400, $0x38;
	[tilespmem:$0x1F880] =	vst v63  }
0xad: {  	_ =	swait.ge [sflag:s28], $0x1400  }
0xae: {  	[sflag:s28] =	ssyncset.done $0x0  }
0xaf: {  	s15 =	rddreg [dreg:$0x7];
	[sflag:s28] =	ssyncadd.s32 $0xFFFFEC00  }
0xb0: {  	[tilespmem:s29], [sflag:$0x3] =	stream.linear.gather [hbm4b:s15+s13], $0x1400, $0x38;
	[tilespmem:$0x1F880] =	vst v63  }
0xb1: {  	_ =	swait.ge [sflag:s28], $0x1400  }
0xb2: {  	[sflag:s28] =	ssyncset.done $0x0  }
0xb3: {  	[sflag:s28] =	ssyncadd.s32 $0xFFFFEC00  }
0xb4: {  	[tilespmem:s31], [sflag:$0x1] =	stream.indirect.gather [hbm4b:s4+s30], $0x80, s13, s30, $0xb8;
	[tilespmem:$0x1F880] =	vst v63  }
0xb5: {  	s12 =	simm.s32 $0x80  }
0xb6: {  	[tilespmem:s0], [sflag:$0x2] =	stream.indirect.gather [hbm4b:s4+s30], $0x80, s12, s30, $0xb8;
	[tilespmem:$0x1F880] =	vst v63  }
0xb7: {  	_ =	swait.ge [sflag:s1], $0x3E80  }
0xb8: {  	[sflag:s1] =	ssyncset.done $0x0  }
0xb9: {  	s13 =	simm.s32 $0x1400;
	[sflag:s1] =	ssyncadd.s32 $0xFFFFC180  }
0xba: {  	[spmem:s2] =	stream.indirect.scatter.add.f32 [tilespmem:s31], [sflag:$0x3], $0x80, s13, s30, $0xb8;
	[tilespmem:$0x1F880] =	vst v63  }
0xbb: {  	_ =	swait.ge [sflag:s28], $0x3E80  }
0xbc: {  	[sflag:s28] =	ssyncset.done $0x0  }
0xbd: {  	s14 =	simm.s32 $0x100;
	[sflag:s28] =	ssyncadd.s32 $0xFFFFC180  }
0xbe: {  	[tilespmem:s31], [sflag:$0x1] =	stream.indirect.gather [hbm4b:s4+s30], $0x80, s14, s30, $0xb8;
	[tilespmem:$0x1F880] =	vst v63  }
0xbf: {  	_ =	swait.ge [sflag:s3], $0x3E80  }
0xc0: {  	[sflag:s3] =	ssyncset.done $0x0  }
0xc1: {  	s15 =	simm.s32 $0x1480;
	[sflag:s3] =	ssyncadd.s32 $0xFFFFC180  }
0xc2: {  	[spmem:s2] =	stream.indirect.scatter.add.f32 [tilespmem:s0], [sflag:$0x3], $0x80, s15, s30, $0xb8;
	[tilespmem:$0x1F880] =	vst v63  }
0xc3: {  	_ =	swait.ge [sflag:s28], $0x3E80  }
0xc4: {  	s10 =	simm.s32 $0x100;
	s12 =	simm.s32 $0x800;
	[sflag:s28] =	ssyncset.done $0x0  }
.LBB2_6:
0xc5: {  	s13 =	sadd.s32 $0x80, s10  }
0xc6: {  	[sflag:s28] =	ssyncadd.s32 $0xFFFFC180;
	s14 =	smov.u32 s12;
	s15 =	sadd.s32 $0x400, s12  }
0xc7: {  	[tilespmem:s0], [sflag:$0x2] =	stream.indirect.gather [hbm4b:s4+s30], $0x80, s13, s30, $0xb8;
	[tilespmem:$0x1F880] =	vst v63  }
0xc8: {  	p1 =	sne.s32 s12, $0x4800;
	_ =	swait.ge [sflag:s1], $0x3E80  }
0xc9: {  	[sflag:s1] =	ssyncset.done $0x0  }
0xca: {  	s12 =	sadd.s32 $0x1400, s10;
	[sflag:s1] =	ssyncadd.s32 $0xFFFFC180  }
0xcb: {  	[spmem:s2] =	stream.indirect.scatter.add.f32 [tilespmem:s31], [sflag:$0x3], $0x80, s12, s30, $0xb8;
	[tilespmem:$0x1F880] =	vst v63  }
0xcc: {  	_ =	swait.ge [sflag:s28], $0x3E80  }
0xcd: {  	[sflag:s28] =	ssyncset.done $0x0  }
0xce: {  	s12 =	sadd.s32 $0x100, s10;
	[sflag:s28] =	ssyncadd.s32 $0xFFFFC180  }
0xcf: {  	[tilespmem:s31], [sflag:$0x1] =	stream.indirect.gather [hbm4b:s4+s30], $0x80, s12, s30, $0xb8;
	[tilespmem:$0x1F880] =	vst v63  }
0xd0: {  	_ =	swait.ge [sflag:s3], $0x3E80  }
.Ltmp2:
0xd1: {  	[sflag:s3] =	ssyncset.done $0x0;
	(pc) =	sbr.rel @p1 .LBB2_6-.Ltmp2, $4  }
0xd2: {  	s10 =	sadd.s32 $0x1480, s10;
	[sflag:s3] =	ssyncadd.s32 $0xFFFFC180  }
0xd3: {  	[spmem:s2] =	stream.indirect.scatter.add.f32 [tilespmem:s0], [sflag:$0x3], $0x80, s10, s30, $0xb8;
	[tilespmem:$0x1F880] =	vst v63  }
0xd4: {  	_ =	swait.ge [sflag:s28], $0x3E80  }
0xd5: {  	s12 =	smov.u32 s15;
	s10 =	sshra.s32 s14, $0x2;
	[sflag:s28] =	ssyncset.done $0x0  }
0xd6: {  	s12 =	sadd.s32 $0x80, s10;
	[sflag:s28] =	ssyncadd.s32 $0xFFFFC180  }
0xd7: {  	[tilespmem:s0], [sflag:$0x2] =	stream.indirect.gather [hbm4b:s4+s30], $0x80, s12, s30, $0xb8;
	[tilespmem:$0x1F880] =	vst v63  }
0xd8: {  	_ =	swait.ge [sflag:s1], $0x3E80  }
0xd9: {  	[sflag:s1] =	ssyncset.done $0x0  }
0xda: {  	s14 =	sadd.s32 $0x1400, s10;
	[sflag:s1] =	ssyncadd.s32 $0xFFFFC180  }
0xdb: {  	[spmem:s2] =	stream.indirect.scatter.add.f32 [tilespmem:s31], [sflag:$0x3], $0x80, s14, s30, $0xb8;
	[tilespmem:$0x1F880] =	vst v63  }
0xdc: {  	_ =	swait.ge [sflag:s28], $0x3E80  }
0xdd: {  	[sflag:s28] =	ssyncset.done $0x0  }
0xde: {  	s15 =	sadd.s32 $0x100, s10;
	[sflag:s28] =	ssyncadd.s32 $0xFFFFC180  }
0xdf: {  	[tilespmem:s31], [sflag:$0x1] =	stream.indirect.gather [hbm4b:s4+s30], $0x80, s15, s30, $0xb8;
	[tilespmem:$0x1F880] =	vst v63  }
0xe0: {  	_ =	swait.ge [sflag:s3], $0x3E80  }
0xe1: {  	[sflag:s3] =	ssyncset.done $0x0  }
0xe2: {  	s12 =	sadd.s32 $0x1480, s10;
	[sflag:s3] =	ssyncadd.s32 $0xFFFFC180  }
0xe3: {  	[spmem:s2] =	stream.indirect.scatter.add.f32 [tilespmem:s0], [sflag:$0x3], $0x80, s12, s30, $0xb8;
	[tilespmem:$0x1F880] =	vst v63  }
0xe4: {  	_ =	swait.ge [sflag:s28], $0x3E80  }
0xe5: {  	[sflag:s28] =	ssyncset.done $0x0  }
0xe6: {  	[sflag:s28] =	ssyncadd.s32 $0xFFFFC180  }
0xe7: {  	[tilespmem:s0], [sflag:$0x2] =	stream.indirect.gather [hbm4b:s4+s30], $0x80, s6, s30, $0xb8;
	[tilespmem:$0x1F880] =	vst v63  }
0xe8: {  	_ =	swait.ge [sflag:s1], $0x3E80  }
0xe9: {  	[sflag:s1] =	ssyncset.done $0x0  }
0xea: {  	[sflag:s1] =	ssyncadd.s32 $0xFFFFC180  }
0xeb: {  	[spmem:s2] =	stream.indirect.scatter.add.f32 [tilespmem:s31], [sflag:$0x3], $0x80, s7, s30, $0xb8;
	[tilespmem:$0x1F880] =	vst v63  }
0xec: {  	_ =	swait.ge [sflag:s28], $0x3E80  }
0xed: {  	[sflag:s28] =	ssyncset.done $0x0  }
0xee: {  	[sflag:s28] =	ssyncadd.s32 $0xFFFFC180  }
0xef: {  	_ =	swait.ge [sflag:s3], $0x3E80  }
0xf0: {  	[sflag:s3] =	ssyncset.done $0x0  }
0xf1: {  	[sflag:s3] =	ssyncadd.s32 $0xFFFFC180  }
0xf2: {  	[spmem:s2] =	stream.indirect.scatter.add.f32 [tilespmem:s0], [sflag:$0x3], $0x80, s8, s30, $0xb8;
	[tilespmem:$0x1F880] =	vst v63  }
0xf3: {  	_ =	swait.ge [sflag:s28], $0x3E80  }
0xf4: {  	[sflag:s28] =	ssyncset.done $0x0  }
0xf5: {  	s13 =	stileid.u32;
	[sflag:s28] =	ssyncadd.s32 $0xFFFFC180  }
0xf6: {  	s10 =	sshll.u32 s13, $0x6;
	[bflag:$0x0] =	sbarrier.arrive $0xFFFF  }
0xf7: {  	s10 =	sor.u32 $0x1C03, s10;
	s14 =	sshrl.u32 s11, $0x3;
	s13 =	rddreg [dreg:$0x8]  }
0xf8: {  	[hbm:s13], [sflag:s10] =	dma.local [spmem:s14], $0x2700  }
0xf9: {  	_ =	swait.ge [sflag:s28], $0x2700  }
0xfa: {  	[sflag:s28] =	ssyncset.done $0x0  }
0xfb: {  	s12 =	sshrl.u32 @!p0 s5, $0x3;
	s13 =	rddreg [dreg:$0x9];
	[sflag:s28] =	ssyncadd.s32 $0xFFFFD900  }
0xfc: {  	[hbm:s13], [sflag:s10] =	dma.local @!p0 [spmem:s12], $0x100  }
0xfd: {  	s10 =	simm.s32 @!p0 $0x3  }
0xfe: {  	_ =	swait.ge @!p0 [sflag:s10], $0x100  }
0xff: {  	s9 =	sadd.s32 $0x1, s9;
	s15 =	rddreg [dreg:$0xa]  }
0x100: {  	p1 =	sne.s32 s9, s15  }
.Ltmp3:
0x101: {  	_ = 	snop;
	(pc) =	sbr.rel @p1 .LBB2_1-.Ltmp3, $3  }
0x102: {  	_ =	sdelay $0x1  }
0x103: {  	[sflag:s10] =	ssyncset.done @!p0 $0x0  }
0x104: {  	[sflag:s10] =	ssyncadd.s32 @!p0 $0xFFFFFF00  }
0x105: {  	_ =	sfence.sel $0x180000  }
0x106: {  	[bflag:$0x0] =	sbarrier.arrive $0xFFFF  }
0x107: {  	_ =	strace $0x9000004A  }
0x108: {  	s0 =	stileid.u32;
	[bflag:$0x2] =	sbarrier.arrive $0xFFFF  }
0x109: {  	p0 =	sne.s32 s0, $0x0;
	s0 =	rddreg [dreg:$0x3]  }
0x10a: {  	s0 =	sadd.s32 @!p0 $0x100000, s0  }
0x10b: {  	[sflag:s0] =	ssyncadd.tile.s32 @!p0 $0x1;
	_ =	shalt  }
.Lfunc_end2:
_tile_overlayer_lowered:
.L_overlay_start_2:
0x10c: {  	(tag) =	ssettag $0x2  }
0x10d: {  	s0 =	rddreg [dreg:$0x0];
	s2 =	stileid.u32  }
0x10e: {  	s1 =	rddreg [dreg:$0x1];
	p0 =	sne.s32 s2, $0x0  }
0x10f: {  	s3 =	rddreg [dreg:$0x2];
	[bflag:$0x3] =	sbarrier.arrive $0xFFFF;
	s2 =	simm.s32 @!p0 $0x1C03  }
0x110: {  	[timem:s3], [sflag:s2] =	dma.local @!p0 [hbm:s0], s1  }
0x111: {  	s0 =	simm.s32 @!p0 $0x3  }
0x112: {  	_ =	swait.ge @!p0 [sflag:s0], s1  }
0x113: {  	s1 =	ssub.s32 @!p0 $0x0, s1;
	[sflag:s0] =	ssyncset.done @!p0 $0x0  }
0x114: {  	[sflag:s0] =	ssyncadd.s32 @!p0 s1  }
0x115: {  	[bflag:$0x3] =	sbarrier.arrive $0xFFFF  }
0x116: {  	_ =	shalt  }

// kernel: kernel.16.cloned.1.call-start
scs
__scs_entry_jumppad:
0x0: {  	(pc) =	sbr.rel $0x88, $3  }
0x1: {  	(tag) =	ssettag $0x0;
	lr =	simm.s32 $0x1  }
0x2: {  	[smem:$0x3F97] =	sst lr;
	_ =	strace $0xD0000000  }
0x3: {  	_ = 	snop  }
0x4: {  	_ = 	snop  }
0x5: {  	_ = 	snop  }
0x6: {  	_ = 	snop  }
0x7: {  	_ = 	snop  }
__scs_overlays_trampoline_lowered:
0x8: {  	[smem:$0x3FA6] =	sst s0  }
0x9: {  	[smem:$0x3FA7] =	sst s1  }
0xa: {  	[smem:$0x3FA8] =	sst s2  }
0xb: {  	[smem:$0x3FA9] =	sst s3  }
0xc: {  	[smem:$0x3FAA] =	sst s4  }
0xd: {  	[smem:$0x3FAB] =	sst s5  }
0xe: {  	[smem:$0x3FAC] =	sst s6  }
0xf: {  	[smem:$0x3FAD] =	sst s7  }
0x10: {  	[smem:$0x3FAE] =	sst s8  }
0x11: {  	[smem:$0x3FAF] =	sst s9;
	s0 =	simm.s32 @!p0 $0x0  }
0x12: {  	s1 =	sld [smem:$0x3F95];
	s0 =	simm.s32 @p0 $0x1  }
0x13: {  	[smem:$0x3FB0] =	sst s0;
	s0 =	simm.s32 @!p1 $0x0  }
0x14: {  	s2 =	sld [smem:$0x3F94];
	s0 =	simm.s32 @p1 $0x1  }
0x15: {  	[smem:$0x3FB1] =	sst s0;
	s0 =	simm.s32 @!p2 $0x0  }
0x16: {  	s3 =	sld [smem:$0x3FDB];
	s0 =	simm.s32 @p2 $0x1  }
0x17: {  	s4 =	simm.s32 $0x1BF5;
	[smem:$0x3FB3] =	sst s0  }
0x18: {  	s0 =	sld [smem:$0x3F96];
	_ =	swait.ge [sflag:s4], $0x0  }
0x19: {  	s7 =	sld [smem:$0x3F97]  }
0x1a: {  	s8 =	sadd.s32 $0xFFFFE003, lr  }
0x1b: {  	s9 =	sadd.s32 $0xFFFFFEF7, lr;
	s5 =	simm.s32 $0xFFFFFFFF;
	p2 =	slt.u32 s8, $0xFFFFF086  }
0x1c: {  	p1 =	slt.u32 s9, $0xF7A;
	s5 =	simm.s32 @!p2 $0x0  }
0x1d: {  	s5 =	simm.s32 @p1 $0x1;
	p0 =	seq.s32 s7, s2  }
0x1e: {  	s7 =	smul.u32 @!p0 $0xF7A, s2;
	p2 =	seq.s32 @!p0 s5, $0x0  }
0x1f: {  	s9 =	smul.u32 $0xF7A, s1;
	s8 =	simm.s32 @!p0 $0x1BF5;
	p2 =	por !p2, p0  }
0x20: {  	[sflag:s8] =	ssyncset.s32 @!p0 $0xFFFFF086;
	s6 =	sadd.s32 @!p0 s3, s7;
	s7 =	simm.s32 @!p0 $0x108  }
0x21: {  	s3 =	sadd.s32 s3, s9;
	s6 =	sadd.s32 @!p0 $0x88, s6;
	s7 =	simm.s32 @p2 $0x1082  }
0x22: {  	[simem:s7], [sflag:s8] =	dma.local @!p0 [hbm:s6], $0xF7A  }
0x23: {  	s9 =	sor.u32 $0xD0000000, s2;
	s6 =	simm.s32 $0x108;
	_ =	swait.ge @!p0 [sflag:s8], $0x0  }
0x24: {  	s3 =	sadd.s32 $0x88, s3;
	s6 =	simm.s32 @!p1 $0x1082;
	[sflag:s4] =	ssyncset.s32 $0xFFFFF086  }
0x25: {  	[simem:s6], [sflag:s4] =	dma.local [hbm:s3], $0xF7A  }
0x26: {  	[smem:$0x3F97] =	sst s1;
	(tag) =	ssettag s2;
	_ =	strace s9  }
0x27: {  	s1 =	sld [smem:$0x3FA7]  }
0x28: {  	s2 =	sld [smem:$0x3FA8]  }
0x29: {  	s4 =	sld [smem:$0x3FAA]  }
0x2a: {  	p0 =	seq.s32 s5, $0x0;
	s5 =	sld [smem:$0x3FAB]  }
0x2b: {  	s6 =	sld [smem:$0x3FAC]  }
0x2c: {  	s7 =	sld [smem:$0x3FAD]  }
0x2d: {  	s3 =	simm.s32 $0x108;
	s8 =	sld [smem:$0x3FAE]  }
0x2e: {  	s3 =	simm.s32 @!p0 $0x1082;
	s9 =	sld [smem:$0x3FAF]  }
0x2f: {  	lr =	sadd.s32 s0, s3;
	s0 =	sld [smem:$0x3FA6]  }
0x30: {  	s3 =	sld [smem:$0x3FA9]  }
0x31: {  	[smem:$0x3FB2] =	sst s10  }
0x32: {  	s10 =	sld [smem:$0x3FB0];
	_ =	sdelay $0x3  }
0x33: {  	p0 =	seq.s32 s10, $0x1;
	s10 =	sld [smem:$0x3FB2];
	_ =	sdelay $0x3  }
0x34: {  	[smem:$0x3FB2] =	sst s10  }
0x35: {  	s10 =	sld [smem:$0x3FB1];
	_ =	sdelay $0x3  }
0x36: {  	p1 =	seq.s32 s10, $0x1;
	s10 =	sld [smem:$0x3FB2];
	_ =	sdelay $0x3  }
0x37: {  	[smem:$0x3FB2] =	sst s10  }
0x38: {  	s10 =	sld [smem:$0x3FB3]  }
0x39: {  	_ = 	snop;
	(pc) =	sbr.ind lr, $3  }
0x3a: {  	_ = 	snop  }
0x3b: {  	_ = 	snop  }
0x3c: {  	p2 =	seq.s32 s10, $0x1;
	s10 =	sld [smem:$0x3FB2]  }
0x3d: {  	_ =	shalt  }
0x3e: {  	_ =	shalt  }
0x3f: {  	_ =	shalt  }
0x40: {  	_ =	shalt  }
0x41: {  	_ =	shalt  }
0x42: {  	_ =	shalt  }
0x43: {  	_ =	shalt  }
0x44: {  	_ =	shalt  }
0x45: {  	_ =	shalt  }
0x46: {  	_ =	shalt  }
0x47: {  	_ =	shalt  }
0x48: {  	_ =	shalt  }
0x49: {  	_ =	shalt  }
0x4a: {  	_ =	shalt  }
0x4b: {  	_ =	shalt  }
0x4c: {  	_ =	shalt  }
0x4d: {  	_ =	shalt  }
0x4e: {  	_ =	shalt  }
0x4f: {  	_ =	shalt  }
0x50: {  	_ =	shalt  }
0x51: {  	_ =	shalt  }
0x52: {  	_ =	shalt  }
0x53: {  	_ =	shalt  }
0x54: {  	_ =	shalt  }
0x55: {  	_ =	shalt  }
0x56: {  	_ =	shalt  }
0x57: {  	_ =	shalt  }
0x58: {  	_ =	shalt  }
0x59: {  	_ =	shalt  }
0x5a: {  	_ =	shalt  }
0x5b: {  	_ =	shalt  }
0x5c: {  	_ =	shalt  }
0x5d: {  	_ =	shalt  }
0x5e: {  	_ =	shalt  }
0x5f: {  	_ =	shalt  }
0x60: {  	_ =	shalt  }
0x61: {  	_ =	shalt  }
0x62: {  	_ =	shalt  }
0x63: {  	_ =	shalt  }
0x64: {  	_ =	shalt  }
0x65: {  	_ =	shalt  }
0x66: {  	_ =	shalt  }
0x67: {  	_ =	shalt  }
0x68: {  	_ =	shalt  }
0x69: {  	_ =	shalt  }
0x6a: {  	_ =	shalt  }
0x6b: {  	_ =	shalt  }
0x6c: {  	_ =	shalt  }
0x6d: {  	_ =	shalt  }
0x6e: {  	_ =	shalt  }
0x6f: {  	_ =	shalt  }
0x70: {  	_ =	shalt  }
0x71: {  	_ =	shalt  }
0x72: {  	_ =	shalt  }
0x73: {  	_ =	shalt  }
0x74: {  	_ =	shalt  }
0x75: {  	_ =	shalt  }
0x76: {  	_ =	shalt  }
0x77: {  	_ =	shalt  }
0x78: {  	_ =	shalt  }
0x79: {  	_ =	shalt  }
0x7a: {  	_ =	shalt  }
0x7b: {  	_ =	shalt  }
0x7c: {  	_ =	shalt  }
0x7d: {  	_ =	shalt  }
0x7e: {  	_ =	shalt  }
0x7f: {  	_ =	shalt  }
0x80: {  	_ =	shalt  }
0x81: {  	_ =	shalt  }
0x82: {  	_ =	shalt  }
0x83: {  	_ =	shalt  }
0x84: {  	_ =	shalt  }
0x85: {  	_ =	shalt  }
0x86: {  	_ =	shalt  }
0x87: {  	_ =	shalt  }
.Lfunc_end0:
.L_simem_size_0:
called_computation.2_lowered:
.L_overlay_start_0:
0x88: {  	s2 =	sld [smem:$0x3FD9]  }
0x89: {  	s3 =	sld [smem:$0x3FFE];
	_ =	sdelay $0x1  }
0x8a: {  	s1 =	srdreg.scid  }
0x8b: {  	s0 =	sand.u32 $0x1, s1  }
0x8c: {  	s17 =	sshll.u32 s0, $0xA;
	s2 =	sadd.s32 s3, s2  }
0x8d: {  	s2 =	sadd.s32 s2, s17  }
0x8e: {  	[smem:$0x3FBE] =	sst s2  }
0x8f: {  	_ = 	snop  }
0x90: {  	s2 =	sld [smem:$0x3FD0];
	(tm) =	ssettm $0x1  }
0x91: {  	s18 =	sld [smem:$0x3FFB];
	_ =	sdelay $0x3  }
0x92: {  	_ =	strace s18  }
0x93: {  	s3 =	sld [smem:$0x3FFC];
	_ =	sdelay $0x3  }
0x94: {  	_ =	strace s3  }
0x95: {  	s3 =	sld [smem:$0x3FFD];
	_ =	sdelay $0x3  }
0x96: {  	_ =	strace s3  }
0x97: {  	_ =	strace $0x8FFFFFFF  }
0x98: {  	s19 =	sld [smem:$0x3FDB];
	_ =	sdelay $0x1  }
0x99: {  	s4 =	simm.s32 $_scs_section_size  }
0x9a: {  	s5 =	simm.s32 $_size__tile_overlayer_lowered;
	s6 =	simm.s32 $_tile_overlayer_lowered  }
0x9b: {  	s22 =	simm.s32 $0x1BFF;
	s21 =	sshll.u32 s6, $0x1;
	s3 =	sadd.s32 s4, s19  }
0x9c: {  	s7 =	simm.s32 $0x0;
	s20 =	sshll.u32 s5, $0x1;
	s5 =	sadd.s32 s21, s3  }
0x9d: {  	[timem:s7], [sflag:s22] =	dma.local [hbm:s5], s20  }
0x9e: {  	_ =	swait.ge [sflag:s22], s20  }
0x9f: {  	s4 =	ssub.s32 $0x0, s20;
	[sflag:s22] =	ssyncset.done $0x0  }
0xa0: {  	[sflag:s22] =	ssyncadd.s32 s4;
	_ =	sdelay $0x1  }
0xa1: {  	s23 =	simm.s32 $0x1B8B  }
0xa2: {  	_ =	swait.ge [sflag:s23], $0x1  }
0xa3: {  	[sflag:s23] =	ssyncset.done $0x0  }
0xa4: {  	s25 =	simm.s32 $0x1B8E;
	s24 =	sld [smem:$0x3FFE];
	[sflag:s23] =	ssyncadd.s32 $0xFFFFFFFF  }
0xa5: {  	s26 =	simm.s32 $execute0_lowered;
	[smem:$0x3FD2] =	sst s25  }
0xa6: {  	s5 =	sshll.u32 s26, $0x1;
	_ =	strace $0x8000004C;
	[dreg:$0x1] =	wrdreg $0xFFFFFFFF  }
0xa7: {  	s28 =	simm.s32 $_size_execute0_lowered;
	s3 =	sadd.s32 s3, s5;
	[dreg:$0x0] =	wrdreg $0x0  }
0xa8: {  	s5 =	sshll.u32 s28, $0x1;
	[dreg:$0x2] =	wrdreg s3  }
0xa9: {  	[dreg:$0x3] =	wrdreg s5  }
0xaa: {  	[dreg:$0x4] =	wrdreg $0xC0  }
0xab: {  	_ =	task [dreg:s7], $0x5FFFF  }
0xac: {  	[dreg:$0x1] =	wrdreg $0xFFFFFFFF  }
0xad: {  	[dreg:$0x0] =	wrdreg $0x60  }
0xae: {  	[dreg:$0x2] =	wrdreg s24  }
0xaf: {  	[dreg:$0x3] =	wrdreg s2  }
0xb0: {  	[dreg:$0x4] =	wrdreg $0xC0000  }
0xb1: {  	[dreg:$0x5] =	wrdreg $0x9  }
0xb2: {  	_ =	task.clear_ibuf [dreg:s7], $0x6FFFF;
	_ =	strace $0x9000004C  }
0xb3: {  	s29 =	simm.s32 $0x9;
	_ =	strace $0x8000004E  }
0xb4: {  	_ =	swait.ge [sflag:s29], $0x1  }
0xb5: {  	[sflag:s29] =	ssyncadd.s32 $0xFFFFFFFF  }
0xb6: {  	_ =	strace $0x9000004E  }
0xb7: {  	_ =	sfence  }
0xb8: {  	s30 =	sld [smem:$0x0];
	_ =	sdelay $0x2  }
0xb9: {  	s31 =	sshll.u32 s1, $0xD;
	s1 =	sshrl.u32 s1, $0x2  }
0xba: {  	s3 =	sand.u32 $0x4000, s31;
	s1 =	sadd.s32 s1, s30  }
0xbb: {  	s0 =	sor.u32 s3, s0;
	s1 =	sshll.u32 s1, $0x11  }
0xbc: {  	s0 =	sor.u32 s1, s0  }
0xbd: {  	s0 =	sadd.s32 $0x8F2B, s0  }
0xbe: {  	[sflag:s0] =	ssyncadd.remote.s32 $0x1  }
0xbf: {  	_ =	sfence.sel $0xFFFF  }
0xc0: {  	[dreg:$0x0] =	wrdreg $0xFFFFFFFF;
	(pc) =	sbr.abs _section_cstart, $3  }
0xc1: {  	[dreg:$0x1] =	wrdreg $0xFFFFFFFF  }
0xc2: {  	_ =	task.clear_ibuf [dreg:s7], $0x2FFFF;
	_ =	strace $0x9FFFFFFF  }
0xc3: {  	(tm) =	ssettm $0x7FFFFFFF  }
tec
execute0_lowered:
.L_overlay_start_1:
0x0: {  	(tag) =	ssettag $0x1  }
0x1: {  	s0 =	rddreg [dreg:$0x0]  }
0x2: {  	s1 =	rddreg [dreg:$0x1]  }
0x3: {  	s2 =	rddreg [dreg:$0x2]  }
0x4: {  	s4 =	simm.s32 $0x0;
	s3 =	srdreg.scid;
	s12 =	stileid.u32  }
0x5: {  	s28 =	simm.s32 $0x3;
	s29 =	simm.s32 $0x1400;
	s30 =	simm.s32 $0x7D  }
0x6: {  	s31 =	simm.s32 $0x2800;
	[smem:$0x7FF] =	sst s4;
	s3 =	sand.u32 $0x1, s3  }
0x7: {  	s5 =	sshll.u32 s12, $0x1;
	s4 =	sadd.s32 $0x3400, s0;
	s19 =	smul.u32 $0x13800, s12  }
0x8: {  	s6 =	sadd.s32 $0x51600, s0;
	s0 =	sadd.s32 $0x5B600, s0;
	s21 =	smul.u32 $0x4E000, s12  }
0x9: {  	s5 =	sor.u32 s3, s5;
	s7 =	ssub.s32 $0x2, s3;
	s3 =	smul.u32 $0x138800, s3  }
0xa: {  	p0 =	sne.s32 s12, $0xF;
	_ =	strace $0x8000004D;
	s8 =	smul.u32 $0x500, s5  }
0xb: {  	s9 =	sshrl.u32 s7, $0x1;
	s10 =	smul.u32 $0x2800, s5;
	s5 =	sadd.s32 $0x138000, s2  }
0xc: {  	s23 =	sshrl.u32 s21, $0x2;
	s7 =	ssub.s32 s7, s9;
	s22 =	sadd.s32 s19, s3  }
0xd: {  	s3 =	sshrl.u32 s3, $0x3;
	s11 =	sadd.s32 s23, s2;
	s9 =	simm.s32 $0x0  }
0xe: {  	s17 =	sadd.s32 s6, s8;
	s18 =	sshrl.u32 s10, $0x3;
	s8 =	sadd.s32 s1, s8  }
0xf: {  	s24 =	smax.u32 s7, $0x1;
	s25 =	sadd.s32 $0x1800, s11;
	[dreg:$0x4] =	wrdreg s17  }
0x10: {  	s26 =	sadd.s32 $0x3000, s11;
	s16 =	sadd.s32 $0x4800, s11;
	[dreg:$0x5] =	wrdreg s8  }
0x11: {  	s19 =	sadd.s32 $0x9000, s11;
	s21 =	sadd.s32 $0xC000, s11;
	[dreg:$0xa] =	wrdreg s24  }
0x12: {  	s23 =	sadd.s32 $0xF000, s11;
	s7 =	simm.s32 $0x2700;
	[dreg:$0xb] =	wrdreg s25  }
0x13: {  	s20 =	sadd.s32 $0x280, s18;
	[dreg:$0xc] =	wrdreg s26;
	s17 =	sadd.s32 $0x6000, s11  }
0x14: {  	s18 =	sadd.s32 $0x7800, s11;
	s24 =	sadd.s32 $0x10800, s11;
	s25 =	sadd.s32 $0x12000, s11  }
0x15: {  	s26 =	simm.s32 $0xA800;
	s8 =	simm.s32 $0x2780;
	s6 =	sadd.s32 s6, s20  }
0x16: {  	s1 =	sadd.s32 s1, s20;
	s20 =	sadd.s32 $0xA800, s11;
	[dreg:$0x6] =	wrdreg s6  }
0x17: {  	[dreg:$0x7] =	wrdreg s1;
	s1 =	sshrl.u32 s22, $0x3;
	s22 =	sadd.s32 $0xD800, s11  }
0x18: {  	s6 =	simm.s32 $0x1380;
	s1 =	sadd.s32 s0, s1;
	s0 =	sadd.s32 s0, s3  }
0x19: {  	s3 =	simm.s32 $0x2;
	[dreg:$0x8] =	wrdreg s1;
	s0 =	sadd.s32 $0x27000, s0  }
0x1a: {  	v0 =	vimm.f32 $0.0e+00;
	s1 =	simm.s32 $0x1;
	[dreg:$0x9] =	wrdreg s0;
	s0 =	simm.s32 $0x6800  }
.LBB2_1:
0x1b: {  	s12 =	simm.s32 $0x0  }
0x1c: {  	s10 =	sand.u32 $0x7E00, s12  }
0x1d: {  	s12 =	sand.u32 $0x70, s12;
	s13 =	sshrl.u32 s10, $0x2  }
0x1e: {  	s10 =	simm.s32 $0x40;
	s13 =	sor.u32 s12, s13;
	s12 =	simm.s32 $0x0  }
.LBB2_2:
0x1f: {  	p1 =	sne.s32 s10, $0x5FC0  }
0x20: {  	[tilespmem:s13+$0xA800] =	vst v0;
	s12 =	sadd.s32 $0x10, s12;
	s13 =	smov.u32 s10;
	s10 =	sadd.s32 $0x40, s10  }
.Ltmp0:
0x21: {  	(pc) =	sbr.rel @p1 .LBB2_2-.Ltmp0, $4  }
0x22: {  	_ = 	snop  }
0x23: {  	s13 =	sand.u32 $0x7E00, s13  }
0x24: {  	s14 =	sand.u32 $0x70, s12;
	s13 =	sshrl.u32 s13, $0x2  }
0x25: {  	s13 =	sor.u32 s14, s13  }
0x26: {  	[tilespmem:s13+$0xA800] =	vst v0  }
0x27: {  	[spmem:s11] =	stream.linear.scatter [tilespmem:s26], [sflag:$0x3], $0x1800, $0x38;
	[tilespmem:$0x1F880] =	vst v63  }
0x28: {  	_ =	swait.ge [sflag:s28], $0x1800  }
0x29: {  	[sflag:s28] =	ssyncset.done $0x0  }
0x2a: {  	s10 =	rddreg [dreg:$0xb];
	[sflag:s28] =	ssyncadd.s32 $0xFFFFE800  }
0x2b: {  	[spmem:s10] =	stream.linear.scatter [tilespmem:s26], [sflag:$0x3], $0x1800, $0x38;
	[tilespmem:$0x1F880] =	vst v63  }
0x2c: {  	_ =	swait.ge [sflag:s28], $0x1800  }
0x2d: {  	[sflag:s28] =	ssyncset.done $0x0  }
0x2e: {  	s13 =	rddreg [dreg:$0xc];
	[sflag:s28] =	ssyncadd.s32 $0xFFFFE800  }
0x2f: {  	[spmem:s13] =	stream.linear.scatter [tilespmem:s26], [sflag:$0x3], $0x1800, $0x38;
	[tilespmem:$0x1F880] =	vst v63  }
0x30: {  	_ =	swait.ge [sflag:s28], $0x1800  }
0x31: {  	[sflag:s28] =	ssyncset.done $0x0  }
0x32: {  	[sflag:s28] =	ssyncadd.s32 $0xFFFFE800  }
0x33: {  	[spmem:s16] =	stream.linear.scatter [tilespmem:s26], [sflag:$0x3], $0x1800, $0x38;
	[tilespmem:$0x1F880] =	vst v63  }
0x34: {  	_ =	swait.ge [sflag:s28], $0x1800  }
0x35: {  	[sflag:s28] =	ssyncset.done $0x0  }
0x36: {  	[sflag:s28] =	ssyncadd.s32 $0xFFFFE800  }
0x37: {  	[spmem:s17] =	stream.linear.scatter [tilespmem:s26], [sflag:$0x3], $0x1800, $0x38;
	[tilespmem:$0x1F880] =	vst v63  }
0x38: {  	_ =	swait.ge [sflag:s28], $0x1800  }
0x39: {  	[sflag:s28] =	ssyncset.done $0x0  }
0x3a: {  	[sflag:s28] =	ssyncadd.s32 $0xFFFFE800  }
0x3b: {  	[spmem:s18] =	stream.linear.scatter [tilespmem:s26], [sflag:$0x3], $0x1800, $0x38;
	[tilespmem:$0x1F880] =	vst v63  }
0x3c: {  	_ =	swait.ge [sflag:s28], $0x1800  }
0x3d: {  	[sflag:s28] =	ssyncset.done $0x0  }
0x3e: {  	[sflag:s28] =	ssyncadd.s32 $0xFFFFE800  }
0x3f: {  	[spmem:s19] =	stream.linear.scatter [tilespmem:s26], [sflag:$0x3], $0x1800, $0x38;
	[tilespmem:$0x1F880] =	vst v63  }
0x40: {  	_ =	swait.ge [sflag:s28], $0x1800  }
0x41: {  	[sflag:s28] =	ssyncset.done $0x0  }
0x42: {  	[sflag:s28] =	ssyncadd.s32 $0xFFFFE800  }
0x43: {  	[spmem:s20] =	stream.linear.scatter [tilespmem:s26], [sflag:$0x3], $0x1800, $0x38;
	[tilespmem:$0x1F880] =	vst v63  }
0x44: {  	_ =	swait.ge [sflag:s28], $0x1800  }
0x45: {  	[sflag:s28] =	ssyncset.done $0x0  }
0x46: {  	[sflag:s28] =	ssyncadd.s32 $0xFFFFE800  }
0x47: {  	[spmem:s21] =	stream.linear.scatter [tilespmem:s26], [sflag:$0x3], $0x1800, $0x38;
	[tilespmem:$0x1F880] =	vst v63  }
0x48: {  	_ =	swait.ge [sflag:s28], $0x1800  }
0x49: {  	[sflag:s28] =	ssyncset.done $0x0  }
0x4a: {  	[sflag:s28] =	ssyncadd.s32 $0xFFFFE800  }
0x4b: {  	[spmem:s22] =	stream.linear.scatter [tilespmem:s26], [sflag:$0x3], $0x1800, $0x38;
	[tilespmem:$0x1F880] =	vst v63  }
0x4c: {  	_ =	swait.ge [sflag:s28], $0x1800  }
0x4d: {  	[sflag:s28] =	ssyncset.done $0x0  }
0x4e: {  	[sflag:s28] =	ssyncadd.s32 $0xFFFFE800  }
0x4f: {  	[spmem:s23] =	stream.linear.scatter [tilespmem:s26], [sflag:$0x3], $0x1800, $0x38;
	[tilespmem:$0x1F880] =	vst v63  }
0x50: {  	_ =	swait.ge [sflag:s28], $0x1800  }
0x51: {  	[sflag:s28] =	ssyncset.done $0x0  }
0x52: {  	[sflag:s28] =	ssyncadd.s32 $0xFFFFE800  }
0x53: {  	[spmem:s24] =	stream.linear.scatter [tilespmem:s26], [sflag:$0x3], $0x1800, $0x38;
	[tilespmem:$0x1F880] =	vst v63  }
0x54: {  	_ =	swait.ge [sflag:s28], $0x1800  }
0x55: {  	[sflag:s28] =	ssyncset.done $0x0  }
0x56: {  	[sflag:s28] =	ssyncadd.s32 $0xFFFFE800  }
0x57: {  	[spmem:s25] =	stream.linear.scatter [tilespmem:s26], [sflag:$0x3], $0x1800, $0x38;
	[tilespmem:$0x1F880] =	vst v63  }
0x58: {  	_ =	swait.ge [sflag:s28], $0x1800  }
0x59: {  	[sflag:s28] =	ssyncset.done $0x0  }
0x5a: {  	s10 =	simm.s32 @!p0 $0xA800;
	[sflag:s28] =	ssyncadd.s32 $0xFFFFE800  }
0x5b: {  	[spmem:s5] =	stream.linear.scatter @!p0 [tilespmem:s10], [sflag:$0x3], $0x800, $0x38;
	[tilespmem:$0x1F880] =	vst v63  }
0x5c: {  	s10 =	simm.s32 @!p0 $0x3  }
0x5d: {  	_ =	swait.ge @!p0 [sflag:s10], $0x800  }
0x5e: {  	[sflag:s10] =	ssyncset.done @!p0 $0x0  }
0x5f: {  	[sflag:s10] =	ssyncadd.s32 @!p0 $0xFFFFF800  }
0x60: {  	[bflag:$0x0] =	sbarrier.arrive $0xFFFF  }
0x61: {  	s14 =	simm.s32 $0x0;
	s12 =	rddreg [dreg:$0x4]  }
0x62: {  	[tilespmem:s14], [sflag:$0x3] =	stream.linear.gather [hbm4b:s12+s14], $0x1400, $0x38;
	[tilespmem:$0x1F880] =	vst v63  }
0x63: {  	_ =	swait.ge [sflag:s28], $0x1400  }
0x64: {  	[sflag:s28] =	ssyncset.done $0x0  }
0x65: {  	s15 =	rddreg [dreg:$0x5];
	[sflag:s28] =	ssyncadd.s32 $0xFFFFEC00  }
0x66: {  	[tilespmem:s29], [sflag:$0x3] =	stream.linear.gather [hbm4b:s15+s14], $0x1400, $0x38;
	[tilespmem:$0x1F880] =	vst v63  }
0x67: {  	_ =	swait.ge [sflag:s28], $0x1400  }
0x68: {  	[sflag:s28] =	ssyncset.done $0x0  }
0x69: {  	[sflag:s28] =	ssyncadd.s32 $0xFFFFEC00  }
0x6a: {  	[tilespmem:s31], [sflag:$0x1] =	stream.indirect.gather [hbm4b:s4+s30], $0x80, s14, s30, $0xb8;
	[tilespmem:$0x1F880] =	vst v63  }
0x6b: {  	s12 =	simm.s32 $0x80  }
0x6c: {  	[tilespmem:s0], [sflag:$0x2] =	stream.indirect.gather [hbm4b:s4+s30], $0x80, s12, s30, $0xb8;
	[tilespmem:$0x1F880] =	vst v63  }
0x6d: {  	_ =	swait.ge [sflag:s1], $0x3E80  }
0x6e: {  	[sflag:s1] =	ssyncset.done $0x0  }
0x6f: {  	s13 =	simm.s32 $0x1400;
	[sflag:s1] =	ssyncadd.s32 $0xFFFFC180  }
0x70: {  	[spmem:s2] =	stream.indirect.scatter.add.f32 [tilespmem:s31], [sflag:$0x3], $0x80, s13, s30, $0xb8;
	[tilespmem:$0x1F880] =	vst v63  }
0x71: {  	_ =	swait.ge [sflag:s28], $0x3E80  }
0x72: {  	[sflag:s28] =	ssyncset.done $0x0  }
0x73: {  	s14 =	simm.s32 $0x100;
	[sflag:s28] =	ssyncadd.s32 $0xFFFFC180  }
0x74: {  	[tilespmem:s31], [sflag:$0x1] =	stream.indirect.gather [hbm4b:s4+s30], $0x80, s14, s30, $0xb8;
	[tilespmem:$0x1F880] =	vst v63  }
0x75: {  	_ =	swait.ge [sflag:s3], $0x3E80  }
0x76: {  	[sflag:s3] =	ssyncset.done $0x0  }
0x77: {  	s15 =	simm.s32 $0x1480;
	[sflag:s3] =	ssyncadd.s32 $0xFFFFC180  }
0x78: {  	[spmem:s2] =	stream.indirect.scatter.add.f32 [tilespmem:s0], [sflag:$0x3], $0x80, s15, s30, $0xb8;
	[tilespmem:$0x1F880] =	vst v63  }
0x79: {  	_ =	swait.ge [sflag:s28], $0x3E80  }
0x7a: {  	s10 =	simm.s32 $0x100;
	s12 =	simm.s32 $0x800;
	[sflag:s28] =	ssyncset.done $0x0  }
.LBB2_4:
0x7b: {  	s13 =	sadd.s32 $0x80, s10  }
0x7c: {  	[sflag:s28] =	ssyncadd.s32 $0xFFFFC180;
	s14 =	smov.u32 s12;
	s15 =	sadd.s32 $0x400, s12  }
0x7d: {  	[tilespmem:s0], [sflag:$0x2] =	stream.indirect.gather [hbm4b:s4+s30], $0x80, s13, s30, $0xb8;
	[tilespmem:$0x1F880] =	vst v63  }
0x7e: {  	p1 =	sne.s32 s12, $0x4800;
	_ =	swait.ge [sflag:s1], $0x3E80  }
0x7f: {  	[sflag:s1] =	ssyncset.done $0x0  }
0x80: {  	s12 =	sadd.s32 $0x1400, s10;
	[sflag:s1] =	ssyncadd.s32 $0xFFFFC180  }
0x81: {  	[spmem:s2] =	stream.indirect.scatter.add.f32 [tilespmem:s31], [sflag:$0x3], $0x80, s12, s30, $0xb8;
	[tilespmem:$0x1F880] =	vst v63  }
0x82: {  	_ =	swait.ge [sflag:s28], $0x3E80  }
0x83: {  	[sflag:s28] =	ssyncset.done $0x0  }
0x84: {  	s12 =	sadd.s32 $0x100, s10;
	[sflag:s28] =	ssyncadd.s32 $0xFFFFC180  }
0x85: {  	[tilespmem:s31], [sflag:$0x1] =	stream.indirect.gather [hbm4b:s4+s30], $0x80, s12, s30, $0xb8;
	[tilespmem:$0x1F880] =	vst v63  }
0x86: {  	_ =	swait.ge [sflag:s3], $0x3E80  }
.Ltmp1:
0x87: {  	[sflag:s3] =	ssyncset.done $0x0;
	(pc) =	sbr.rel @p1 .LBB2_4-.Ltmp1, $4  }
0x88: {  	s10 =	sadd.s32 $0x1480, s10;
	[sflag:s3] =	ssyncadd.s32 $0xFFFFC180  }
0x89: {  	[spmem:s2] =	stream.indirect.scatter.add.f32 [tilespmem:s0], [sflag:$0x3], $0x80, s10, s30, $0xb8;
	[tilespmem:$0x1F880] =	vst v63  }
0x8a: {  	_ =	swait.ge [sflag:s28], $0x3E80  }
0x8b: {  	s12 =	smov.u32 s15;
	s10 =	sshra.s32 s14, $0x2;
	[sflag:s28] =	ssyncset.done $0x0  }
0x8c: {  	s12 =	sadd.s32 $0x80, s10;
	[sflag:s28] =	ssyncadd.s32 $0xFFFFC180  }
0x8d: {  	[tilespmem:s0], [sflag:$0x2] =	stream.indirect.gather [hbm4b:s4+s30], $0x80, s12, s30, $0xb8;
	[tilespmem:$0x1F880] =	vst v63  }
0x8e: {  	_ =	swait.ge [sflag:s1], $0x3E80  }
0x8f: {  	[sflag:s1] =	ssyncset.done $0x0  }
0x90: {  	s14 =	sadd.s32 $0x1400, s10;
	[sflag:s1] =	ssyncadd.s32 $0xFFFFC180  }
0x91: {  	[spmem:s2] =	stream.indirect.scatter.add.f32 [tilespmem:s31], [sflag:$0x3], $0x80, s14, s30, $0xb8;
	[tilespmem:$0x1F880] =	vst v63  }
0x92: {  	_ =	swait.ge [sflag:s28], $0x3E80  }
0x93: {  	[sflag:s28] =	ssyncset.done $0x0  }
0x94: {  	s15 =	sadd.s32 $0x100, s10;
	[sflag:s28] =	ssyncadd.s32 $0xFFFFC180  }
0x95: {  	[tilespmem:s31], [sflag:$0x1] =	stream.indirect.gather [hbm4b:s4+s30], $0x80, s15, s30, $0xb8;
	[tilespmem:$0x1F880] =	vst v63  }
0x96: {  	_ =	swait.ge [sflag:s3], $0x3E80  }
0x97: {  	[sflag:s3] =	ssyncset.done $0x0  }
0x98: {  	s12 =	sadd.s32 $0x1480, s10;
	[sflag:s3] =	ssyncadd.s32 $0xFFFFC180  }
0x99: {  	[spmem:s2] =	stream.indirect.scatter.add.f32 [tilespmem:s0], [sflag:$0x3], $0x80, s12, s30, $0xb8;
	[tilespmem:$0x1F880] =	vst v63  }
0x9a: {  	_ =	swait.ge [sflag:s28], $0x3E80  }
0x9b: {  	[sflag:s28] =	ssyncset.done $0x0  }
0x9c: {  	[sflag:s28] =	ssyncadd.s32 $0xFFFFC180  }
0x9d: {  	[tilespmem:s0], [sflag:$0x2] =	stream.indirect.gather [hbm4b:s4+s30], $0x80, s6, s30, $0xb8;
	[tilespmem:$0x1F880] =	vst v63  }
0x9e: {  	_ =	swait.ge [sflag:s1], $0x3E80  }
0x9f: {  	[sflag:s1] =	ssyncset.done $0x0  }
0xa0: {  	[sflag:s1] =	ssyncadd.s32 $0xFFFFC180  }
0xa1: {  	[spmem:s2] =	stream.indirect.scatter.add.f32 [tilespmem:s31], [sflag:$0x3], $0x80, s7, s30, $0xb8;
	[tilespmem:$0x1F880] =	vst v63  }
0xa2: {  	_ =	swait.ge [sflag:s28], $0x3E80  }
0xa3: {  	[sflag:s28] =	ssyncset.done $0x0  }
0xa4: {  	[sflag:s28] =	ssyncadd.s32 $0xFFFFC180  }
0xa5: {  	_ =	swait.ge [sflag:s3], $0x3E80  }
0xa6: {  	[sflag:s3] =	ssyncset.done $0x0  }
0xa7: {  	[sflag:s3] =	ssyncadd.s32 $0xFFFFC180  }
0xa8: {  	[spmem:s2] =	stream.indirect.scatter.add.f32 [tilespmem:s0], [sflag:$0x3], $0x80, s8, s30, $0xb8;
	[tilespmem:$0x1F880] =	vst v63  }
0xa9: {  	_ =	swait.ge [sflag:s28], $0x3E80  }
0xaa: {  	[sflag:s28] =	ssyncset.done $0x0  }
0xab: {  	s13 =	simm.s32 $0x0;
	s14 =	rddreg [dreg:$0x6];
	[sflag:s28] =	ssyncadd.s32 $0xFFFFC180  }
0xac: {  	[tilespmem:s13], [sflag:$0x3] =	stream.linear.gather [hbm4b:s14+s13], $0x1400, $0x38;
	[tilespmem:$0x1F880] =	vst v63  }
0xad: {  	_ =	swait.ge [sflag:s28], $0x1400  }
0xae: {  	[sflag:s28] =	ssyncset.done $0x0  }
0xaf: {  	s15 =	rddreg [dreg:$0x7];
	[sflag:s28] =	ssyncadd.s32 $0xFFFFEC00  }
0xb0: {  	[tilespmem:s29], [sflag:$0x3] =	stream.linear.gather [hbm4b:s15+s13], $0x1400, $0x38;
	[tilespmem:$0x1F880] =	vst v63  }
0xb1: {  	_ =	swait.ge [sflag:s28], $0x1400  }
0xb2: {  	[sflag:s28] =	ssyncset.done $0x0  }
0xb3: {  	[sflag:s28] =	ssyncadd.s32 $0xFFFFEC00  }
0xb4: {  	[tilespmem:s31], [sflag:$0x1] =	stream.indirect.gather [hbm4b:s4+s30], $0x80, s13, s30, $0xb8;
	[tilespmem:$0x1F880] =	vst v63  }
0xb5: {  	s12 =	simm.s32 $0x80  }
0xb6: {  	[tilespmem:s0], [sflag:$0x2] =	stream.indirect.gather [hbm4b:s4+s30], $0x80, s12, s30, $0xb8;
	[tilespmem:$0x1F880] =	vst v63  }
0xb7: {  	_ =	swait.ge [sflag:s1], $0x3E80  }
0xb8: {  	[sflag:s1] =	ssyncset.done $0x0  }
0xb9: {  	s13 =	simm.s32 $0x1400;
	[sflag:s1] =	ssyncadd.s32 $0xFFFFC180  }
0xba: {  	[spmem:s2] =	stream.indirect.scatter.add.f32 [tilespmem:s31], [sflag:$0x3], $0x80, s13, s30, $0xb8;
	[tilespmem:$0x1F880] =	vst v63  }
0xbb: {  	_ =	swait.ge [sflag:s28], $0x3E80  }
0xbc: {  	[sflag:s28] =	ssyncset.done $0x0  }
0xbd: {  	s14 =	simm.s32 $0x100;
	[sflag:s28] =	ssyncadd.s32 $0xFFFFC180  }
0xbe: {  	[tilespmem:s31], [sflag:$0x1] =	stream.indirect.gather [hbm4b:s4+s30], $0x80, s14, s30, $0xb8;
	[tilespmem:$0x1F880] =	vst v63  }
0xbf: {  	_ =	swait.ge [sflag:s3], $0x3E80  }
0xc0: {  	[sflag:s3] =	ssyncset.done $0x0  }
0xc1: {  	s15 =	simm.s32 $0x1480;
	[sflag:s3] =	ssyncadd.s32 $0xFFFFC180  }
0xc2: {  	[spmem:s2] =	stream.indirect.scatter.add.f32 [tilespmem:s0], [sflag:$0x3], $0x80, s15, s30, $0xb8;
	[tilespmem:$0x1F880] =	vst v63  }
0xc3: {  	_ =	swait.ge [sflag:s28], $0x3E80  }
0xc4: {  	s10 =	simm.s32 $0x100;
	s12 =	simm.s32 $0x800;
	[sflag:s28] =	ssyncset.done $0x0  }
.LBB2_6:
0xc5: {  	s13 =	sadd.s32 $0x80, s10  }
0xc6: {  	[sflag:s28] =	ssyncadd.s32 $0xFFFFC180;
	s14 =	smov.u32 s12;
	s15 =	sadd.s32 $0x400, s12  }
0xc7: {  	[tilespmem:s0], [sflag:$0x2] =	stream.indirect.gather [hbm4b:s4+s30], $0x80, s13, s30, $0xb8;
	[tilespmem:$0x1F880] =	vst v63  }
0xc8: {  	p1 =	sne.s32 s12, $0x4800;
	_ =	swait.ge [sflag:s1], $0x3E80  }
0xc9: {  	[sflag:s1] =	ssyncset.done $0x0  }
0xca: {  	s12 =	sadd.s32 $0x1400, s10;
	[sflag:s1] =	ssyncadd.s32 $0xFFFFC180  }
0xcb: {  	[spmem:s2] =	stream.indirect.scatter.add.f32 [tilespmem:s31], [sflag:$0x3], $0x80, s12, s30, $0xb8;
	[tilespmem:$0x1F880] =	vst v63  }
0xcc: {  	_ =	swait.ge [sflag:s28], $0x3E80  }
0xcd: {  	[sflag:s28] =	ssyncset.done $0x0  }
0xce: {  	s12 =	sadd.s32 $0x100, s10;
	[sflag:s28] =	ssyncadd.s32 $0xFFFFC180  }
0xcf: {  	[tilespmem:s31], [sflag:$0x1] =	stream.indirect.gather [hbm4b:s4+s30], $0x80, s12, s30, $0xb8;
	[tilespmem:$0x1F880] =	vst v63  }
0xd0: {  	_ =	swait.ge [sflag:s3], $0x3E80  }
.Ltmp2:
0xd1: {  	[sflag:s3] =	ssyncset.done $0x0;
	(pc) =	sbr.rel @p1 .LBB2_6-.Ltmp2, $4  }
0xd2: {  	s10 =	sadd.s32 $0x1480, s10;
	[sflag:s3] =	ssyncadd.s32 $0xFFFFC180  }
0xd3: {  	[spmem:s2] =	stream.indirect.scatter.add.f32 [tilespmem:s0], [sflag:$0x3], $0x80, s10, s30, $0xb8;
	[tilespmem:$0x1F880] =	vst v63  }
0xd4: {  	_ =	swait.ge [sflag:s28], $0x3E80  }
0xd5: {  	s12 =	smov.u32 s15;
	s10 =	sshra.s32 s14, $0x2;
	[sflag:s28] =	ssyncset.done $0x0  }
0xd6: {  	s12 =	sadd.s32 $0x80, s10;
	[sflag:s28] =	ssyncadd.s32 $0xFFFFC180  }
0xd7: {  	[tilespmem:s0], [sflag:$0x2] =	stream.indirect.gather [hbm4b:s4+s30], $0x80, s12, s30, $0xb8;
	[tilespmem:$0x1F880] =	vst v63  }
0xd8: {  	_ =	swait.ge [sflag:s1], $0x3E80  }
0xd9: {  	[sflag:s1] =	ssyncset.done $0x0  }
0xda: {  	s14 =	sadd.s32 $0x1400, s10;
	[sflag:s1] =	ssyncadd.s32 $0xFFFFC180  }
0xdb: {  	[spmem:s2] =	stream.indirect.scatter.add.f32 [tilespmem:s31], [sflag:$0x3], $0x80, s14, s30, $0xb8;
	[tilespmem:$0x1F880] =	vst v63  }
0xdc: {  	_ =	swait.ge [sflag:s28], $0x3E80  }
0xdd: {  	[sflag:s28] =	ssyncset.done $0x0  }
0xde: {  	s15 =	sadd.s32 $0x100, s10;
	[sflag:s28] =	ssyncadd.s32 $0xFFFFC180  }
0xdf: {  	[tilespmem:s31], [sflag:$0x1] =	stream.indirect.gather [hbm4b:s4+s30], $0x80, s15, s30, $0xb8;
	[tilespmem:$0x1F880] =	vst v63  }
0xe0: {  	_ =	swait.ge [sflag:s3], $0x3E80  }
0xe1: {  	[sflag:s3] =	ssyncset.done $0x0  }
0xe2: {  	s12 =	sadd.s32 $0x1480, s10;
	[sflag:s3] =	ssyncadd.s32 $0xFFFFC180  }
0xe3: {  	[spmem:s2] =	stream.indirect.scatter.add.f32 [tilespmem:s0], [sflag:$0x3], $0x80, s12, s30, $0xb8;
	[tilespmem:$0x1F880] =	vst v63  }
0xe4: {  	_ =	swait.ge [sflag:s28], $0x3E80  }
0xe5: {  	[sflag:s28] =	ssyncset.done $0x0  }
0xe6: {  	[sflag:s28] =	ssyncadd.s32 $0xFFFFC180  }
0xe7: {  	[tilespmem:s0], [sflag:$0x2] =	stream.indirect.gather [hbm4b:s4+s30], $0x80, s6, s30, $0xb8;
	[tilespmem:$0x1F880] =	vst v63  }
0xe8: {  	_ =	swait.ge [sflag:s1], $0x3E80  }
0xe9: {  	[sflag:s1] =	ssyncset.done $0x0  }
0xea: {  	[sflag:s1] =	ssyncadd.s32 $0xFFFFC180  }
0xeb: {  	[spmem:s2] =	stream.indirect.scatter.add.f32 [tilespmem:s31], [sflag:$0x3], $0x80, s7, s30, $0xb8;
	[tilespmem:$0x1F880] =	vst v63  }
0xec: {  	_ =	swait.ge [sflag:s28], $0x3E80  }
0xed: {  	[sflag:s28] =	ssyncset.done $0x0  }
0xee: {  	[sflag:s28] =	ssyncadd.s32 $0xFFFFC180  }
0xef: {  	_ =	swait.ge [sflag:s3], $0x3E80  }
0xf0: {  	[sflag:s3] =	ssyncset.done $0x0  }
0xf1: {  	[sflag:s3] =	ssyncadd.s32 $0xFFFFC180  }
0xf2: {  	[spmem:s2] =	stream.indirect.scatter.add.f32 [tilespmem:s0], [sflag:$0x3], $0x80, s8, s30, $0xb8;
	[tilespmem:$0x1F880] =	vst v63  }
0xf3: {  	_ =	swait.ge [sflag:s28], $0x3E80  }
0xf4: {  	[sflag:s28] =	ssyncset.done $0x0  }
0xf5: {  	s13 =	stileid.u32;
	[sflag:s28] =	ssyncadd.s32 $0xFFFFC180  }
0xf6: {  	s10 =	sshll.u32 s13, $0x6;
	[bflag:$0x0] =	sbarrier.arrive $0xFFFF  }
0xf7: {  	s10 =	sor.u32 $0x1C03, s10;
	s14 =	sshrl.u32 s11, $0x3;
	s13 =	rddreg [dreg:$0x8]  }
0xf8: {  	[hbm:s13], [sflag:s10] =	dma.local [spmem:s14], $0x2700  }
0xf9: {  	_ =	swait.ge [sflag:s28], $0x2700  }
0xfa: {  	[sflag:s28] =	ssyncset.done $0x0  }
0xfb: {  	s12 =	sshrl.u32 @!p0 s5, $0x3;
	s13 =	rddreg [dreg:$0x9];
	[sflag:s28] =	ssyncadd.s32 $0xFFFFD900  }
0xfc: {  	[hbm:s13], [sflag:s10] =	dma.local @!p0 [spmem:s12], $0x100  }
0xfd: {  	s10 =	simm.s32 @!p0 $0x3  }
0xfe: {  	_ =	swait.ge @!p0 [sflag:s10], $0x100  }
0xff: {  	s9 =	sadd.s32 $0x1, s9;
	s15 =	rddreg [dreg:$0xa]  }
0x100: {  	p1 =	sne.s32 s9, s15  }
.Ltmp3:
0x101: {  	_ = 	snop;
	(pc) =	sbr.rel @p1 .LBB2_1-.Ltmp3, $3  }
0x102: {  	_ =	sdelay $0x1  }
0x103: {  	[sflag:s10] =	ssyncset.done @!p0 $0x0  }
0x104: {  	[sflag:s10] =	ssyncadd.s32 @!p0 $0xFFFFFF00  }
0x105: {  	_ =	sfence.sel $0x180000  }
0x106: {  	[bflag:$0x0] =	sbarrier.arrive $0xFFFF  }
0x107: {  	_ =	strace $0x9000004D  }
0x108: {  	s0 =	stileid.u32;
	[bflag:$0x2] =	sbarrier.arrive $0xFFFF  }
0x109: {  	p0 =	sne.s32 s0, $0x0;
	s0 =	rddreg [dreg:$0x3]  }
0x10a: {  	s0 =	sadd.s32 @!p0 $0x100000, s0  }
0x10b: {  	[sflag:s0] =	ssyncadd.tile.s32 @!p0 $0x1;
	_ =	shalt  }
.Lfunc_end2:
_tile_overlayer_lowered:
.L_overlay_start_2:
0x10c: {  	(tag) =	ssettag $0x2  }
0x10d: {  	s0 =	rddreg [dreg:$0x0];
	s2 =	stileid.u32  }
0x10e: {  	s1 =	rddreg [dreg:$0x1];
	p0 =	sne.s32 s2, $0x0  }
0x10f: {  	s3 =	rddreg [dreg:$0x2];
	[bflag:$0x3] =	sbarrier.arrive $0xFFFF;
	s2 =	simm.s32 @!p0 $0x1C03  }
0x110: {  	[timem:s3], [sflag:s2] =	dma.local @!p0 [hbm:s0], s1  }
0x111: {  	s0 =	simm.s32 @!p0 $0x3  }
0x112: {  	_ =	swait.ge @!p0 [sflag:s0], s1  }
0x113: {  	s1 =	ssub.s32 @!p0 $0x0, s1;
	[sflag:s0] =	ssyncset.done @!p0 $0x0  }
0x114: {  	[sflag:s0] =	ssyncadd.s32 @!p0 s1  }
0x115: {  	[bflag:$0x3] =	sbarrier.arrive $0xFFFF  }
0x116: {  	_ =	shalt  }

// kernel: kernel.19.cloned.1.call-start
scs
__scs_entry_jumppad:
0x0: {  	(pc) =	sbr.rel $0x88, $3  }
0x1: {  	(tag) =	ssettag $0x0;
	lr =	simm.s32 $0x1  }
0x2: {  	[smem:$0x3F97] =	sst lr;
	_ =	strace $0xD0000000  }
0x3: {  	_ = 	snop  }
0x4: {  	_ = 	snop  }
0x5: {  	_ = 	snop  }
0x6: {  	_ = 	snop  }
0x7: {  	_ = 	snop  }
__scs_overlays_trampoline_lowered:
0x8: {  	[smem:$0x3FA6] =	sst s0  }
0x9: {  	[smem:$0x3FA7] =	sst s1  }
0xa: {  	[smem:$0x3FA8] =	sst s2  }
0xb: {  	[smem:$0x3FA9] =	sst s3  }
0xc: {  	[smem:$0x3FAA] =	sst s4  }
0xd: {  	[smem:$0x3FAB] =	sst s5  }
0xe: {  	[smem:$0x3FAC] =	sst s6  }
0xf: {  	[smem:$0x3FAD] =	sst s7  }
0x10: {  	[smem:$0x3FAE] =	sst s8  }
0x11: {  	[smem:$0x3FAF] =	sst s9;
	s0 =	simm.s32 @!p0 $0x0  }
0x12: {  	s1 =	sld [smem:$0x3F95];
	s0 =	simm.s32 @p0 $0x1  }
0x13: {  	[smem:$0x3FB0] =	sst s0;
	s0 =	simm.s32 @!p1 $0x0  }
0x14: {  	s2 =	sld [smem:$0x3F94];
	s0 =	simm.s32 @p1 $0x1  }
0x15: {  	[smem:$0x3FB1] =	sst s0;
	s0 =	simm.s32 @!p2 $0x0  }
0x16: {  	s3 =	sld [smem:$0x3FDB];
	s0 =	simm.s32 @p2 $0x1  }
0x17: {  	s4 =	simm.s32 $0x1BF5;
	[smem:$0x3FB3] =	sst s0  }
0x18: {  	s0 =	sld [smem:$0x3F96];
	_ =	swait.ge [sflag:s4], $0x0  }
0x19: {  	s7 =	sld [smem:$0x3F97]  }
0x1a: {  	s8 =	sadd.s32 $0xFFFFE003, lr  }
0x1b: {  	s9 =	sadd.s32 $0xFFFFFEF7, lr;
	s5 =	simm.s32 $0xFFFFFFFF;
	p2 =	slt.u32 s8, $0xFFFFF086  }
0x1c: {  	p1 =	slt.u32 s9, $0xF7A;
	s5 =	simm.s32 @!p2 $0x0  }
0x1d: {  	s5 =	simm.s32 @p1 $0x1;
	p0 =	seq.s32 s7, s2  }
0x1e: {  	s7 =	smul.u32 @!p0 $0xF7A, s2;
	p2 =	seq.s32 @!p0 s5, $0x0  }
0x1f: {  	s9 =	smul.u32 $0xF7A, s1;
	s8 =	simm.s32 @!p0 $0x1BF5;
	p2 =	por !p2, p0  }
0x20: {  	[sflag:s8] =	ssyncset.s32 @!p0 $0xFFFFF086;
	s6 =	sadd.s32 @!p0 s3, s7;
	s7 =	simm.s32 @!p0 $0x108  }
0x21: {  	s3 =	sadd.s32 s3, s9;
	s6 =	sadd.s32 @!p0 $0x88, s6;
	s7 =	simm.s32 @p2 $0x1082  }
0x22: {  	[simem:s7], [sflag:s8] =	dma.local @!p0 [hbm:s6], $0xF7A  }
0x23: {  	s9 =	sor.u32 $0xD0000000, s2;
	s6 =	simm.s32 $0x108;
	_ =	swait.ge @!p0 [sflag:s8], $0x0  }
0x24: {  	s3 =	sadd.s32 $0x88, s3;
	s6 =	simm.s32 @!p1 $0x1082;
	[sflag:s4] =	ssyncset.s32 $0xFFFFF086  }
0x25: {  	[simem:s6], [sflag:s4] =	dma.local [hbm:s3], $0xF7A  }
0x26: {  	[smem:$0x3F97] =	sst s1;
	(tag) =	ssettag s2;
	_ =	strace s9  }
0x27: {  	s1 =	sld [smem:$0x3FA7]  }
0x28: {  	s2 =	sld [smem:$0x3FA8]  }
0x29: {  	s4 =	sld [smem:$0x3FAA]  }
0x2a: {  	p0 =	seq.s32 s5, $0x0;
	s5 =	sld [smem:$0x3FAB]  }
0x2b: {  	s6 =	sld [smem:$0x3FAC]  }
0x2c: {  	s7 =	sld [smem:$0x3FAD]  }
0x2d: {  	s3 =	simm.s32 $0x108;
	s8 =	sld [smem:$0x3FAE]  }
0x2e: {  	s3 =	simm.s32 @!p0 $0x1082;
	s9 =	sld [smem:$0x3FAF]  }
0x2f: {  	lr =	sadd.s32 s0, s3;
	s0 =	sld [smem:$0x3FA6]  }
0x30: {  	s3 =	sld [smem:$0x3FA9]  }
0x31: {  	[smem:$0x3FB2] =	sst s10  }
0x32: {  	s10 =	sld [smem:$0x3FB0];
	_ =	sdelay $0x3  }
0x33: {  	p0 =	seq.s32 s10, $0x1;
	s10 =	sld [smem:$0x3FB2];
	_ =	sdelay $0x3  }
0x34: {  	[smem:$0x3FB2] =	sst s10  }
0x35: {  	s10 =	sld [smem:$0x3FB1];
	_ =	sdelay $0x3  }
0x36: {  	p1 =	seq.s32 s10, $0x1;
	s10 =	sld [smem:$0x3FB2];
	_ =	sdelay $0x3  }
0x37: {  	[smem:$0x3FB2] =	sst s10  }
0x38: {  	s10 =	sld [smem:$0x3FB3]  }
0x39: {  	_ = 	snop;
	(pc) =	sbr.ind lr, $3  }
0x3a: {  	_ = 	snop  }
0x3b: {  	_ = 	snop  }
0x3c: {  	p2 =	seq.s32 s10, $0x1;
	s10 =	sld [smem:$0x3FB2]  }
0x3d: {  	_ =	shalt  }
0x3e: {  	_ =	shalt  }
0x3f: {  	_ =	shalt  }
0x40: {  	_ =	shalt  }
0x41: {  	_ =	shalt  }
0x42: {  	_ =	shalt  }
0x43: {  	_ =	shalt  }
0x44: {  	_ =	shalt  }
0x45: {  	_ =	shalt  }
0x46: {  	_ =	shalt  }
0x47: {  	_ =	shalt  }
0x48: {  	_ =	shalt  }
0x49: {  	_ =	shalt  }
0x4a: {  	_ =	shalt  }
0x4b: {  	_ =	shalt  }
0x4c: {  	_ =	shalt  }
0x4d: {  	_ =	shalt  }
0x4e: {  	_ =	shalt  }
0x4f: {  	_ =	shalt  }
0x50: {  	_ =	shalt  }
0x51: {  	_ =	shalt  }
0x52: {  	_ =	shalt  }
0x53: {  	_ =	shalt  }
0x54: {  	_ =	shalt  }
0x55: {  	_ =	shalt  }
0x56: {  	_ =	shalt  }
0x57: {  	_ =	shalt  }
0x58: {  	_ =	shalt  }
0x59: {  	_ =	shalt  }
0x5a: {  	_ =	shalt  }
0x5b: {  	_ =	shalt  }
0x5c: {  	_ =	shalt  }
0x5d: {  	_ =	shalt  }
0x5e: {  	_ =	shalt  }
0x5f: {  	_ =	shalt  }
0x60: {  	_ =	shalt  }
0x61: {  	_ =	shalt  }
0x62: {  	_ =	shalt  }
0x63: {  	_ =	shalt  }
0x64: {  	_ =	shalt  }
0x65: {  	_ =	shalt  }
0x66: {  	_ =	shalt  }
0x67: {  	_ =	shalt  }
0x68: {  	_ =	shalt  }
0x69: {  	_ =	shalt  }
0x6a: {  	_ =	shalt  }
0x6b: {  	_ =	shalt  }
0x6c: {  	_ =	shalt  }
0x6d: {  	_ =	shalt  }
0x6e: {  	_ =	shalt  }
0x6f: {  	_ =	shalt  }
0x70: {  	_ =	shalt  }
0x71: {  	_ =	shalt  }
0x72: {  	_ =	shalt  }
0x73: {  	_ =	shalt  }
0x74: {  	_ =	shalt  }
0x75: {  	_ =	shalt  }
0x76: {  	_ =	shalt  }
0x77: {  	_ =	shalt  }
0x78: {  	_ =	shalt  }
0x79: {  	_ =	shalt  }
0x7a: {  	_ =	shalt  }
0x7b: {  	_ =	shalt  }
0x7c: {  	_ =	shalt  }
0x7d: {  	_ =	shalt  }
0x7e: {  	_ =	shalt  }
0x7f: {  	_ =	shalt  }
0x80: {  	_ =	shalt  }
0x81: {  	_ =	shalt  }
0x82: {  	_ =	shalt  }
0x83: {  	_ =	shalt  }
0x84: {  	_ =	shalt  }
0x85: {  	_ =	shalt  }
0x86: {  	_ =	shalt  }
0x87: {  	_ =	shalt  }
.Lfunc_end0:
.L_simem_size_0:
called_computation.3_lowered:
.L_overlay_start_0:
0x88: {  	s2 =	sld [smem:$0x3FD9]  }
0x89: {  	s3 =	sld [smem:$0x3FFE];
	_ =	sdelay $0x1  }
0x8a: {  	s1 =	srdreg.scid  }
0x8b: {  	s0 =	sand.u32 $0x1, s1  }
0x8c: {  	s17 =	sshll.u32 s0, $0xA;
	s2 =	sadd.s32 s3, s2  }
0x8d: {  	s2 =	sadd.s32 s2, s17  }
0x8e: {  	[smem:$0x3FBE] =	sst s2  }
0x8f: {  	_ = 	snop  }
0x90: {  	s2 =	sld [smem:$0x3FD0];
	(tm) =	ssettm $0x1  }
0x91: {  	s18 =	sld [smem:$0x3FFB];
	_ =	sdelay $0x3  }
0x92: {  	_ =	strace s18  }
0x93: {  	s3 =	sld [smem:$0x3FFC];
	_ =	sdelay $0x3  }
0x94: {  	_ =	strace s3  }
0x95: {  	s3 =	sld [smem:$0x3FFD];
	_ =	sdelay $0x3  }
0x96: {  	_ =	strace s3  }
0x97: {  	_ =	strace $0x8FFFFFFF  }
0x98: {  	s19 =	sld [smem:$0x3FDB];
	_ =	sdelay $0x1  }
0x99: {  	s4 =	simm.s32 $_scs_section_size  }
0x9a: {  	s5 =	simm.s32 $_size__tile_overlayer_lowered;
	s6 =	simm.s32 $_tile_overlayer_lowered  }
0x9b: {  	s22 =	simm.s32 $0x1BFF;
	s21 =	sshll.u32 s6, $0x1;
	s3 =	sadd.s32 s4, s19  }
0x9c: {  	s7 =	simm.s32 $0x0;
	s20 =	sshll.u32 s5, $0x1;
	s5 =	sadd.s32 s21, s3  }
0x9d: {  	[timem:s7], [sflag:s22] =	dma.local [hbm:s5], s20  }
0x9e: {  	_ =	swait.ge [sflag:s22], s20  }
0x9f: {  	s4 =	ssub.s32 $0x0, s20;
	[sflag:s22] =	ssyncset.done $0x0  }
0xa0: {  	[sflag:s22] =	ssyncadd.s32 s4;
	_ =	sdelay $0x1  }
0xa1: {  	s23 =	simm.s32 $0x1B8B  }
0xa2: {  	_ =	swait.ge [sflag:s23], $0x1  }
0xa3: {  	[sflag:s23] =	ssyncset.done $0x0  }
0xa4: {  	s25 =	simm.s32 $0x1B8E;
	s24 =	sld [smem:$0x3FFE];
	[sflag:s23] =	ssyncadd.s32 $0xFFFFFFFF  }
0xa5: {  	s26 =	simm.s32 $execute0_lowered;
	[smem:$0x3FD2] =	sst s25  }
0xa6: {  	s5 =	sshll.u32 s26, $0x1;
	_ =	strace $0x8000004F;
	[dreg:$0x1] =	wrdreg $0xFFFFFFFF  }
0xa7: {  	s28 =	simm.s32 $_size_execute0_lowered;
	s3 =	sadd.s32 s3, s5;
	[dreg:$0x0] =	wrdreg $0x0  }
0xa8: {  	s5 =	sshll.u32 s28, $0x1;
	[dreg:$0x2] =	wrdreg s3  }
0xa9: {  	[dreg:$0x3] =	wrdreg s5  }
0xaa: {  	[dreg:$0x4] =	wrdreg $0xC0  }
0xab: {  	_ =	task [dreg:s7], $0x5FFFF  }
0xac: {  	[dreg:$0x1] =	wrdreg $0xFFFFFFFF  }
0xad: {  	[dreg:$0x0] =	wrdreg $0x60  }
0xae: {  	[dreg:$0x2] =	wrdreg s24  }
0xaf: {  	[dreg:$0x3] =	wrdreg s2  }
0xb0: {  	[dreg:$0x4] =	wrdreg $0xC0000  }
0xb1: {  	[dreg:$0x5] =	wrdreg $0x9  }
0xb2: {  	_ =	task.clear_ibuf [dreg:s7], $0x6FFFF;
	_ =	strace $0x9000004F  }
0xb3: {  	s29 =	simm.s32 $0x9;
	_ =	strace $0x80000051  }
0xb4: {  	_ =	swait.ge [sflag:s29], $0x1  }
0xb5: {  	[sflag:s29] =	ssyncadd.s32 $0xFFFFFFFF  }
0xb6: {  	_ =	strace $0x90000051  }
0xb7: {  	_ =	sfence  }
0xb8: {  	s30 =	sld [smem:$0x0];
	_ =	sdelay $0x2  }
0xb9: {  	s31 =	sshll.u32 s1, $0xD;
	s1 =	sshrl.u32 s1, $0x2  }
0xba: {  	s3 =	sand.u32 $0x4000, s31;
	s1 =	sadd.s32 s1, s30  }
0xbb: {  	s0 =	sor.u32 s3, s0;
	s1 =	sshll.u32 s1, $0x11  }
0xbc: {  	s0 =	sor.u32 s1, s0  }
0xbd: {  	s0 =	sadd.s32 $0x8F2B, s0  }
0xbe: {  	[sflag:s0] =	ssyncadd.remote.s32 $0x1  }
0xbf: {  	_ =	sfence.sel $0xFFFF  }
0xc0: {  	[dreg:$0x0] =	wrdreg $0xFFFFFFFF;
	(pc) =	sbr.abs _section_cstart, $3  }
0xc1: {  	[dreg:$0x1] =	wrdreg $0xFFFFFFFF  }
0xc2: {  	_ =	task.clear_ibuf [dreg:s7], $0x2FFFF;
	_ =	strace $0x9FFFFFFF  }
0xc3: {  	(tm) =	ssettm $0x7FFFFFFF  }
tec
execute0_lowered:
.L_overlay_start_1:
0x0: {  	(tag) =	ssettag $0x1  }
0x1: {  	s0 =	rddreg [dreg:$0x0]  }
0x2: {  	s1 =	rddreg [dreg:$0x1]  }
0x3: {  	s2 =	rddreg [dreg:$0x2]  }
0x4: {  	s4 =	simm.s32 $0x0;
	s3 =	srdreg.scid;
	s12 =	stileid.u32  }
0x5: {  	s28 =	simm.s32 $0x3;
	s29 =	simm.s32 $0x1400;
	s30 =	simm.s32 $0x7D  }
0x6: {  	s31 =	simm.s32 $0x2800;
	[smem:$0x7FF] =	sst s4;
	s3 =	sand.u32 $0x1, s3  }
0x7: {  	s5 =	sshll.u32 s12, $0x1;
	s4 =	sadd.s32 $0x3400, s0;
	s19 =	smul.u32 $0x13800, s12  }
0x8: {  	s6 =	sadd.s32 $0x51600, s0;
	s0 =	sadd.s32 $0x5B600, s0;
	s21 =	smul.u32 $0x4E000, s12  }
0x9: {  	s5 =	sor.u32 s3, s5;
	s7 =	ssub.s32 $0x2, s3;
	s3 =	smul.u32 $0x138800, s3  }
0xa: {  	p0 =	sne.s32 s12, $0xF;
	_ =	strace $0x80000050;
	s8 =	smul.u32 $0x500, s5  }
0xb: {  	s9 =	sshrl.u32 s7, $0x1;
	s10 =	smul.u32 $0x2800, s5;
	s5 =	sadd.s32 $0x138000, s2  }
0xc: {  	s23 =	sshrl.u32 s21, $0x2;
	s7 =	ssub.s32 s7, s9;
	s22 =	sadd.s32 s19, s3  }
0xd: {  	s3 =	sshrl.u32 s3, $0x3;
	s11 =	sadd.s32 s23, s2;
	s9 =	simm.s32 $0x0  }
0xe: {  	s17 =	sadd.s32 s6, s8;
	s18 =	sshrl.u32 s10, $0x3;
	s8 =	sadd.s32 s1, s8  }
0xf: {  	s24 =	smax.u32 s7, $0x1;
	s25 =	sadd.s32 $0x1800, s11;
	[dreg:$0x4] =	wrdreg s17  }
0x10: {  	s26 =	sadd.s32 $0x3000, s11;
	s16 =	sadd.s32 $0x4800, s11;
	[dreg:$0x5] =	wrdreg s8  }
0x11: {  	s19 =	sadd.s32 $0x9000, s11;
	s21 =	sadd.s32 $0xC000, s11;
	[dreg:$0xa] =	wrdreg s24  }
0x12: {  	s23 =	sadd.s32 $0xF000, s11;
	s7 =	simm.s32 $0x2700;
	[dreg:$0xb] =	wrdreg s25  }
0x13: {  	s20 =	sadd.s32 $0x280, s18;
	[dreg:$0xc] =	wrdreg s26;
	s17 =	sadd.s32 $0x6000, s11  }
0x14: {  	s18 =	sadd.s32 $0x7800, s11;
	s24 =	sadd.s32 $0x10800, s11;
	s25 =	sadd.s32 $0x12000, s11  }
0x15: {  	s26 =	simm.s32 $0xA800;
	s8 =	simm.s32 $0x2780;
	s6 =	sadd.s32 s6, s20  }
0x16: {  	s1 =	sadd.s32 s1, s20;
	s20 =	sadd.s32 $0xA800, s11;
	[dreg:$0x6] =	wrdreg s6  }
0x17: {  	[dreg:$0x7] =	wrdreg s1;
	s1 =	sshrl.u32 s22, $0x3;
	s22 =	sadd.s32 $0xD800, s11  }
0x18: {  	s6 =	simm.s32 $0x1380;
	s1 =	sadd.s32 s0, s1;
	s0 =	sadd.s32 s0, s3  }
0x19: {  	s3 =	simm.s32 $0x2;
	[dreg:$0x8] =	wrdreg s1;
	s0 =	sadd.s32 $0x27000, s0  }
0x1a: {  	v0 =	vimm.f32 $0.0e+00;
	s1 =	simm.s32 $0x1;
	[dreg:$0x9] =	wrdreg s0;
	s0 =	simm.s32 $0x6800  }
.LBB2_1:
0x1b: {  	s12 =	simm.s32 $0x0  }
0x1c: {  	s10 =	sand.u32 $0x7E00, s12  }
0x1d: {  	s12 =	sand.u32 $0x70, s12;
	s13 =	sshrl.u32 s10, $0x2  }
0x1e: {  	s10 =	simm.s32 $0x40;
	s13 =	sor.u32 s12, s13;
	s12 =	simm.s32 $0x0  }
.LBB2_2:
0x1f: {  	p1 =	sne.s32 s10, $0x5FC0  }
0x20: {  	[tilespmem:s13+$0xA800] =	vst v0;
	s12 =	sadd.s32 $0x10, s12;
	s13 =	smov.u32 s10;
	s10 =	sadd.s32 $0x40, s10  }
.Ltmp0:
0x21: {  	(pc) =	sbr.rel @p1 .LBB2_2-.Ltmp0, $4  }
0x22: {  	_ = 	snop  }
0x23: {  	s13 =	sand.u32 $0x7E00, s13  }
0x24: {  	s14 =	sand.u32 $0x70, s12;
	s13 =	sshrl.u32 s13, $0x2  }
0x25: {  	s13 =	sor.u32 s14, s13  }
0x26: {  	[tilespmem:s13+$0xA800] =	vst v0  }
0x27: {  	[spmem:s11] =	stream.linear.scatter [tilespmem:s26], [sflag:$0x3], $0x1800, $0x38;
	[tilespmem:$0x1F880] =	vst v63  }
0x28: {  	_ =	swait.ge [sflag:s28], $0x1800  }
0x29: {  	[sflag:s28] =	ssyncset.done $0x0  }
0x2a: {  	s10 =	rddreg [dreg:$0xb];
	[sflag:s28] =	ssyncadd.s32 $0xFFFFE800  }
0x2b: {  	[spmem:s10] =	stream.linear.scatter [tilespmem:s26], [sflag:$0x3], $0x1800, $0x38;
	[tilespmem:$0x1F880] =	vst v63  }
0x2c: {  	_ =	swait.ge [sflag:s28], $0x1800  }
0x2d: {  	[sflag:s28] =	ssyncset.done $0x0  }
0x2e: {  	s13 =	rddreg [dreg:$0xc];
	[sflag:s28] =	ssyncadd.s32 $0xFFFFE800  }
0x2f: {  	[spmem:s13] =	stream.linear.scatter [tilespmem:s26], [sflag:$0x3], $0x1800, $0x38;
	[tilespmem:$0x1F880] =	vst v63  }
0x30: {  	_ =	swait.ge [sflag:s28], $0x1800  }
0x31: {  	[sflag:s28] =	ssyncset.done $0x0  }
0x32: {  	[sflag:s28] =	ssyncadd.s32 $0xFFFFE800  }
0x33: {  	[spmem:s16] =	stream.linear.scatter [tilespmem:s26], [sflag:$0x3], $0x1800, $0x38;
	[tilespmem:$0x1F880] =	vst v63  }
0x34: {  	_ =	swait.ge [sflag:s28], $0x1800  }
0x35: {  	[sflag:s28] =	ssyncset.done $0x0  }
0x36: {  	[sflag:s28] =	ssyncadd.s32 $0xFFFFE800  }
0x37: {  	[spmem:s17] =	stream.linear.scatter [tilespmem:s26], [sflag:$0x3], $0x1800, $0x38;
	[tilespmem:$0x1F880] =	vst v63  }
0x38: {  	_ =	swait.ge [sflag:s28], $0x1800  }
0x39: {  	[sflag:s28] =	ssyncset.done $0x0  }
0x3a: {  	[sflag:s28] =	ssyncadd.s32 $0xFFFFE800  }
0x3b: {  	[spmem:s18] =	stream.linear.scatter [tilespmem:s26], [sflag:$0x3], $0x1800, $0x38;
	[tilespmem:$0x1F880] =	vst v63  }
0x3c: {  	_ =	swait.ge [sflag:s28], $0x1800  }
0x3d: {  	[sflag:s28] =	ssyncset.done $0x0  }
0x3e: {  	[sflag:s28] =	ssyncadd.s32 $0xFFFFE800  }
0x3f: {  	[spmem:s19] =	stream.linear.scatter [tilespmem:s26], [sflag:$0x3], $0x1800, $0x38;
	[tilespmem:$0x1F880] =	vst v63  }
0x40: {  	_ =	swait.ge [sflag:s28], $0x1800  }
0x41: {  	[sflag:s28] =	ssyncset.done $0x0  }
0x42: {  	[sflag:s28] =	ssyncadd.s32 $0xFFFFE800  }
0x43: {  	[spmem:s20] =	stream.linear.scatter [tilespmem:s26], [sflag:$0x3], $0x1800, $0x38;
	[tilespmem:$0x1F880] =	vst v63  }
0x44: {  	_ =	swait.ge [sflag:s28], $0x1800  }
0x45: {  	[sflag:s28] =	ssyncset.done $0x0  }
0x46: {  	[sflag:s28] =	ssyncadd.s32 $0xFFFFE800  }
0x47: {  	[spmem:s21] =	stream.linear.scatter [tilespmem:s26], [sflag:$0x3], $0x1800, $0x38;
	[tilespmem:$0x1F880] =	vst v63  }
0x48: {  	_ =	swait.ge [sflag:s28], $0x1800  }
0x49: {  	[sflag:s28] =	ssyncset.done $0x0  }
0x4a: {  	[sflag:s28] =	ssyncadd.s32 $0xFFFFE800  }
0x4b: {  	[spmem:s22] =	stream.linear.scatter [tilespmem:s26], [sflag:$0x3], $0x1800, $0x38;
	[tilespmem:$0x1F880] =	vst v63  }
0x4c: {  	_ =	swait.ge [sflag:s28], $0x1800  }
0x4d: {  	[sflag:s28] =	ssyncset.done $0x0  }
0x4e: {  	[sflag:s28] =	ssyncadd.s32 $0xFFFFE800  }
0x4f: {  	[spmem:s23] =	stream.linear.scatter [tilespmem:s26], [sflag:$0x3], $0x1800, $0x38;
	[tilespmem:$0x1F880] =	vst v63  }
0x50: {  	_ =	swait.ge [sflag:s28], $0x1800  }
0x51: {  	[sflag:s28] =	ssyncset.done $0x0  }
0x52: {  	[sflag:s28] =	ssyncadd.s32 $0xFFFFE800  }
0x53: {  	[spmem:s24] =	stream.linear.scatter [tilespmem:s26], [sflag:$0x3], $0x1800, $0x38;
	[tilespmem:$0x1F880] =	vst v63  }
0x54: {  	_ =	swait.ge [sflag:s28], $0x1800  }
0x55: {  	[sflag:s28] =	ssyncset.done $0x0  }
0x56: {  	[sflag:s28] =	ssyncadd.s32 $0xFFFFE800  }
0x57: {  	[spmem:s25] =	stream.linear.scatter [tilespmem:s26], [sflag:$0x3], $0x1800, $0x38;
	[tilespmem:$0x1F880] =	vst v63  }
0x58: {  	_ =	swait.ge [sflag:s28], $0x1800  }
0x59: {  	[sflag:s28] =	ssyncset.done $0x0  }
0x5a: {  	s10 =	simm.s32 @!p0 $0xA800;
	[sflag:s28] =	ssyncadd.s32 $0xFFFFE800  }
0x5b: {  	[spmem:s5] =	stream.linear.scatter @!p0 [tilespmem:s10], [sflag:$0x3], $0x800, $0x38;
	[tilespmem:$0x1F880] =	vst v63  }
0x5c: {  	s10 =	simm.s32 @!p0 $0x3  }
0x5d: {  	_ =	swait.ge @!p0 [sflag:s10], $0x800  }
0x5e: {  	[sflag:s10] =	ssyncset.done @!p0 $0x0  }
0x5f: {  	[sflag:s10] =	ssyncadd.s32 @!p0 $0xFFFFF800  }
0x60: {  	[bflag:$0x0] =	sbarrier.arrive $0xFFFF  }
0x61: {  	s14 =	simm.s32 $0x0;
	s12 =	rddreg [dreg:$0x4]  }
0x62: {  	[tilespmem:s14], [sflag:$0x3] =	stream.linear.gather [hbm4b:s12+s14], $0x1400, $0x38;
	[tilespmem:$0x1F880] =	vst v63  }
0x63: {  	_ =	swait.ge [sflag:s28], $0x1400  }
0x64: {  	[sflag:s28] =	ssyncset.done $0x0  }
0x65: {  	s15 =	rddreg [dreg:$0x5];
	[sflag:s28] =	ssyncadd.s32 $0xFFFFEC00  }
0x66: {  	[tilespmem:s29], [sflag:$0x3] =	stream.linear.gather [hbm4b:s15+s14], $0x1400, $0x38;
	[tilespmem:$0x1F880] =	vst v63  }
0x67: {  	_ =	swait.ge [sflag:s28], $0x1400  }
0x68: {  	[sflag:s28] =	ssyncset.done $0x0  }
0x69: {  	[sflag:s28] =	ssyncadd.s32 $0xFFFFEC00  }
0x6a: {  	[tilespmem:s31], [sflag:$0x1] =	stream.indirect.gather [hbm4b:s4+s30], $0x80, s14, s30, $0xb8;
	[tilespmem:$0x1F880] =	vst v63  }
0x6b: {  	s12 =	simm.s32 $0x80  }
0x6c: {  	[tilespmem:s0], [sflag:$0x2] =	stream.indirect.gather [hbm4b:s4+s30], $0x80, s12, s30, $0xb8;
	[tilespmem:$0x1F880] =	vst v63  }
0x6d: {  	_ =	swait.ge [sflag:s1], $0x3E80  }
0x6e: {  	[sflag:s1] =	ssyncset.done $0x0  }
0x6f: {  	s13 =	simm.s32 $0x1400;
	[sflag:s1] =	ssyncadd.s32 $0xFFFFC180  }
0x70: {  	[spmem:s2] =	stream.indirect.scatter.add.f32 [tilespmem:s31], [sflag:$0x3], $0x80, s13, s30, $0xb8;
	[tilespmem:$0x1F880] =	vst v63  }
0x71: {  	_ =	swait.ge [sflag:s28], $0x3E80  }
0x72: {  	[sflag:s28] =	ssyncset.done $0x0  }
0x73: {  	s14 =	simm.s32 $0x100;
	[sflag:s28] =	ssyncadd.s32 $0xFFFFC180  }
0x74: {  	[tilespmem:s31], [sflag:$0x1] =	stream.indirect.gather [hbm4b:s4+s30], $0x80, s14, s30, $0xb8;
	[tilespmem:$0x1F880] =	vst v63  }
0x75: {  	_ =	swait.ge [sflag:s3], $0x3E80  }
0x76: {  	[sflag:s3] =	ssyncset.done $0x0  }
0x77: {  	s15 =	simm.s32 $0x1480;
	[sflag:s3] =	ssyncadd.s32 $0xFFFFC180  }
0x78: {  	[spmem:s2] =	stream.indirect.scatter.add.f32 [tilespmem:s0], [sflag:$0x3], $0x80, s15, s30, $0xb8;
	[tilespmem:$0x1F880] =	vst v63  }
0x79: {  	_ =	swait.ge [sflag:s28], $0x3E80  }
0x7a: {  	s10 =	simm.s32 $0x100;
	s12 =	simm.s32 $0x800;
	[sflag:s28] =	ssyncset.done $0x0  }
.LBB2_4:
0x7b: {  	s13 =	sadd.s32 $0x80, s10  }
0x7c: {  	[sflag:s28] =	ssyncadd.s32 $0xFFFFC180;
	s14 =	smov.u32 s12;
	s15 =	sadd.s32 $0x400, s12  }
0x7d: {  	[tilespmem:s0], [sflag:$0x2] =	stream.indirect.gather [hbm4b:s4+s30], $0x80, s13, s30, $0xb8;
	[tilespmem:$0x1F880] =	vst v63  }
0x7e: {  	p1 =	sne.s32 s12, $0x4800;
	_ =	swait.ge [sflag:s1], $0x3E80  }
0x7f: {  	[sflag:s1] =	ssyncset.done $0x0  }
0x80: {  	s12 =	sadd.s32 $0x1400, s10;
	[sflag:s1] =	ssyncadd.s32 $0xFFFFC180  }
0x81: {  	[spmem:s2] =	stream.indirect.scatter.add.f32 [tilespmem:s31], [sflag:$0x3], $0x80, s12, s30, $0xb8;
	[tilespmem:$0x1F880] =	vst v63  }
0x82: {  	_ =	swait.ge [sflag:s28], $0x3E80  }
0x83: {  	[sflag:s28] =	ssyncset.done $0x0  }
0x84: {  	s12 =	sadd.s32 $0x100, s10;
	[sflag:s28] =	ssyncadd.s32 $0xFFFFC180  }
0x85: {  	[tilespmem:s31], [sflag:$0x1] =	stream.indirect.gather [hbm4b:s4+s30], $0x80, s12, s30, $0xb8;
	[tilespmem:$0x1F880] =	vst v63  }
0x86: {  	_ =	swait.ge [sflag:s3], $0x3E80  }
.Ltmp1:
0x87: {  	[sflag:s3] =	ssyncset.done $0x0;
	(pc) =	sbr.rel @p1 .LBB2_4-.Ltmp1, $4  }
0x88: {  	s10 =	sadd.s32 $0x1480, s10;
	[sflag:s3] =	ssyncadd.s32 $0xFFFFC180  }
0x89: {  	[spmem:s2] =	stream.indirect.scatter.add.f32 [tilespmem:s0], [sflag:$0x3], $0x80, s10, s30, $0xb8;
	[tilespmem:$0x1F880] =	vst v63  }
0x8a: {  	_ =	swait.ge [sflag:s28], $0x3E80  }
0x8b: {  	s12 =	smov.u32 s15;
	s10 =	sshra.s32 s14, $0x2;
	[sflag:s28] =	ssyncset.done $0x0  }
0x8c: {  	s12 =	sadd.s32 $0x80, s10;
	[sflag:s28] =	ssyncadd.s32 $0xFFFFC180  }
0x8d: {  	[tilespmem:s0], [sflag:$0x2] =	stream.indirect.gather [hbm4b:s4+s30], $0x80, s12, s30, $0xb8;
	[tilespmem:$0x1F880] =	vst v63  }
0x8e: {  	_ =	swait.ge [sflag:s1], $0x3E80  }
0x8f: {  	[sflag:s1] =	ssyncset.done $0x0  }
0x90: {  	s14 =	sadd.s32 $0x1400, s10;
	[sflag:s1] =	ssyncadd.s32 $0xFFFFC180  }
0x91: {  	[spmem:s2] =	stream.indirect.scatter.add.f32 [tilespmem:s31], [sflag:$0x3], $0x80, s14, s30, $0xb8;
	[tilespmem:$0x1F880] =	vst v63  }
0x92: {  	_ =	swait.ge [sflag:s28], $0x3E80  }
0x93: {  	[sflag:s28] =	ssyncset.done $0x0  }
0x94: {  	s15 =	sadd.s32 $0x100, s10;
	[sflag:s28] =	ssyncadd.s32 $0xFFFFC180  }
0x95: {  	[tilespmem:s31], [sflag:$0x1] =	stream.indirect.gather [hbm4b:s4+s30], $0x80, s15, s30, $0xb8;
	[tilespmem:$0x1F880] =	vst v63  }
0x96: {  	_ =	swait.ge [sflag:s3], $0x3E80  }
0x97: {  	[sflag:s3] =	ssyncset.done $0x0  }
0x98: {  	s12 =	sadd.s32 $0x1480, s10;
	[sflag:s3] =	ssyncadd.s32 $0xFFFFC180  }
0x99: {  	[spmem:s2] =	stream.indirect.scatter.add.f32 [tilespmem:s0], [sflag:$0x3], $0x80, s12, s30, $0xb8;
	[tilespmem:$0x1F880] =	vst v63  }
0x9a: {  	_ =	swait.ge [sflag:s28], $0x3E80  }
0x9b: {  	[sflag:s28] =	ssyncset.done $0x0  }
0x9c: {  	[sflag:s28] =	ssyncadd.s32 $0xFFFFC180  }
0x9d: {  	[tilespmem:s0], [sflag:$0x2] =	stream.indirect.gather [hbm4b:s4+s30], $0x80, s6, s30, $0xb8;
	[tilespmem:$0x1F880] =	vst v63  }
0x9e: {  	_ =	swait.ge [sflag:s1], $0x3E80  }
0x9f: {  	[sflag:s1] =	ssyncset.done $0x0  }
0xa0: {  	[sflag:s1] =	ssyncadd.s32 $0xFFFFC180  }
0xa1: {  	[spmem:s2] =	stream.indirect.scatter.add.f32 [tilespmem:s31], [sflag:$0x3], $0x80, s7, s30, $0xb8;
	[tilespmem:$0x1F880] =	vst v63  }
0xa2: {  	_ =	swait.ge [sflag:s28], $0x3E80  }
0xa3: {  	[sflag:s28] =	ssyncset.done $0x0  }
0xa4: {  	[sflag:s28] =	ssyncadd.s32 $0xFFFFC180  }
0xa5: {  	_ =	swait.ge [sflag:s3], $0x3E80  }
0xa6: {  	[sflag:s3] =	ssyncset.done $0x0  }
0xa7: {  	[sflag:s3] =	ssyncadd.s32 $0xFFFFC180  }
0xa8: {  	[spmem:s2] =	stream.indirect.scatter.add.f32 [tilespmem:s0], [sflag:$0x3], $0x80, s8, s30, $0xb8;
	[tilespmem:$0x1F880] =	vst v63  }
0xa9: {  	_ =	swait.ge [sflag:s28], $0x3E80  }
0xaa: {  	[sflag:s28] =	ssyncset.done $0x0  }
0xab: {  	s13 =	simm.s32 $0x0;
	s14 =	rddreg [dreg:$0x6];
	[sflag:s28] =	ssyncadd.s32 $0xFFFFC180  }
0xac: {  	[tilespmem:s13], [sflag:$0x3] =	stream.linear.gather [hbm4b:s14+s13], $0x1400, $0x38;
	[tilespmem:$0x1F880] =	vst v63  }
0xad: {  	_ =	swait.ge [sflag:s28], $0x1400  }
0xae: {  	[sflag:s28] =	ssyncset.done $0x0  }
0xaf: {  	s15 =	rddreg [dreg:$0x7];
	[sflag:s28] =	ssyncadd.s32 $0xFFFFEC00  }
0xb0: {  	[tilespmem:s29], [sflag:$0x3] =	stream.linear.gather [hbm4b:s15+s13], $0x1400, $0x38;
	[tilespmem:$0x1F880] =	vst v63  }
0xb1: {  	_ =	swait.ge [sflag:s28], $0x1400  }
0xb2: {  	[sflag:s28] =	ssyncset.done $0x0  }
0xb3: {  	[sflag:s28] =	ssyncadd.s32 $0xFFFFEC00  }
0xb4: {  	[tilespmem:s31], [sflag:$0x1] =	stream.indirect.gather [hbm4b:s4+s30], $0x80, s13, s30, $0xb8;
	[tilespmem:$0x1F880] =	vst v63  }
0xb5: {  	s12 =	simm.s32 $0x80  }
0xb6: {  	[tilespmem:s0], [sflag:$0x2] =	stream.indirect.gather [hbm4b:s4+s30], $0x80, s12, s30, $0xb8;
	[tilespmem:$0x1F880] =	vst v63  }
0xb7: {  	_ =	swait.ge [sflag:s1], $0x3E80  }
0xb8: {  	[sflag:s1] =	ssyncset.done $0x0  }
0xb9: {  	s13 =	simm.s32 $0x1400;
	[sflag:s1] =	ssyncadd.s32 $0xFFFFC180  }
0xba: {  	[spmem:s2] =	stream.indirect.scatter.add.f32 [tilespmem:s31], [sflag:$0x3], $0x80, s13, s30, $0xb8;
	[tilespmem:$0x1F880] =	vst v63  }
0xbb: {  	_ =	swait.ge [sflag:s28], $0x3E80  }
0xbc: {  	[sflag:s28] =	ssyncset.done $0x0  }
0xbd: {  	s14 =	simm.s32 $0x100;
	[sflag:s28] =	ssyncadd.s32 $0xFFFFC180  }
0xbe: {  	[tilespmem:s31], [sflag:$0x1] =	stream.indirect.gather [hbm4b:s4+s30], $0x80, s14, s30, $0xb8;
	[tilespmem:$0x1F880] =	vst v63  }
0xbf: {  	_ =	swait.ge [sflag:s3], $0x3E80  }
0xc0: {  	[sflag:s3] =	ssyncset.done $0x0  }
0xc1: {  	s15 =	simm.s32 $0x1480;
	[sflag:s3] =	ssyncadd.s32 $0xFFFFC180  }
0xc2: {  	[spmem:s2] =	stream.indirect.scatter.add.f32 [tilespmem:s0], [sflag:$0x3], $0x80, s15, s30, $0xb8;
	[tilespmem:$0x1F880] =	vst v63  }
0xc3: {  	_ =	swait.ge [sflag:s28], $0x3E80  }
0xc4: {  	s10 =	simm.s32 $0x100;
	s12 =	simm.s32 $0x800;
	[sflag:s28] =	ssyncset.done $0x0  }
.LBB2_6:
0xc5: {  	s13 =	sadd.s32 $0x80, s10  }
0xc6: {  	[sflag:s28] =	ssyncadd.s32 $0xFFFFC180;
	s14 =	smov.u32 s12;
	s15 =	sadd.s32 $0x400, s12  }
0xc7: {  	[tilespmem:s0], [sflag:$0x2] =	stream.indirect.gather [hbm4b:s4+s30], $0x80, s13, s30, $0xb8;
	[tilespmem:$0x1F880] =	vst v63  }
0xc8: {  	p1 =	sne.s32 s12, $0x4800;
	_ =	swait.ge [sflag:s1], $0x3E80  }
0xc9: {  	[sflag:s1] =	ssyncset.done $0x0  }
0xca: {  	s12 =	sadd.s32 $0x1400, s10;
	[sflag:s1] =	ssyncadd.s32 $0xFFFFC180  }
0xcb: {  	[spmem:s2] =	stream.indirect.scatter.add.f32 [tilespmem:s31], [sflag:$0x3], $0x80, s12, s30, $0xb8;
	[tilespmem:$0x1F880] =	vst v63  }
0xcc: {  	_ =	swait.ge [sflag:s28], $0x3E80  }
0xcd: {  	[sflag:s28] =	ssyncset.done $0x0  }
0xce: {  	s12 =	sadd.s32 $0x100, s10;
	[sflag:s28] =	ssyncadd.s32 $0xFFFFC180  }
0xcf: {  	[tilespmem:s31], [sflag:$0x1] =	stream.indirect.gather [hbm4b:s4+s30], $0x80, s12, s30, $0xb8;
	[tilespmem:$0x1F880] =	vst v63  }
0xd0: {  	_ =	swait.ge [sflag:s3], $0x3E80  }
.Ltmp2:
0xd1: {  	[sflag:s3] =	ssyncset.done $0x0;
	(pc) =	sbr.rel @p1 .LBB2_6-.Ltmp2, $4  }
0xd2: {  	s10 =	sadd.s32 $0x1480, s10;
	[sflag:s3] =	ssyncadd.s32 $0xFFFFC180  }
0xd3: {  	[spmem:s2] =	stream.indirect.scatter.add.f32 [tilespmem:s0], [sflag:$0x3], $0x80, s10, s30, $0xb8;
	[tilespmem:$0x1F880] =	vst v63  }
0xd4: {  	_ =	swait.ge [sflag:s28], $0x3E80  }
0xd5: {  	s12 =	smov.u32 s15;
	s10 =	sshra.s32 s14, $0x2;
	[sflag:s28] =	ssyncset.done $0x0  }
0xd6: {  	s12 =	sadd.s32 $0x80, s10;
	[sflag:s28] =	ssyncadd.s32 $0xFFFFC180  }
0xd7: {  	[tilespmem:s0], [sflag:$0x2] =	stream.indirect.gather [hbm4b:s4+s30], $0x80, s12, s30, $0xb8;
	[tilespmem:$0x1F880] =	vst v63  }
0xd8: {  	_ =	swait.ge [sflag:s1], $0x3E80  }
0xd9: {  	[sflag:s1] =	ssyncset.done $0x0  }
0xda: {  	s14 =	sadd.s32 $0x1400, s10;
	[sflag:s1] =	ssyncadd.s32 $0xFFFFC180  }
0xdb: {  	[spmem:s2] =	stream.indirect.scatter.add.f32 [tilespmem:s31], [sflag:$0x3], $0x80, s14, s30, $0xb8;
	[tilespmem:$0x1F880] =	vst v63  }
0xdc: {  	_ =	swait.ge [sflag:s28], $0x3E80  }
0xdd: {  	[sflag:s28] =	ssyncset.done $0x0  }
0xde: {  	s15 =	sadd.s32 $0x100, s10;
	[sflag:s28] =	ssyncadd.s32 $0xFFFFC180  }
0xdf: {  	[tilespmem:s31], [sflag:$0x1] =	stream.indirect.gather [hbm4b:s4+s30], $0x80, s15, s30, $0xb8;
	[tilespmem:$0x1F880] =	vst v63  }
0xe0: {  	_ =	swait.ge [sflag:s3], $0x3E80  }
0xe1: {  	[sflag:s3] =	ssyncset.done $0x0  }
0xe2: {  	s12 =	sadd.s32 $0x1480, s10;
	[sflag:s3] =	ssyncadd.s32 $0xFFFFC180  }
0xe3: {  	[spmem:s2] =	stream.indirect.scatter.add.f32 [tilespmem:s0], [sflag:$0x3], $0x80, s12, s30, $0xb8;
	[tilespmem:$0x1F880] =	vst v63  }
0xe4: {  	_ =	swait.ge [sflag:s28], $0x3E80  }
0xe5: {  	[sflag:s28] =	ssyncset.done $0x0  }
0xe6: {  	[sflag:s28] =	ssyncadd.s32 $0xFFFFC180  }
0xe7: {  	[tilespmem:s0], [sflag:$0x2] =	stream.indirect.gather [hbm4b:s4+s30], $0x80, s6, s30, $0xb8;
	[tilespmem:$0x1F880] =	vst v63  }
0xe8: {  	_ =	swait.ge [sflag:s1], $0x3E80  }
0xe9: {  	[sflag:s1] =	ssyncset.done $0x0  }
0xea: {  	[sflag:s1] =	ssyncadd.s32 $0xFFFFC180  }
0xeb: {  	[spmem:s2] =	stream.indirect.scatter.add.f32 [tilespmem:s31], [sflag:$0x3], $0x80, s7, s30, $0xb8;
	[tilespmem:$0x1F880] =	vst v63  }
0xec: {  	_ =	swait.ge [sflag:s28], $0x3E80  }
0xed: {  	[sflag:s28] =	ssyncset.done $0x0  }
0xee: {  	[sflag:s28] =	ssyncadd.s32 $0xFFFFC180  }
0xef: {  	_ =	swait.ge [sflag:s3], $0x3E80  }
0xf0: {  	[sflag:s3] =	ssyncset.done $0x0  }
0xf1: {  	[sflag:s3] =	ssyncadd.s32 $0xFFFFC180  }
0xf2: {  	[spmem:s2] =	stream.indirect.scatter.add.f32 [tilespmem:s0], [sflag:$0x3], $0x80, s8, s30, $0xb8;
	[tilespmem:$0x1F880] =	vst v63  }
0xf3: {  	_ =	swait.ge [sflag:s28], $0x3E80  }
0xf4: {  	[sflag:s28] =	ssyncset.done $0x0  }
0xf5: {  	s13 =	stileid.u32;
	[sflag:s28] =	ssyncadd.s32 $0xFFFFC180  }
0xf6: {  	s10 =	sshll.u32 s13, $0x6;
	[bflag:$0x0] =	sbarrier.arrive $0xFFFF  }
0xf7: {  	s10 =	sor.u32 $0x1C03, s10;
	s14 =	sshrl.u32 s11, $0x3;
	s13 =	rddreg [dreg:$0x8]  }
0xf8: {  	[hbm:s13], [sflag:s10] =	dma.local [spmem:s14], $0x2700  }
0xf9: {  	_ =	swait.ge [sflag:s28], $0x2700  }
0xfa: {  	[sflag:s28] =	ssyncset.done $0x0  }
0xfb: {  	s12 =	sshrl.u32 @!p0 s5, $0x3;
	s13 =	rddreg [dreg:$0x9];
	[sflag:s28] =	ssyncadd.s32 $0xFFFFD900  }
0xfc: {  	[hbm:s13], [sflag:s10] =	dma.local @!p0 [spmem:s12], $0x100  }
0xfd: {  	s10 =	simm.s32 @!p0 $0x3  }
0xfe: {  	_ =	swait.ge @!p0 [sflag:s10], $0x100  }
0xff: {  	s9 =	sadd.s32 $0x1, s9;
	s15 =	rddreg [dreg:$0xa]  }
0x100: {  	p1 =	sne.s32 s9, s15  }
.Ltmp3:
0x101: {  	_ = 	snop;
	(pc) =	sbr.rel @p1 .LBB2_1-.Ltmp3, $3  }
0x102: {  	_ =	sdelay $0x1  }
0x103: {  	[sflag:s10] =	ssyncset.done @!p0 $0x0  }
0x104: {  	[sflag:s10] =	ssyncadd.s32 @!p0 $0xFFFFFF00  }
0x105: {  	_ =	sfence.sel $0x180000  }
0x106: {  	[bflag:$0x0] =	sbarrier.arrive $0xFFFF  }
0x107: {  	_ =	strace $0x90000050  }
0x108: {  	s0 =	stileid.u32;
	[bflag:$0x2] =	sbarrier.arrive $0xFFFF  }
0x109: {  	p0 =	sne.s32 s0, $0x0;
	s0 =	rddreg [dreg:$0x3]  }
0x10a: {  	s0 =	sadd.s32 @!p0 $0x100000, s0  }
0x10b: {  	[sflag:s0] =	ssyncadd.tile.s32 @!p0 $0x1;
	_ =	shalt  }
.Lfunc_end2:
_tile_overlayer_lowered:
.L_overlay_start_2:
0x10c: {  	(tag) =	ssettag $0x2  }
0x10d: {  	s0 =	rddreg [dreg:$0x0];
	s2 =	stileid.u32  }
0x10e: {  	s1 =	rddreg [dreg:$0x1];
	p0 =	sne.s32 s2, $0x0  }
0x10f: {  	s3 =	rddreg [dreg:$0x2];
	[bflag:$0x3] =	sbarrier.arrive $0xFFFF;
	s2 =	simm.s32 @!p0 $0x1C03  }
0x110: {  	[timem:s3], [sflag:s2] =	dma.local @!p0 [hbm:s0], s1  }
0x111: {  	s0 =	simm.s32 @!p0 $0x3  }
0x112: {  	_ =	swait.ge @!p0 [sflag:s0], s1  }
0x113: {  	s1 =	ssub.s32 @!p0 $0x0, s1;
	[sflag:s0] =	ssyncset.done @!p0 $0x0  }
0x114: {  	[sflag:s0] =	ssyncadd.s32 @!p0 s1  }
0x115: {  	[bflag:$0x3] =	sbarrier.arrive $0xFFFF  }
0x116: {  	_ =	shalt  }

</sc_bundles>
